<compile_context>
chip_gen: v7x
topology: tpu7x:2x2x1
jax: 0.10.2.dev20260603
libtpu: 0.0.44.dev20260713+nightly
codegen_flags: <defaults>
</compile_context>

<pallas_src>
import functools

import jax
import jax.numpy as jnp
from jax import lax
from jax.experimental import pallas as pl
from jax.experimental.pallas import tpu as pltpu
from jax.experimental.pallas import tpu_sc as plsc

N_NODES = 10000
D = 128
DH = D // 2
NC, NS = 2, 16
NW = NC * NS
CHUNK = 128
NCHUNK_DEG = 80
NCHUNK_SC = 160
E_PAD = NW * NCHUNK_DEG * CHUNK
EROWS = E_PAD // CHUNK
ROWS_PAD = 10112
SR = ROWS_PAD // NS

_mesh = plsc.VectorSubcoreMesh(
    core_axis_name="c", subcore_axis_name="s", num_cores=NC, num_subcores=NS
)


@functools.partial(
    pl.kernel,
    out_type=jax.ShapeDtypeStruct((NC, ROWS_PAD, 16), jnp.float32),
    mesh=_mesh,
    scratch_types=[
        pltpu.VMEM((NCHUNK_DEG, CHUNK), jnp.int32),
        pltpu.VMEM((CHUNK, 16), jnp.float32),
        pltpu.SemaphoreType.DMA,
        pltpu.VMEM_SHARED((ROWS_PAD, 16), jnp.float32),
    ],
    compiler_params=pltpu.CompilerParams(use_tc_tiling_on_sc=False),
)
def _sc_degree(dst_hbm, ones_hbm, zeros_hbm, cnt_hbm, dst_v, ones_v, dsem, deg_sh):
    cid = lax.axis_index("c")
    sid = lax.axis_index("s")
    wid = sid * NC + cid
    pltpu.sync_copy(zeros_hbm.at[pl.ds(sid * SR, SR)], deg_sh.at[pl.ds(sid * SR, SR)])
    pltpu.sync_copy(dst_hbm.at[pl.ds(wid * NCHUNK_DEG, NCHUNK_DEG)], dst_v)
    pltpu.sync_copy(ones_hbm, ones_v)
    plsc.subcore_barrier()

    def body(k, carry):
        for b in range(8):
            pltpu.async_copy(ones_v, deg_sh.at[dst_v.at[8 * k + b]], dsem, add=True)
        for b in range(8):
            pltpu.make_async_copy(ones_v, deg_sh.at[dst_v.at[8 * k + b]], dsem).wait()
        return carry

    lax.fori_loop(0, NCHUNK_DEG // 8, body, 0)
    plsc.subcore_barrier()
    pltpu.sync_copy(
        deg_sh.at[pl.ds(sid * SR, SR)], cnt_hbm.at[cid, pl.ds(sid * SR, SR)]
    )


NBUF = 4
LA = 2
NG = NCHUNK_SC // NBUF


@functools.partial(
    pl.kernel,
    out_type=jax.ShapeDtypeStruct((NC, ROWS_PAD, DH), jnp.float32),
    mesh=_mesh,
    scratch_types=[
        pltpu.VMEM((NBUF, CHUNK), jnp.int32),
        pltpu.VMEM((NBUF, CHUNK), jnp.int32),
        *[pltpu.VMEM((CHUNK, DH), jnp.float32) for _ in range(NBUF)],
        pltpu.SemaphoreType.DMA((NBUF,)),
        pltpu.SemaphoreType.DMA((NBUF,)),
        pltpu.SemaphoreType.DMA((NBUF,)),
        pltpu.VMEM_SHARED((ROWS_PAD, DH), jnp.float32),
        pltpu.VMEM_SHARED((ROWS_PAD, DH), jnp.float32),
    ],
    compiler_params=pltpu.CompilerParams(use_tc_tiling_on_sc=False),
)
def _sc_scatter(g_hbm, src_hbm, dst_hbm, zeros_hbm, out_hbm,
                srcx, dstx, *rest):
    bufs = rest[:NBUF]
    sem_si, sem_di, sem_s, g_sh, acc_sh = rest[NBUF:]
    cid = lax.axis_index("c")
    sid = lax.axis_index("s")
    base = sid * NCHUNK_SC
    pltpu.sync_copy(zeros_hbm.at[pl.ds(sid * SR, SR)], acc_sh.at[pl.ds(sid * SR, SR)])
    pltpu.sync_copy(g_hbm.at[cid, pl.ds(sid * SR, SR)], g_sh.at[pl.ds(sid * SR, SR)])

    def start_idx(c, slot):
        pltpu.async_copy(src_hbm.at[pl.ds(base + c, 1)],
                         srcx.at[pl.ds(slot, 1)], sem_si.at[slot])
        pltpu.async_copy(dst_hbm.at[pl.ds(base + c, 1)],
                         dstx.at[pl.ds(slot, 1)], sem_di.at[slot])

    def wait_idx(c, slot):
        pltpu.make_async_copy(src_hbm.at[pl.ds(base + c, 1)],
                              srcx.at[pl.ds(slot, 1)], sem_si.at[slot]).wait()
        pltpu.make_async_copy(dst_hbm.at[pl.ds(base + c, 1)],
                              dstx.at[pl.ds(slot, 1)], sem_di.at[slot]).wait()

    def gather(slot):
        pltpu.sync_copy(g_sh.at[srcx.at[slot]], bufs[slot])

    def start_scatter(slot):
        pltpu.async_copy(bufs[slot], acc_sh.at[dstx.at[slot]],
                         sem_s.at[slot], add=True)

    def wait_scatter(slot):
        pltpu.make_async_copy(bufs[slot], acc_sh.at[dstx.at[slot]],
                              sem_s.at[slot]).wait()

    plsc.subcore_barrier()
    start_idx(0, 0)
    start_idx(1, 1)
    for b in range(NBUF):
        wait_idx(b, b)
        gather(b)
        start_scatter(b)
        b2 = (b + LA) % NBUF
        if b >= LA:
            wait_scatter(b2)
        start_idx(b + LA, b2)

    def group(k, carry):
        j0 = NBUF * k
        for b in range(NBUF):
            j = j0 + b
            wait_idx(j, b)
            gather(b)
            start_scatter(b)
            b2 = (b + LA) % NBUF
            wait_scatter(b2)
            start_idx(j + LA, b2)
        return carry

    lax.fori_loop(1, NG - 1, group, 0)

    j0 = NBUF * (NG - 1)
    for b in range(NBUF):
        j = j0 + b
        wait_idx(j, b)
        gather(b)
        start_scatter(b)
        b2 = (b + LA) % NBUF
        wait_scatter(b2)
        if b < LA:
            start_idx(j + LA, b2)
    for b in range(LA):
        wait_scatter(LA + b)
    plsc.subcore_barrier()
    pltpu.sync_copy(
        acc_sh.at[pl.ds(sid * SR, SR)], out_hbm.at[cid, pl.ds(sid * SR, SR)]
    )


BR = 1000


def _tc_transform_body(x_ref, w_ref, c0_ref, c1_ref, g_ref, dinv_ref):
    dinv16 = lax.rsqrt(1.0 + c0_ref[...] + c1_ref[...])
    h = jnp.dot(x_ref[...], w_ref[0], preferred_element_type=jnp.float32)
    g_ref[0] = h * dinv16[:, 0:1]
    dinv_ref[...] = dinv16


_tc_transform = pl.pallas_call(
    _tc_transform_body,
    grid=(NC, N_NODES // BR),
    in_specs=[
        pl.BlockSpec((BR, D), lambda c, i: (i, 0)),
        pl.BlockSpec((1, D, DH), lambda c, i: (c, 0, 0)),
        pl.BlockSpec((BR, 16), lambda c, i: (i, 0)),
        pl.BlockSpec((BR, 16), lambda c, i: (i, 0)),
    ],
    out_specs=[
        pl.BlockSpec((1, BR, DH), lambda c, i: (c, i, 0)),
        pl.BlockSpec((BR, 16), lambda c, i: (i, 0)),
    ],
    out_shape=[
        jax.ShapeDtypeStruct((NC, ROWS_PAD, DH), jnp.float32),
        jax.ShapeDtypeStruct((N_NODES, 16), jnp.float32),
    ],
)


def _tc_final_body(a0_ref, a1_ref, g0_ref, g1_ref, dinv_ref, b_ref, out_ref):
    dinv = dinv_ref[:, 0:1]
    left = dinv * (a0_ref[0] + g0_ref[0])
    right = dinv * (a1_ref[0] + g1_ref[0])
    out_ref[...] = jnp.concatenate([left, right], axis=1) + b_ref[...]


_tc_final = pl.pallas_call(
    _tc_final_body,
    grid=(N_NODES // BR,),
    in_specs=[
        pl.BlockSpec((1, BR, DH), lambda i: (0, i, 0)),
        pl.BlockSpec((1, BR, DH), lambda i: (1, i, 0)),
        pl.BlockSpec((1, BR, DH), lambda i: (0, i, 0)),
        pl.BlockSpec((1, BR, DH), lambda i: (1, i, 0)),
        pl.BlockSpec((BR, 16), lambda i: (i, 0)),
        pl.BlockSpec((1, D), lambda i: (0, 0)),
    ],
    out_specs=pl.BlockSpec((BR, D), lambda i: (i, 0)),
    out_shape=jax.ShapeDtypeStruct((N_NODES, D), jnp.float32),
)


def kernel(x, edge_index, node_type, edge_type, W, b):
    del node_type, edge_type
    ei = edge_index.astype(jnp.int32)
    pad = E_PAD - ei.shape[1]
    src = jnp.concatenate([ei[0], jnp.zeros((pad,), jnp.int32)])
    dst = jnp.concatenate([ei[1], jnp.full((pad,), N_NODES, jnp.int32)])
    src2d = src.reshape(EROWS, CHUNK)
    dst2d = dst.reshape(EROWS, CHUNK)
    ones16 = jnp.ones((CHUNK, 16), jnp.float32)
    zeros16 = jnp.zeros((ROWS_PAD, 16), jnp.float32)
    zeros64 = jnp.zeros((ROWS_PAD, DH), jnp.float32)

    Ws = jnp.stack([W[:, :DH], W[:, DH:]])
    cnt = _sc_degree(dst2d, ones16, zeros16)
    g, dinv16 = _tc_transform(x, Ws, cnt[0], cnt[1])
    acc = _sc_scatter(g, src2d, dst2d, zeros64)
    out = _tc_final(acc, acc, g, g, dinv16, b.reshape(1, D))
    return out

# --- scband reference (transcript-rebuilt; emitter-appended) ---
"""Pipeline reference for scband-general-conv-64561948393804 (READ-ONLY COPY).

The authoritative reference and input builder live on the scoring server;
editing this copy changes nothing except your own understanding.
"""

import jax, jax.numpy as jnp
import numpy as np

N_NODES = 10000
N_EDGES = 320000
D_IN = 128
D_OUT = 128


def setup_inputs(seed: int = 0) -> dict:
    key = jax.random.key(seed)
    k_x, k_ei, k_nt, k_et, k_w, k_b = jax.random.split(key, 6)
    x = jax.random.normal(k_x, (N_NODES, D_IN), dtype=jnp.float32)
    edge_index = jax.random.randint(k_ei, (2, N_EDGES), 0, N_NODES, dtype=jnp.int64)
    node_type = jax.random.randint(k_nt, (N_NODES,), 0, 4, dtype=jnp.int64)
    edge_type = jax.random.randint(k_et, (N_EDGES,), 0, 4, dtype=jnp.int64)
    # GCNConv linear weight (glorot-like) and zero bias
    limit = float(np.sqrt(6.0 / (D_IN + D_OUT)))
    W = jax.random.uniform(k_w, (D_IN, D_OUT), dtype=jnp.float32, minval=-limit, maxval=limit)
    b = jnp.zeros((D_OUT,), dtype=jnp.float32)
    return {"x": x, "edge_index": edge_index, "node_type": node_type, "edge_type": edge_type, "W": W, "b": b}


def reference(x, edge_index, node_type, edge_type, W, b):
    # GeneralConv with conv_name='gcn' -> GCNConv(in_hid, out_hid)
    # node_type / edge_type are ignored for the 'gcn' branch.
    N = x.shape[0]
    # linear transform first (PyG GCNConv: x = self.lin(x))
    h = x @ W
    # add self loops
    loop = jnp.arange(N, dtype=edge_index.dtype)
    src = jnp.concatenate([edge_index[0], loop])
    dst = jnp.concatenate([edge_index[1], loop])
    # symmetric normalization: deg computed on destination with unit edge weights
    deg = jnp.zeros((N,), dtype=h.dtype).at[dst].add(1.0)
    deg_inv_sqrt = jnp.where(deg > 0, 1.0 / jnp.sqrt(deg), 0.0)
    norm = deg_inv_sqrt[src] * deg_inv_sqrt[dst]
    # gather messages from source nodes, scale, scatter-add into destinations
    msg = h[src] * norm[:, None]
    out = jnp.zeros((N, h.shape[1]), dtype=h.dtype).at[dst].add(msg)
    out = out + b
    return out

if __name__ == "__main__":
    import jax
    _d = setup_inputs()
    print(jax.jit(kernel)(*tuple(_d.values())))

</pallas_src>

<mosaic_0001>
#map = affine_map<(d0, d1) -> (0, 0, 0)>
#map1 = affine_map<(d0, d1) -> (0, 0)>
module attributes {stable_mosaic.version = 14 : i64} {
  func.func @_sc_scatter(%arg0: i32, %arg1: i32, %arg2: memref<2x10112x64xf32, #tpu.memory_space<hbm>>, %arg3: memref<2560x128xi32, #tpu.memory_space<hbm>>, %arg4: memref<2560x128xi32, #tpu.memory_space<hbm>>, %arg5: memref<10112x64xf32, #tpu.memory_space<hbm>>, %arg6: memref<2x10112x64xf32, #tpu.memory_space<hbm>>, %arg7: memref<4x128xi32, #tpu.memory_space<vmem>>, %arg8: memref<4x128xi32, #tpu.memory_space<vmem>>, %arg9: memref<128x64xf32, #tpu.memory_space<vmem>>, %arg10: memref<128x64xf32, #tpu.memory_space<vmem>>, %arg11: memref<128x64xf32, #tpu.memory_space<vmem>>, %arg12: memref<128x64xf32, #tpu.memory_space<vmem>>, %arg13: memref<4x!tpu.dma_semaphore, #tpu.memory_space<semaphore_mem>>, %arg14: memref<4x!tpu.dma_semaphore, #tpu.memory_space<semaphore_mem>>, %arg15: memref<4x!tpu.dma_semaphore, #tpu.memory_space<semaphore_mem>>, %arg16: memref<10112x64xf32, #tpu.memory_space<vmem_shared>>, %arg17: memref<10112x64xf32, #tpu.memory_space<vmem_shared>>) attributes {dimension_semantics = [#tpu.dimension_semantics<core_parallel>, #tpu.dimension_semantics<subcore_parallel>], iteration_bounds = array<i64: 2, 16>, scalar_prefetch = 0 : i64, scratch_operands = 11 : i64, tpu.core_type = #tpu.core_type<sc_vector_subcore>, window_params = [{transform_indices = #map}, {transform_indices = #map1}, {transform_indices = #map1}, {transform_indices = #map1}, {transform_indices = #map}]} {
    %mul3A = arith.constant 160 : i32
    %mul3A_0 = arith.muli %arg1, %mul3A : i32
    %mul3A_1 = arith.constant 632 : i32
    %mul3A_2 = arith.muli %arg1, %mul3A_1 : i32
    %mul3A_3 = arith.constant 632 : i32
    %mul3A_4 = arith.muli %arg1, %mul3A_3 : i32
    "tpu.region"() ({
      %run_scoped3A_663 = tpu.sem_alloc : memref<!tpu.dma_semaphore, #tpu.memory_space<semaphore_mem>>
      %dma_start3A_664 = arith.constant 0 : i32
      %dma_start3A_665 = tpu.memref_slice %arg17[%mul3A_4, %dma_start3A_664] : memref<10112x64xf32, #tpu.memory_space<vmem_shared>> -> memref<632x64xf32, #tpu.memory_space<vmem_shared>>
      %dma_start3A_666 = arith.constant 0 : i32
      %dma_start3A_667 = tpu.memref_slice %arg5[%mul3A_2, %dma_start3A_666] : memref<10112x64xf32, #tpu.memory_space<hbm>> -> memref<632x64xf32, #tpu.memory_space<hbm>>
      tpu.enqueue_dma source(%dma_start3A_667 : memref<632x64xf32, #tpu.memory_space<hbm>>) target(%dma_start3A_665 : memref<632x64xf32, #tpu.memory_space<vmem_shared>>) target_semaphore(%run_scoped3A_663 : memref<!tpu.dma_semaphore, #tpu.memory_space<semaphore_mem>>)
      %dma_wait3A_668 = arith.constant 0 : i32
      %dma_wait3A_669 = tpu.memref_slice %arg17[%mul3A_4, %dma_wait3A_668] : memref<10112x64xf32, #tpu.memory_space<vmem_shared>> -> memref<632x64xf32, #tpu.memory_space<vmem_shared>>
      %dma_wait3A_670 = arith.constant 0 : i32
      %dma_wait3A_671 = tpu.memref_slice %arg5[%mul3A_2, %dma_wait3A_670] : memref<10112x64xf32, #tpu.memory_space<hbm>> -> memref<632x64xf32, #tpu.memory_space<hbm>>
      tpu.wait_dma2 semaphore(%run_scoped3A_663 : memref<!tpu.dma_semaphore, #tpu.memory_space<semaphore_mem>>) src(%dma_wait3A_671 : memref<632x64xf32, #tpu.memory_space<hbm>>) dst(%dma_wait3A_669 : memref<632x64xf32, #tpu.memory_space<vmem_shared>>)
      tpu.yield
    }) : () -> ()
    %mul3A_5 = arith.constant 632 : i32
    %mul3A_6 = arith.muli %arg1, %mul3A_5 : i32
    %mul3A_7 = arith.constant 632 : i32
    %mul3A_8 = arith.muli %arg1, %mul3A_7 : i32
    "tpu.region"() ({
      %run_scoped3A_663 = tpu.sem_alloc : memref<!tpu.dma_semaphore, #tpu.memory_space<semaphore_mem>>
      %dma_start3A_664 = arith.constant 0 : i32
      %dma_start3A_665 = tpu.memref_slice %arg16[%mul3A_8, %dma_start3A_664] : memref<10112x64xf32, #tpu.memory_space<vmem_shared>> -> memref<632x64xf32, #tpu.memory_space<vmem_shared>>
      %dma_start3A_666 = arith.constant 0 : i32
      %dma_start3A_667 = tpu.memref_slice %arg2[%arg0, %mul3A_6, %dma_start3A_666] : memref<2x10112x64xf32, #tpu.memory_space<hbm>> -> memref<1x632x64xf32, #tpu.memory_space<hbm>>
      %dma_start3A_668 = tpu.memref_squeeze %dma_start3A_667 : memref<1x632x64xf32, #tpu.memory_space<hbm>> -> memref<632x64xf32, #tpu.memory_space<hbm>>
      tpu.enqueue_dma source(%dma_start3A_668 : memref<632x64xf32, #tpu.memory_space<hbm>>) target(%dma_start3A_665 : memref<632x64xf32, #tpu.memory_space<vmem_shared>>) target_semaphore(%run_scoped3A_663 : memref<!tpu.dma_semaphore, #tpu.memory_space<semaphore_mem>>)
      %dma_wait3A_669 = arith.constant 0 : i32
      %dma_wait3A_670 = tpu.memref_slice %arg16[%mul3A_8, %dma_wait3A_669] : memref<10112x64xf32, #tpu.memory_space<vmem_shared>> -> memref<632x64xf32, #tpu.memory_space<vmem_shared>>
      %dma_wait3A_671 = arith.constant 0 : i32
      %dma_wait3A_672 = tpu.memref_slice %arg2[%arg0, %mul3A_6, %dma_wait3A_671] : memref<2x10112x64xf32, #tpu.memory_space<hbm>> -> memref<1x632x64xf32, #tpu.memory_space<hbm>>
      %dma_wait3A_673 = tpu.memref_squeeze %dma_wait3A_672 : memref<1x632x64xf32, #tpu.memory_space<hbm>> -> memref<632x64xf32, #tpu.memory_space<hbm>>
      tpu.wait_dma2 semaphore(%run_scoped3A_663 : memref<!tpu.dma_semaphore, #tpu.memory_space<semaphore_mem>>) src(%dma_wait3A_673 : memref<632x64xf32, #tpu.memory_space<hbm>>) dst(%dma_wait3A_670 : memref<632x64xf32, #tpu.memory_space<vmem_shared>>)
      tpu.yield
    }) : () -> ()
    %barrier3A = arith.constant 0 : index
    tpu.barrier barrier_id(%barrier3A)
    %add3A = arith.constant 0 : i32
    %add3A_9 = arith.addi %mul3A_0, %add3A : i32
    %dma_start3A = arith.constant 0 : i32
    %dma_start3A_10 = arith.constant 0 : i32
    %dma_start3A_11 = arith.constant 0 : i32
    %dma_start3A_12 = tpu.memref_slice %arg7[%dma_start3A_10, %dma_start3A_11] : memref<4x128xi32, #tpu.memory_space<vmem>> -> memref<1x128xi32, #tpu.memory_space<vmem>>
    %dma_start3A_13 = arith.constant 0 : i32
    %dma_start3A_14 = tpu.memref_slice %arg3[%add3A_9, %dma_start3A_13] : memref<2560x128xi32, #tpu.memory_space<hbm>> -> memref<1x128xi32, #tpu.memory_space<hbm>>
    %dma_start3A_15 = tpu.memref_slice %arg13[%dma_start3A] : memref<4x!tpu.dma_semaphore, #tpu.memory_space<semaphore_mem>> -> memref<1x!tpu.dma_semaphore, #tpu.memory_space<semaphore_mem>>
    %dma_start3A_16 = tpu.memref_squeeze %dma_start3A_15 : memref<1x!tpu.dma_semaphore, #tpu.memory_space<semaphore_mem>> -> memref<!tpu.dma_semaphore, #tpu.memory_space<semaphore_mem>>
    %dma_start3A_17 = arith.constant 0 : i32
    %dma_start3A_18 = arith.constant 0 : i32
    %dma_start3A_19 = tpu.memref_slice %arg7[%dma_start3A_17, %dma_start3A_18] : memref<4x128xi32, #tpu.memory_space<vmem>> -> memref<1x128xi32, #tpu.memory_space<vmem>>
    %dma_start3A_20 = arith.constant 0 : i32
    %dma_start3A_21 = tpu.memref_slice %arg3[%add3A_9, %dma_start3A_20] : memref<2560x128xi32, #tpu.memory_space<hbm>> -> memref<1x128xi32, #tpu.memory_space<hbm>>
    tpu.enqueue_dma source(%dma_start3A_21 : memref<1x128xi32, #tpu.memory_space<hbm>>) target(%dma_start3A_19 : memref<1x128xi32, #tpu.memory_space<vmem>>) target_semaphore(%dma_start3A_16 : memref<!tpu.dma_semaphore, #tpu.memory_space<semaphore_mem>>)
    %add3A_22 = arith.constant 0 : i32
    %add3A_23 = arith.addi %mul3A_0, %add3A_22 : i32
    %dma_start3A_24 = arith.constant 0 : i32
    %dma_start3A_25 = arith.constant 0 : i32
    %dma_start3A_26 = arith.constant 0 : i32
    %dma_start3A_27 = tpu.memref_slice %arg8[%dma_start3A_25, %dma_start3A_26] : memref<4x128xi32, #tpu.memory_space<vmem>> -> memref<1x128xi32, #tpu.memory_space<vmem>>
    %dma_start3A_28 = arith.constant 0 : i32
    %dma_start3A_29 = tpu.memref_slice %arg4[%add3A_23, %dma_start3A_28] : memref<2560x128xi32, #tpu.memory_space<hbm>> -> memref<1x128xi32, #tpu.memory_space<hbm>>
    %dma_start3A_30 = tpu.memref_slice %arg14[%dma_start3A_24] : memref<4x!tpu.dma_semaphore, #tpu.memory_space<semaphore_mem>> -> memref<1x!tpu.dma_semaphore, #tpu.memory_space<semaphore_mem>>
    %dma_start3A_31 = tpu.memref_squeeze %dma_start3A_30 : memref<1x!tpu.dma_semaphore, #tpu.memory_space<semaphore_mem>> -> memref<!tpu.dma_semaphore, #tpu.memory_space<semaphore_mem>>
    %dma_start3A_32 = arith.constant 0 : i32
    %dma_start3A_33 = arith.constant 0 : i32
    %dma_start3A_34 = tpu.memref_slice %arg8[%dma_start3A_32, %dma_start3A_33] : memref<4x128xi32, #tpu.memory_space<vmem>> -> memref<1x128xi32, #tpu.memory_space<vmem>>
    %dma_start3A_35 = arith.constant 0 : i32
    %dma_start3A_36 = tpu.memref_slice %arg4[%add3A_23, %dma_start3A_35] : memref<2560x128xi32, #tpu.memory_space<hbm>> -> memref<1x128xi32, #tpu.memory_space<hbm>>
    tpu.enqueue_dma source(%dma_start3A_36 : memref<1x128xi32, #tpu.memory_space<hbm>>) target(%dma_start3A_34 : memref<1x128xi32, #tpu.memory_space<vmem>>) target_semaphore(%dma_start3A_31 : memref<!tpu.dma_semaphore, #tpu.memory_space<semaphore_mem>>)
    %add3A_37 = arith.constant 1 : i32
    %add3A_38 = arith.addi %mul3A_0, %add3A_37 : i32
    %dma_start3A_39 = arith.constant 1 : i32
    %dma_start3A_40 = arith.constant 1 : i32
    %dma_start3A_41 = arith.constant 0 : i32
    %dma_start3A_42 = tpu.memref_slice %arg7[%dma_start3A_40, %dma_start3A_41] : memref<4x128xi32, #tpu.memory_space<vmem>> -> memref<1x128xi32, #tpu.memory_space<vmem>>
    %dma_start3A_43 = arith.constant 0 : i32
    %dma_start3A_44 = tpu.memref_slice %arg3[%add3A_38, %dma_start3A_43] : memref<2560x128xi32, #tpu.memory_space<hbm>> -> memref<1x128xi32, #tpu.memory_space<hbm>>
    %dma_start3A_45 = tpu.memref_slice %arg13[%dma_start3A_39] : memref<4x!tpu.dma_semaphore, #tpu.memory_space<semaphore_mem>> -> memref<1x!tpu.dma_semaphore, #tpu.memory_space<semaphore_mem>>
    %dma_start3A_46 = tpu.memref_squeeze %dma_start3A_45 : memref<1x!tpu.dma_semaphore, #tpu.memory_space<semaphore_mem>> -> memref<!tpu.dma_semaphore, #tpu.memory_space<semaphore_mem>>
    %dma_start3A_47 = arith.constant 1 : i32
    %dma_start3A_48 = arith.constant 0 : i32
    %dma_start3A_49 = tpu.memref_slice %arg7[%dma_start3A_47, %dma_start3A_48] : memref<4x128xi32, #tpu.memory_space<vmem>> -> memref<1x128xi32, #tpu.memory_space<vmem>>
    %dma_start3A_50 = arith.constant 0 : i32
    %dma_start3A_51 = tpu.memref_slice %arg3[%add3A_38, %dma_start3A_50] : memref<2560x128xi32, #tpu.memory_space<hbm>> -> memref<1x128xi32, #tpu.memory_space<hbm>>
    tpu.enqueue_dma source(%dma_start3A_51 : memref<1x128xi32, #tpu.memory_space<hbm>>) target(%dma_start3A_49 : memref<1x128xi32, #tpu.memory_space<vmem>>) target_semaphore(%dma_start3A_46 : memref<!tpu.dma_semaphore, #tpu.memory_space<semaphore_mem>>)
    %add3A_52 = arith.constant 1 : i32
    %add3A_53 = arith.addi %mul3A_0, %add3A_52 : i32
    %dma_start3A_54 = arith.constant 1 : i32
    %dma_start3A_55 = arith.constant 1 : i32
    %dma_start3A_56 = arith.constant 0 : i32
    %dma_start3A_57 = tpu.memref_slice %arg8[%dma_start3A_55, %dma_start3A_56] : memref<4x128xi32, #tpu.memory_space<vmem>> -> memref<1x128xi32, #tpu.memory_space<vmem>>
    %dma_start3A_58 = arith.constant 0 : i32
    %dma_start3A_59 = tpu.memref_slice %arg4[%add3A_53, %dma_start3A_58] : memref<2560x128xi32, #tpu.memory_space<hbm>> -> memref<1x128xi32, #tpu.memory_space<hbm>>
    %dma_start3A_60 = tpu.memref_slice %arg14[%dma_start3A_54] : memref<4x!tpu.dma_semaphore, #tpu.memory_space<semaphore_mem>> -> memref<1x!tpu.dma_semaphore, #tpu.memory_space<semaphore_mem>>
    %dma_start3A_61 = tpu.memref_squeeze %dma_start3A_60 : memref<1x!tpu.dma_semaphore, #tpu.memory_space<semaphore_mem>> -> memref<!tpu.dma_semaphore, #tpu.memory_space<semaphore_mem>>
    %dma_start3A_62 = arith.constant 1 : i32
    %dma_start3A_63 = arith.constant 0 : i32
    %dma_start3A_64 = tpu.memref_slice %arg8[%dma_start3A_62, %dma_start3A_63] : memref<4x128xi32, #tpu.memory_space<vmem>> -> memref<1x128xi32, #tpu.memory_space<vmem>>
    %dma_start3A_65 = arith.constant 0 : i32
    %dma_start3A_66 = tpu.memref_slice %arg4[%add3A_53, %dma_start3A_65] : memref<2560x128xi32, #tpu.memory_space<hbm>> -> memref<1x128xi32, #tpu.memory_space<hbm>>
    tpu.enqueue_dma source(%dma_start3A_66 : memref<1x128xi32, #tpu.memory_space<hbm>>) target(%dma_start3A_64 : memref<1x128xi32, #tpu.memory_space<vmem>>) target_semaphore(%dma_start3A_61 : memref<!tpu.dma_semaphore, #tpu.memory_space<semaphore_mem>>)
    %add3A_67 = arith.constant 0 : i32
    %add3A_68 = arith.addi %mul3A_0, %add3A_67 : i32
    %dma_wait3A = arith.constant 0 : i32
    %dma_wait3A_69 = arith.constant 0 : i32
    %dma_wait3A_70 = arith.constant 0 : i32
    %dma_wait3A_71 = tpu.memref_slice %arg7[%dma_wait3A_69, %dma_wait3A_70] : memref<4x128xi32, #tpu.memory_space<vmem>> -> memref<1x128xi32, #tpu.memory_space<vmem>>
    %dma_wait3A_72 = arith.constant 0 : i32
    %dma_wait3A_73 = tpu.memref_slice %arg3[%add3A_68, %dma_wait3A_72] : memref<2560x128xi32, #tpu.memory_space<hbm>> -> memref<1x128xi32, #tpu.memory_space<hbm>>
    %dma_wait3A_74 = tpu.memref_slice %arg13[%dma_wait3A] : memref<4x!tpu.dma_semaphore, #tpu.memory_space<semaphore_mem>> -> memref<1x!tpu.dma_semaphore, #tpu.memory_space<semaphore_mem>>
    %dma_wait3A_75 = tpu.memref_squeeze %dma_wait3A_74 : memref<1x!tpu.dma_semaphore, #tpu.memory_space<semaphore_mem>> -> memref<!tpu.dma_semaphore, #tpu.memory_space<semaphore_mem>>
    %dma_wait3A_76 = arith.constant 0 : i32
    %dma_wait3A_77 = arith.constant 0 : i32
    %dma_wait3A_78 = tpu.memref_slice %arg7[%dma_wait3A_76, %dma_wait3A_77] : memref<4x128xi32, #tpu.memory_space<vmem>> -> memref<1x128xi32, #tpu.memory_space<vmem>>
    %dma_wait3A_79 = arith.constant 0 : i32
    %dma_wait3A_80 = tpu.memref_slice %arg3[%add3A_68, %dma_wait3A_79] : memref<2560x128xi32, #tpu.memory_space<hbm>> -> memref<1x128xi32, #tpu.memory_space<hbm>>
    tpu.wait_dma2 semaphore(%dma_wait3A_75 : memref<!tpu.dma_semaphore, #tpu.memory_space<semaphore_mem>>) src(%dma_wait3A_80 : memref<1x128xi32, #tpu.memory_space<hbm>>) dst(%dma_wait3A_78 : memref<1x128xi32, #tpu.memory_space<vmem>>)
    %add3A_81 = arith.constant 0 : i32
    %add3A_82 = arith.addi %mul3A_0, %add3A_81 : i32
    %dma_wait3A_83 = arith.constant 0 : i32
    %dma_wait3A_84 = arith.constant 0 : i32
    %dma_wait3A_85 = arith.constant 0 : i32
    %dma_wait3A_86 = tpu.memref_slice %arg8[%dma_wait3A_84, %dma_wait3A_85] : memref<4x128xi32, #tpu.memory_space<vmem>> -> memref<1x128xi32, #tpu.memory_space<vmem>>
    %dma_wait3A_87 = arith.constant 0 : i32
    %dma_wait3A_88 = tpu.memref_slice %arg4[%add3A_82, %dma_wait3A_87] : memref<2560x128xi32, #tpu.memory_space<hbm>> -> memref<1x128xi32, #tpu.memory_space<hbm>>
    %dma_wait3A_89 = tpu.memref_slice %arg14[%dma_wait3A_83] : memref<4x!tpu.dma_semaphore, #tpu.memory_space<semaphore_mem>> -> memref<1x!tpu.dma_semaphore, #tpu.memory_space<semaphore_mem>>
    %dma_wait3A_90 = tpu.memref_squeeze %dma_wait3A_89 : memref<1x!tpu.dma_semaphore, #tpu.memory_space<semaphore_mem>> -> memref<!tpu.dma_semaphore, #tpu.memory_space<semaphore_mem>>
    %dma_wait3A_91 = arith.constant 0 : i32
    %dma_wait3A_92 = arith.constant 0 : i32
    %dma_wait3A_93 = tpu.memref_slice %arg8[%dma_wait3A_91, %dma_wait3A_92] : memref<4x128xi32, #tpu.memory_space<vmem>> -> memref<1x128xi32, #tpu.memory_space<vmem>>
    %dma_wait3A_94 = arith.constant 0 : i32
    %dma_wait3A_95 = tpu.memref_slice %arg4[%add3A_82, %dma_wait3A_94] : memref<2560x128xi32, #tpu.memory_space<hbm>> -> memref<1x128xi32, #tpu.memory_space<hbm>>
    tpu.wait_dma2 semaphore(%dma_wait3A_90 : memref<!tpu.dma_semaphore, #tpu.memory_space<semaphore_mem>>) src(%dma_wait3A_95 : memref<1x128xi32, #tpu.memory_space<hbm>>) dst(%dma_wait3A_93 : memref<1x128xi32, #tpu.memory_space<vmem>>)
    %run_scoped3A = arith.constant 0 : i32
    "tpu.region"() ({
      %run_scoped3A_663 = tpu.sem_alloc : memref<!tpu.dma_semaphore, #tpu.memory_space<semaphore_mem>>
      %dma_start3A_664 = arith.constant 0 : i32
      %dma_start3A_665 = tpu.memref_slice %arg7[%run_scoped3A, %dma_start3A_664] : memref<4x128xi32, #tpu.memory_space<vmem>> -> memref<1x128xi32, #tpu.memory_space<vmem>>
      %dma_start3A_666 = tpu.memref_squeeze %dma_start3A_665 : memref<1x128xi32, #tpu.memory_space<vmem>> -> memref<128xi32, #tpu.memory_space<vmem>>
      %dma_start3A_667 = arith.constant 0 : i32
      %dma_start3A_668 = arith.constant 0 : i32
      %dma_start3A_669 = tpu.memref_slice %arg16[%dma_start3A_667, %dma_start3A_668] : memref<10112x64xf32, #tpu.memory_space<vmem_shared>> -> memref<10112x64xf32, #tpu.memory_space<vmem_shared>>
      tpu.enqueue_indirect_dma source(%dma_start3A_669 : memref<10112x64xf32, #tpu.memory_space<vmem_shared>>) target(%arg9 : memref<128x64xf32, #tpu.memory_space<vmem>>) offsets(%dma_start3A_666 : memref<128xi32, #tpu.memory_space<vmem>>) semaphore(%run_scoped3A_663 : memref<!tpu.dma_semaphore, #tpu.memory_space<semaphore_mem>>)
      %dma_wait3A_670 = arith.constant 0 : i32
      %dma_wait3A_671 = tpu.memref_slice %arg7[%run_scoped3A, %dma_wait3A_670] : memref<4x128xi32, #tpu.memory_space<vmem>> -> memref<1x128xi32, #tpu.memory_space<vmem>>
      %dma_wait3A_672 = tpu.memref_squeeze %dma_wait3A_671 : memref<1x128xi32, #tpu.memory_space<vmem>> -> memref<128xi32, #tpu.memory_space<vmem>>
      %dma_wait3A_673 = arith.constant 0 : i32
      %dma_wait3A_674 = arith.constant 0 : i32
      %dma_wait3A_675 = tpu.memref_slice %arg16[%dma_wait3A_673, %dma_wait3A_674] : memref<10112x64xf32, #tpu.memory_space<vmem_shared>> -> memref<10112x64xf32, #tpu.memory_space<vmem_shared>>
      tpu.wait_indirect_dma semaphore(%run_scoped3A_663 : memref<!tpu.dma_semaphore, #tpu.memory_space<semaphore_mem>>) src(%dma_wait3A_675 : memref<10112x64xf32, #tpu.memory_space<vmem_shared>>) dst(%arg9 : memref<128x64xf32, #tpu.memory_space<vmem>>)
      tpu.yield
    }) : () -> ()
    %dma_start3A_96 = arith.constant 0 : i32
    %dma_start3A_97 = arith.constant 0 : i32
    %dma_start3A_98 = arith.constant 0 : i32
    %dma_start3A_99 = tpu.memref_slice %arg8[%dma_start3A_96, %dma_start3A_98] : memref<4x128xi32, #tpu.memory_space<vmem>> -> memref<1x128xi32, #tpu.memory_space<vmem>>
    %dma_start3A_100 = tpu.memref_squeeze %dma_start3A_99 : memref<1x128xi32, #tpu.memory_space<vmem>> -> memref<128xi32, #tpu.memory_space<vmem>>
    %dma_start3A_101 = arith.constant 0 : i32
    %dma_start3A_102 = arith.constant 0 : i32
    %dma_start3A_103 = tpu.memref_slice %arg17[%dma_start3A_101, %dma_start3A_102] : memref<10112x64xf32, #tpu.memory_space<vmem_shared>> -> memref<10112x64xf32, #tpu.memory_space<vmem_shared>>
    %dma_start3A_104 = tpu.memref_slice %arg15[%dma_start3A_97] : memref<4x!tpu.dma_semaphore, #tpu.memory_space<semaphore_mem>> -> memref<1x!tpu.dma_semaphore, #tpu.memory_space<semaphore_mem>>
    %dma_start3A_105 = tpu.memref_squeeze %dma_start3A_104 : memref<1x!tpu.dma_semaphore, #tpu.memory_space<semaphore_mem>> -> memref<!tpu.dma_semaphore, #tpu.memory_space<semaphore_mem>>
    tpu.enqueue_indirect_dma source(%arg9 : memref<128x64xf32, #tpu.memory_space<vmem>>) target(%dma_start3A_103 : memref<10112x64xf32, #tpu.memory_space<vmem_shared>>) offsets(%dma_start3A_100 : memref<128xi32, #tpu.memory_space<vmem>>) semaphore(%dma_start3A_105 : memref<!tpu.dma_semaphore, #tpu.memory_space<semaphore_mem>>) {add = true}
    %add3A_106 = arith.constant 2 : i32
    %add3A_107 = arith.addi %mul3A_0, %add3A_106 : i32
    %dma_start3A_108 = arith.constant 2 : i32
    %dma_start3A_109 = arith.constant 2 : i32
    %dma_start3A_110 = arith.constant 0 : i32
    %dma_start3A_111 = tpu.memref_slice %arg7[%dma_start3A_109, %dma_start3A_110] : memref<4x128xi32, #tpu.memory_space<vmem>> -> memref<1x128xi32, #tpu.memory_space<vmem>>
    %dma_start3A_112 = arith.constant 0 : i32
    %dma_start3A_113 = tpu.memref_slice %arg3[%add3A_107, %dma_start3A_112] : memref<2560x128xi32, #tpu.memory_space<hbm>> -> memref<1x128xi32, #tpu.memory_space<hbm>>
    %dma_start3A_114 = tpu.memref_slice %arg13[%dma_start3A_108] : memref<4x!tpu.dma_semaphore, #tpu.memory_space<semaphore_mem>> -> memref<1x!tpu.dma_semaphore, #tpu.memory_space<semaphore_mem>>
    %dma_start3A_115 = tpu.memref_squeeze %dma_start3A_114 : memref<1x!tpu.dma_semaphore, #tpu.memory_space<semaphore_mem>> -> memref<!tpu.dma_semaphore, #tpu.memory_space<semaphore_mem>>
    %dma_start3A_116 = arith.constant 2 : i32
    %dma_start3A_117 = arith.constant 0 : i32
    %dma_start3A_118 = tpu.memref_slice %arg7[%dma_start3A_116, %dma_start3A_117] : memref<4x128xi32, #tpu.memory_space<vmem>> -> memref<1x128xi32, #tpu.memory_space<vmem>>
    %dma_start3A_119 = arith.constant 0 : i32
    %dma_start3A_120 = tpu.memref_slice %arg3[%add3A_107, %dma_start3A_119] : memref<2560x128xi32, #tpu.memory_space<hbm>> -> memref<1x128xi32, #tpu.memory_space<hbm>>
    tpu.enqueue_dma source(%dma_start3A_120 : memref<1x128xi32, #tpu.memory_space<hbm>>) target(%dma_start3A_118 : memref<1x128xi32, #tpu.memory_space<vmem>>) target_semaphore(%dma_start3A_115 : memref<!tpu.dma_semaphore, #tpu.memory_space<semaphore_mem>>)
    %add3A_121 = arith.constant 2 : i32
    %add3A_122 = arith.addi %mul3A_0, %add3A_121 : i32
    %dma_start3A_123 = arith.constant 2 : i32
    %dma_start3A_124 = arith.constant 2 : i32
    %dma_start3A_125 = arith.constant 0 : i32
    %dma_start3A_126 = tpu.memref_slice %arg8[%dma_start3A_124, %dma_start3A_125] : memref<4x128xi32, #tpu.memory_space<vmem>> -> memref<1x128xi32, #tpu.memory_space<vmem>>
    %dma_start3A_127 = arith.constant 0 : i32
    %dma_start3A_128 = tpu.memref_slice %arg4[%add3A_122, %dma_start3A_127] : memref<2560x128xi32, #tpu.memory_space<hbm>> -> memref<1x128xi32, #tpu.memory_space<hbm>>
    %dma_start3A_129 = tpu.memref_slice %arg14[%dma_start3A_123] : memref<4x!tpu.dma_semaphore, #tpu.memory_space<semaphore_mem>> -> memref<1x!tpu.dma_semaphore, #tpu.memory_space<semaphore_mem>>
    %dma_start3A_130 = tpu.memref_squeeze %dma_start3A_129 : memref<1x!tpu.dma_semaphore, #tpu.memory_space<semaphore_mem>> -> memref<!tpu.dma_semaphore, #tpu.memory_space<semaphore_mem>>
    %dma_start3A_131 = arith.constant 2 : i32
    %dma_start3A_132 = arith.constant 0 : i32
    %dma_start3A_133 = tpu.memref_slice %arg8[%dma_start3A_131, %dma_start3A_132] : memref<4x128xi32, #tpu.memory_space<vmem>> -> memref<1x128xi32, #tpu.memory_space<vmem>>
    %dma_start3A_134 = arith.constant 0 : i32
    %dma_start3A_135 = tpu.memref_slice %arg4[%add3A_122, %dma_start3A_134] : memref<2560x128xi32, #tpu.memory_space<hbm>> -> memref<1x128xi32, #tpu.memory_space<hbm>>
    tpu.enqueue_dma source(%dma_start3A_135 : memref<1x128xi32, #tpu.memory_space<hbm>>) target(%dma_start3A_133 : memref<1x128xi32, #tpu.memory_space<vmem>>) target_semaphore(%dma_start3A_130 : memref<!tpu.dma_semaphore, #tpu.memory_space<semaphore_mem>>)
    %add3A_136 = arith.constant 1 : i32
    %add3A_137 = arith.addi %mul3A_0, %add3A_136 : i32
    %dma_wait3A_138 = arith.constant 1 : i32
    %dma_wait3A_139 = arith.constant 1 : i32
    %dma_wait3A_140 = arith.constant 0 : i32
    %dma_wait3A_141 = tpu.memref_slice %arg7[%dma_wait3A_139, %dma_wait3A_140] : memref<4x128xi32, #tpu.memory_space<vmem>> -> memref<1x128xi32, #tpu.memory_space<vmem>>
    %dma_wait3A_142 = arith.constant 0 : i32
    %dma_wait3A_143 = tpu.memref_slice %arg3[%add3A_137, %dma_wait3A_142] : memref<2560x128xi32, #tpu.memory_space<hbm>> -> memref<1x128xi32, #tpu.memory_space<hbm>>
    %dma_wait3A_144 = tpu.memref_slice %arg13[%dma_wait3A_138] : memref<4x!tpu.dma_semaphore, #tpu.memory_space<semaphore_mem>> -> memref<1x!tpu.dma_semaphore, #tpu.memory_space<semaphore_mem>>
    %dma_wait3A_145 = tpu.memref_squeeze %dma_wait3A_144 : memref<1x!tpu.dma_semaphore, #tpu.memory_space<semaphore_mem>> -> memref<!tpu.dma_semaphore, #tpu.memory_space<semaphore_mem>>
    %dma_wait3A_146 = arith.constant 1 : i32
    %dma_wait3A_147 = arith.constant 0 : i32
    %dma_wait3A_148 = tpu.memref_slice %arg7[%dma_wait3A_146, %dma_wait3A_147] : memref<4x128xi32, #tpu.memory_space<vmem>> -> memref<1x128xi32, #tpu.memory_space<vmem>>
    %dma_wait3A_149 = arith.constant 0 : i32
    %dma_wait3A_150 = tpu.memref_slice %arg3[%add3A_137, %dma_wait3A_149] : memref<2560x128xi32, #tpu.memory_space<hbm>> -> memref<1x128xi32, #tpu.memory_space<hbm>>
    tpu.wait_dma2 semaphore(%dma_wait3A_145 : memref<!tpu.dma_semaphore, #tpu.memory_space<semaphore_mem>>) src(%dma_wait3A_150 : memref<1x128xi32, #tpu.memory_space<hbm>>) dst(%dma_wait3A_148 : memref<1x128xi32, #tpu.memory_space<vmem>>)
    %add3A_151 = arith.constant 1 : i32
    %add3A_152 = arith.addi %mul3A_0, %add3A_151 : i32
    %dma_wait3A_153 = arith.constant 1 : i32
    %dma_wait3A_154 = arith.constant 1 : i32
    %dma_wait3A_155 = arith.constant 0 : i32
    %dma_wait3A_156 = tpu.memref_slice %arg8[%dma_wait3A_154, %dma_wait3A_155] : memref<4x128xi32, #tpu.memory_space<vmem>> -> memref<1x128xi32, #tpu.memory_space<vmem>>
    %dma_wait3A_157 = arith.constant 0 : i32
    %dma_wait3A_158 = tpu.memref_slice %arg4[%add3A_152, %dma_wait3A_157] : memref<2560x128xi32, #tpu.memory_space<hbm>> -> memref<1x128xi32, #tpu.memory_space<hbm>>
    %dma_wait3A_159 = tpu.memref_slice %arg14[%dma_wait3A_153] : memref<4x!tpu.dma_semaphore, #tpu.memory_space<semaphore_mem>> -> memref<1x!tpu.dma_semaphore, #tpu.memory_space<semaphore_mem>>
    %dma_wait3A_160 = tpu.memref_squeeze %dma_wait3A_159 : memref<1x!tpu.dma_semaphore, #tpu.memory_space<semaphore_mem>> -> memref<!tpu.dma_semaphore, #tpu.memory_space<semaphore_mem>>
    %dma_wait3A_161 = arith.constant 1 : i32
    %dma_wait3A_162 = arith.constant 0 : i32
    %dma_wait3A_163 = tpu.memref_slice %arg8[%dma_wait3A_161, %dma_wait3A_162] : memref<4x128xi32, #tpu.memory_space<vmem>> -> memref<1x128xi32, #tpu.memory_space<vmem>>
    %dma_wait3A_164 = arith.constant 0 : i32
    %dma_wait3A_165 = tpu.memref_slice %arg4[%add3A_152, %dma_wait3A_164] : memref<2560x128xi32, #tpu.memory_space<hbm>> -> memref<1x128xi32, #tpu.memory_space<hbm>>
    tpu.wait_dma2 semaphore(%dma_wait3A_160 : memref<!tpu.dma_semaphore, #tpu.memory_space<semaphore_mem>>) src(%dma_wait3A_165 : memref<1x128xi32, #tpu.memory_space<hbm>>) dst(%dma_wait3A_163 : memref<1x128xi32, #tpu.memory_space<vmem>>)
    %run_scoped3A_166 = arith.constant 1 : i32
    "tpu.region"() ({
      %run_scoped3A_663 = tpu.sem_alloc : memref<!tpu.dma_semaphore, #tpu.memory_space<semaphore_mem>>
      %dma_start3A_664 = arith.constant 0 : i32
      %dma_start3A_665 = tpu.memref_slice %arg7[%run_scoped3A_166, %dma_start3A_664] : memref<4x128xi32, #tpu.memory_space<vmem>> -> memref<1x128xi32, #tpu.memory_space<vmem>>
      %dma_start3A_666 = tpu.memref_squeeze %dma_start3A_665 : memref<1x128xi32, #tpu.memory_space<vmem>> -> memref<128xi32, #tpu.memory_space<vmem>>
      %dma_start3A_667 = arith.constant 0 : i32
      %dma_start3A_668 = arith.constant 0 : i32
      %dma_start3A_669 = tpu.memref_slice %arg16[%dma_start3A_667, %dma_start3A_668] : memref<10112x64xf32, #tpu.memory_space<vmem_shared>> -> memref<10112x64xf32, #tpu.memory_space<vmem_shared>>
      tpu.enqueue_indirect_dma source(%dma_start3A_669 : memref<10112x64xf32, #tpu.memory_space<vmem_shared>>) target(%arg10 : memref<128x64xf32, #tpu.memory_space<vmem>>) offsets(%dma_start3A_666 : memref<128xi32, #tpu.memory_space<vmem>>) semaphore(%run_scoped3A_663 : memref<!tpu.dma_semaphore, #tpu.memory_space<semaphore_mem>>)
      %dma_wait3A_670 = arith.constant 0 : i32
      %dma_wait3A_671 = tpu.memref_slice %arg7[%run_scoped3A_166, %dma_wait3A_670] : memref<4x128xi32, #tpu.memory_space<vmem>> -> memref<1x128xi32, #tpu.memory_space<vmem>>
      %dma_wait3A_672 = tpu.memref_squeeze %dma_wait3A_671 : memref<1x128xi32, #tpu.memory_space<vmem>> -> memref<128xi32, #tpu.memory_space<vmem>>
      %dma_wait3A_673 = arith.constant 0 : i32
      %dma_wait3A_674 = arith.constant 0 : i32
      %dma_wait3A_675 = tpu.memref_slice %arg16[%dma_wait3A_673, %dma_wait3A_674] : memref<10112x64xf32, #tpu.memory_space<vmem_shared>> -> memref<10112x64xf32, #tpu.memory_space<vmem_shared>>
      tpu.wait_indirect_dma semaphore(%run_scoped3A_663 : memref<!tpu.dma_semaphore, #tpu.memory_space<semaphore_mem>>) src(%dma_wait3A_675 : memref<10112x64xf32, #tpu.memory_space<vmem_shared>>) dst(%arg10 : memref<128x64xf32, #tpu.memory_space<vmem>>)
      tpu.yield
    }) : () -> ()
    %dma_start3A_167 = arith.constant 1 : i32
    %dma_start3A_168 = arith.constant 1 : i32
    %dma_start3A_169 = arith.constant 0 : i32
    %dma_start3A_170 = tpu.memref_slice %arg8[%dma_start3A_167, %dma_start3A_169] : memref<4x128xi32, #tpu.memory_space<vmem>> -> memref<1x128xi32, #tpu.memory_space<vmem>>
    %dma_start3A_171 = tpu.memref_squeeze %dma_start3A_170 : memref<1x128xi32, #tpu.memory_space<vmem>> -> memref<128xi32, #tpu.memory_space<vmem>>
    %dma_start3A_172 = arith.constant 0 : i32
    %dma_start3A_173 = arith.constant 0 : i32
    %dma_start3A_174 = tpu.memref_slice %arg17[%dma_start3A_172, %dma_start3A_173] : memref<10112x64xf32, #tpu.memory_space<vmem_shared>> -> memref<10112x64xf32, #tpu.memory_space<vmem_shared>>
    %dma_start3A_175 = tpu.memref_slice %arg15[%dma_start3A_168] : memref<4x!tpu.dma_semaphore, #tpu.memory_space<semaphore_mem>> -> memref<1x!tpu.dma_semaphore, #tpu.memory_space<semaphore_mem>>
    %dma_start3A_176 = tpu.memref_squeeze %dma_start3A_175 : memref<1x!tpu.dma_semaphore, #tpu.memory_space<semaphore_mem>> -> memref<!tpu.dma_semaphore, #tpu.memory_space<semaphore_mem>>
    tpu.enqueue_indirect_dma source(%arg10 : memref<128x64xf32, #tpu.memory_space<vmem>>) target(%dma_start3A_174 : memref<10112x64xf32, #tpu.memory_space<vmem_shared>>) offsets(%dma_start3A_171 : memref<128xi32, #tpu.memory_space<vmem>>) semaphore(%dma_start3A_176 : memref<!tpu.dma_semaphore, #tpu.memory_space<semaphore_mem>>) {add = true}
    %add3A_177 = arith.constant 3 : i32
    %add3A_178 = arith.addi %mul3A_0, %add3A_177 : i32
    %dma_start3A_179 = arith.constant 3 : i32
    %dma_start3A_180 = arith.constant 3 : i32
    %dma_start3A_181 = arith.constant 0 : i32
    %dma_start3A_182 = tpu.memref_slice %arg7[%dma_start3A_180, %dma_start3A_181] : memref<4x128xi32, #tpu.memory_space<vmem>> -> memref<1x128xi32, #tpu.memory_space<vmem>>
    %dma_start3A_183 = arith.constant 0 : i32
    %dma_start3A_184 = tpu.memref_slice %arg3[%add3A_178, %dma_start3A_183] : memref<2560x128xi32, #tpu.memory_space<hbm>> -> memref<1x128xi32, #tpu.memory_space<hbm>>
    %dma_start3A_185 = tpu.memref_slice %arg13[%dma_start3A_179] : memref<4x!tpu.dma_semaphore, #tpu.memory_space<semaphore_mem>> -> memref<1x!tpu.dma_semaphore, #tpu.memory_space<semaphore_mem>>
    %dma_start3A_186 = tpu.memref_squeeze %dma_start3A_185 : memref<1x!tpu.dma_semaphore, #tpu.memory_space<semaphore_mem>> -> memref<!tpu.dma_semaphore, #tpu.memory_space<semaphore_mem>>
    %dma_start3A_187 = arith.constant 3 : i32
    %dma_start3A_188 = arith.constant 0 : i32
    %dma_start3A_189 = tpu.memref_slice %arg7[%dma_start3A_187, %dma_start3A_188] : memref<4x128xi32, #tpu.memory_space<vmem>> -> memref<1x128xi32, #tpu.memory_space<vmem>>
    %dma_start3A_190 = arith.constant 0 : i32
    %dma_start3A_191 = tpu.memref_slice %arg3[%add3A_178, %dma_start3A_190] : memref<2560x128xi32, #tpu.memory_space<hbm>> -> memref<1x128xi32, #tpu.memory_space<hbm>>
    tpu.enqueue_dma source(%dma_start3A_191 : memref<1x128xi32, #tpu.memory_space<hbm>>) target(%dma_start3A_189 : memref<1x128xi32, #tpu.memory_space<vmem>>) target_semaphore(%dma_start3A_186 : memref<!tpu.dma_semaphore, #tpu.memory_space<semaphore_mem>>)
    %add3A_192 = arith.constant 3 : i32
    %add3A_193 = arith.addi %mul3A_0, %add3A_192 : i32
    %dma_start3A_194 = arith.constant 3 : i32
    %dma_start3A_195 = arith.constant 3 : i32
    %dma_start3A_196 = arith.constant 0 : i32
    %dma_start3A_197 = tpu.memref_slice %arg8[%dma_start3A_195, %dma_start3A_196] : memref<4x128xi32, #tpu.memory_space<vmem>> -> memref<1x128xi32, #tpu.memory_space<vmem>>
    %dma_start3A_198 = arith.constant 0 : i32
    %dma_start3A_199 = tpu.memref_slice %arg4[%add3A_193, %dma_start3A_198] : memref<2560x128xi32, #tpu.memory_space<hbm>> -> memref<1x128xi32, #tpu.memory_space<hbm>>
    %dma_start3A_200 = tpu.memref_slice %arg14[%dma_start3A_194] : memref<4x!tpu.dma_semaphore, #tpu.memory_space<semaphore_mem>> -> memref<1x!tpu.dma_semaphore, #tpu.memory_space<semaphore_mem>>
    %dma_start3A_201 = tpu.memref_squeeze %dma_start3A_200 : memref<1x!tpu.dma_semaphore, #tpu.memory_space<semaphore_mem>> -> memref<!tpu.dma_semaphore, #tpu.memory_space<semaphore_mem>>
    %dma_start3A_202 = arith.constant 3 : i32
    %dma_start3A_203 = arith.constant 0 : i32
    %dma_start3A_204 = tpu.memref_slice %arg8[%dma_start3A_202, %dma_start3A_203] : memref<4x128xi32, #tpu.memory_space<vmem>> -> memref<1x128xi32, #tpu.memory_space<vmem>>
    %dma_start3A_205 = arith.constant 0 : i32
    %dma_start3A_206 = tpu.memref_slice %arg4[%add3A_193, %dma_start3A_205] : memref<2560x128xi32, #tpu.memory_space<hbm>> -> memref<1x128xi32, #tpu.memory_space<hbm>>
    tpu.enqueue_dma source(%dma_start3A_206 : memref<1x128xi32, #tpu.memory_space<hbm>>) target(%dma_start3A_204 : memref<1x128xi32, #tpu.memory_space<vmem>>) target_semaphore(%dma_start3A_201 : memref<!tpu.dma_semaphore, #tpu.memory_space<semaphore_mem>>)
    %add3A_207 = arith.constant 2 : i32
    %add3A_208 = arith.addi %mul3A_0, %add3A_207 : i32
    %dma_wait3A_209 = arith.constant 2 : i32
    %dma_wait3A_210 = arith.constant 2 : i32
    %dma_wait3A_211 = arith.constant 0 : i32
    %dma_wait3A_212 = tpu.memref_slice %arg7[%dma_wait3A_210, %dma_wait3A_211] : memref<4x128xi32, #tpu.memory_space<vmem>> -> memref<1x128xi32, #tpu.memory_space<vmem>>
    %dma_wait3A_213 = arith.constant 0 : i32
    %dma_wait3A_214 = tpu.memref_slice %arg3[%add3A_208, %dma_wait3A_213] : memref<2560x128xi32, #tpu.memory_space<hbm>> -> memref<1x128xi32, #tpu.memory_space<hbm>>
    %dma_wait3A_215 = tpu.memref_slice %arg13[%dma_wait3A_209] : memref<4x!tpu.dma_semaphore, #tpu.memory_space<semaphore_mem>> -> memref<1x!tpu.dma_semaphore, #tpu.memory_space<semaphore_mem>>
    %dma_wait3A_216 = tpu.memref_squeeze %dma_wait3A_215 : memref<1x!tpu.dma_semaphore, #tpu.memory_space<semaphore_mem>> -> memref<!tpu.dma_semaphore, #tpu.memory_space<semaphore_mem>>
    %dma_wait3A_217 = arith.constant 2 : i32
    %dma_wait3A_218 = arith.constant 0 : i32
    %dma_wait3A_219 = tpu.memref_slice %arg7[%dma_wait3A_217, %dma_wait3A_218] : memref<4x128xi32, #tpu.memory_space<vmem>> -> memref<1x128xi32, #tpu.memory_space<vmem>>
    %dma_wait3A_220 = arith.constant 0 : i32
    %dma_wait3A_221 = tpu.memref_slice %arg3[%add3A_208, %dma_wait3A_220] : memref<2560x128xi32, #tpu.memory_space<hbm>> -> memref<1x128xi32, #tpu.memory_space<hbm>>
    tpu.wait_dma2 semaphore(%dma_wait3A_216 : memref<!tpu.dma_semaphore, #tpu.memory_space<semaphore_mem>>) src(%dma_wait3A_221 : memref<1x128xi32, #tpu.memory_space<hbm>>) dst(%dma_wait3A_219 : memref<1x128xi32, #tpu.memory_space<vmem>>)
    %add3A_222 = arith.constant 2 : i32
    %add3A_223 = arith.addi %mul3A_0, %add3A_222 : i32
    %dma_wait3A_224 = arith.constant 2 : i32
    %dma_wait3A_225 = arith.constant 2 : i32
    %dma_wait3A_226 = arith.constant 0 : i32
    %dma_wait3A_227 = tpu.memref_slice %arg8[%dma_wait3A_225, %dma_wait3A_226] : memref<4x128xi32, #tpu.memory_space<vmem>> -> memref<1x128xi32, #tpu.memory_space<vmem>>
    %dma_wait3A_228 = arith.constant 0 : i32
    %dma_wait3A_229 = tpu.memref_slice %arg4[%add3A_223, %dma_wait3A_228] : memref<2560x128xi32, #tpu.memory_space<hbm>> -> memref<1x128xi32, #tpu.memory_space<hbm>>
    %dma_wait3A_230 = tpu.memref_slice %arg14[%dma_wait3A_224] : memref<4x!tpu.dma_semaphore, #tpu.memory_space<semaphore_mem>> -> memref<1x!tpu.dma_semaphore, #tpu.memory_space<semaphore_mem>>
    %dma_wait3A_231 = tpu.memref_squeeze %dma_wait3A_230 : memref<1x!tpu.dma_semaphore, #tpu.memory_space<semaphore_mem>> -> memref<!tpu.dma_semaphore, #tpu.memory_space<semaphore_mem>>
    %dma_wait3A_232 = arith.constant 2 : i32
    %dma_wait3A_233 = arith.constant 0 : i32
    %dma_wait3A_234 = tpu.memref_slice %arg8[%dma_wait3A_232, %dma_wait3A_233] : memref<4x128xi32, #tpu.memory_space<vmem>> -> memref<1x128xi32, #tpu.memory_space<vmem>>
    %dma_wait3A_235 = arith.constant 0 : i32
    %dma_wait3A_236 = tpu.memref_slice %arg4[%add3A_223, %dma_wait3A_235] : memref<2560x128xi32, #tpu.memory_space<hbm>> -> memref<1x128xi32, #tpu.memory_space<hbm>>
    tpu.wait_dma2 semaphore(%dma_wait3A_231 : memref<!tpu.dma_semaphore, #tpu.memory_space<semaphore_mem>>) src(%dma_wait3A_236 : memref<1x128xi32, #tpu.memory_space<hbm>>) dst(%dma_wait3A_234 : memref<1x128xi32, #tpu.memory_space<vmem>>)
    %run_scoped3A_237 = arith.constant 2 : i32
    "tpu.region"() ({
      %run_scoped3A_663 = tpu.sem_alloc : memref<!tpu.dma_semaphore, #tpu.memory_space<semaphore_mem>>
      %dma_start3A_664 = arith.constant 0 : i32
      %dma_start3A_665 = tpu.memref_slice %arg7[%run_scoped3A_237, %dma_start3A_664] : memref<4x128xi32, #tpu.memory_space<vmem>> -> memref<1x128xi32, #tpu.memory_space<vmem>>
      %dma_start3A_666 = tpu.memref_squeeze %dma_start3A_665 : memref<1x128xi32, #tpu.memory_space<vmem>> -> memref<128xi32, #tpu.memory_space<vmem>>
      %dma_start3A_667 = arith.constant 0 : i32
      %dma_start3A_668 = arith.constant 0 : i32
      %dma_start3A_669 = tpu.memref_slice %arg16[%dma_start3A_667, %dma_start3A_668] : memref<10112x64xf32, #tpu.memory_space<vmem_shared>> -> memref<10112x64xf32, #tpu.memory_space<vmem_shared>>
      tpu.enqueue_indirect_dma source(%dma_start3A_669 : memref<10112x64xf32, #tpu.memory_space<vmem_shared>>) target(%arg11 : memref<128x64xf32, #tpu.memory_space<vmem>>) offsets(%dma_start3A_666 : memref<128xi32, #tpu.memory_space<vmem>>) semaphore(%run_scoped3A_663 : memref<!tpu.dma_semaphore, #tpu.memory_space<semaphore_mem>>)
      %dma_wait3A_670 = arith.constant 0 : i32
      %dma_wait3A_671 = tpu.memref_slice %arg7[%run_scoped3A_237, %dma_wait3A_670] : memref<4x128xi32, #tpu.memory_space<vmem>> -> memref<1x128xi32, #tpu.memory_space<vmem>>
      %dma_wait3A_672 = tpu.memref_squeeze %dma_wait3A_671 : memref<1x128xi32, #tpu.memory_space<vmem>> -> memref<128xi32, #tpu.memory_space<vmem>>
      %dma_wait3A_673 = arith.constant 0 : i32
      %dma_wait3A_674 = arith.constant 0 : i32
      %dma_wait3A_675 = tpu.memref_slice %arg16[%dma_wait3A_673, %dma_wait3A_674] : memref<10112x64xf32, #tpu.memory_space<vmem_shared>> -> memref<10112x64xf32, #tpu.memory_space<vmem_shared>>
      tpu.wait_indirect_dma semaphore(%run_scoped3A_663 : memref<!tpu.dma_semaphore, #tpu.memory_space<semaphore_mem>>) src(%dma_wait3A_675 : memref<10112x64xf32, #tpu.memory_space<vmem_shared>>) dst(%arg11 : memref<128x64xf32, #tpu.memory_space<vmem>>)
      tpu.yield
    }) : () -> ()
    %dma_start3A_238 = arith.constant 2 : i32
    %dma_start3A_239 = arith.constant 2 : i32
    %dma_start3A_240 = arith.constant 0 : i32
    %dma_start3A_241 = tpu.memref_slice %arg8[%dma_start3A_238, %dma_start3A_240] : memref<4x128xi32, #tpu.memory_space<vmem>> -> memref<1x128xi32, #tpu.memory_space<vmem>>
    %dma_start3A_242 = tpu.memref_squeeze %dma_start3A_241 : memref<1x128xi32, #tpu.memory_space<vmem>> -> memref<128xi32, #tpu.memory_space<vmem>>
    %dma_start3A_243 = arith.constant 0 : i32
    %dma_start3A_244 = arith.constant 0 : i32
    %dma_start3A_245 = tpu.memref_slice %arg17[%dma_start3A_243, %dma_start3A_244] : memref<10112x64xf32, #tpu.memory_space<vmem_shared>> -> memref<10112x64xf32, #tpu.memory_space<vmem_shared>>
    %dma_start3A_246 = tpu.memref_slice %arg15[%dma_start3A_239] : memref<4x!tpu.dma_semaphore, #tpu.memory_space<semaphore_mem>> -> memref<1x!tpu.dma_semaphore, #tpu.memory_space<semaphore_mem>>
    %dma_start3A_247 = tpu.memref_squeeze %dma_start3A_246 : memref<1x!tpu.dma_semaphore, #tpu.memory_space<semaphore_mem>> -> memref<!tpu.dma_semaphore, #tpu.memory_space<semaphore_mem>>
    tpu.enqueue_indirect_dma source(%arg11 : memref<128x64xf32, #tpu.memory_space<vmem>>) target(%dma_start3A_245 : memref<10112x64xf32, #tpu.memory_space<vmem_shared>>) offsets(%dma_start3A_242 : memref<128xi32, #tpu.memory_space<vmem>>) semaphore(%dma_start3A_247 : memref<!tpu.dma_semaphore, #tpu.memory_space<semaphore_mem>>) {add = true}
    %dma_wait3A_248 = arith.constant 0 : i32
    %dma_wait3A_249 = arith.constant 0 : i32
    %dma_wait3A_250 = arith.constant 0 : i32
    %dma_wait3A_251 = tpu.memref_slice %arg8[%dma_wait3A_248, %dma_wait3A_250] : memref<4x128xi32, #tpu.memory_space<vmem>> -> memref<1x128xi32, #tpu.memory_space<vmem>>
    %dma_wait3A_252 = tpu.memref_squeeze %dma_wait3A_251 : memref<1x128xi32, #tpu.memory_space<vmem>> -> memref<128xi32, #tpu.memory_space<vmem>>
    %dma_wait3A_253 = arith.constant 0 : i32
    %dma_wait3A_254 = arith.constant 0 : i32
    %dma_wait3A_255 = tpu.memref_slice %arg17[%dma_wait3A_253, %dma_wait3A_254] : memref<10112x64xf32, #tpu.memory_space<vmem_shared>> -> memref<10112x64xf32, #tpu.memory_space<vmem_shared>>
    %dma_wait3A_256 = tpu.memref_slice %arg15[%dma_wait3A_249] : memref<4x!tpu.dma_semaphore, #tpu.memory_space<semaphore_mem>> -> memref<1x!tpu.dma_semaphore, #tpu.memory_space<semaphore_mem>>
    %dma_wait3A_257 = tpu.memref_squeeze %dma_wait3A_256 : memref<1x!tpu.dma_semaphore, #tpu.memory_space<semaphore_mem>> -> memref<!tpu.dma_semaphore, #tpu.memory_space<semaphore_mem>>
    tpu.wait_indirect_dma semaphore(%dma_wait3A_257 : memref<!tpu.dma_semaphore, #tpu.memory_space<semaphore_mem>>) src(%arg9 : memref<128x64xf32, #tpu.memory_space<vmem>>) dst(%dma_wait3A_255 : memref<10112x64xf32, #tpu.memory_space<vmem_shared>>)
    %add3A_258 = arith.constant 4 : i32
    %add3A_259 = arith.addi %mul3A_0, %add3A_258 : i32
    %dma_start3A_260 = arith.constant 0 : i32
    %dma_start3A_261 = arith.constant 0 : i32
    %dma_start3A_262 = arith.constant 0 : i32
    %dma_start3A_263 = tpu.memref_slice %arg7[%dma_start3A_261, %dma_start3A_262] : memref<4x128xi32, #tpu.memory_space<vmem>> -> memref<1x128xi32, #tpu.memory_space<vmem>>
    %dma_start3A_264 = arith.constant 0 : i32
    %dma_start3A_265 = tpu.memref_slice %arg3[%add3A_259, %dma_start3A_264] : memref<2560x128xi32, #tpu.memory_space<hbm>> -> memref<1x128xi32, #tpu.memory_space<hbm>>
    %dma_start3A_266 = tpu.memref_slice %arg13[%dma_start3A_260] : memref<4x!tpu.dma_semaphore, #tpu.memory_space<semaphore_mem>> -> memref<1x!tpu.dma_semaphore, #tpu.memory_space<semaphore_mem>>
    %dma_start3A_267 = tpu.memref_squeeze %dma_start3A_266 : memref<1x!tpu.dma_semaphore, #tpu.memory_space<semaphore_mem>> -> memref<!tpu.dma_semaphore, #tpu.memory_space<semaphore_mem>>
    %dma_start3A_268 = arith.constant 0 : i32
    %dma_start3A_269 = arith.constant 0 : i32
    %dma_start3A_270 = tpu.memref_slice %arg7[%dma_start3A_268, %dma_start3A_269] : memref<4x128xi32, #tpu.memory_space<vmem>> -> memref<1x128xi32, #tpu.memory_space<vmem>>
    %dma_start3A_271 = arith.constant 0 : i32
    %dma_start3A_272 = tpu.memref_slice %arg3[%add3A_259, %dma_start3A_271] : memref<2560x128xi32, #tpu.memory_space<hbm>> -> memref<1x128xi32, #tpu.memory_space<hbm>>
    tpu.enqueue_dma source(%dma_start3A_272 : memref<1x128xi32, #tpu.memory_space<hbm>>) target(%dma_start3A_270 : memref<1x128xi32, #tpu.memory_space<vmem>>) target_semaphore(%dma_start3A_267 : memref<!tpu.dma_semaphore, #tpu.memory_space<semaphore_mem>>)
    %add3A_273 = arith.constant 4 : i32
    %add3A_274 = arith.addi %mul3A_0, %add3A_273 : i32
    %dma_start3A_275 = arith.constant 0 : i32
    %dma_start3A_276 = arith.constant 0 : i32
    %dma_start3A_277 = arith.constant 0 : i32
    %dma_start3A_278 = tpu.memref_slice %arg8[%dma_start3A_276, %dma_start3A_277] : memref<4x128xi32, #tpu.memory_space<vmem>> -> memref<1x128xi32, #tpu.memory_space<vmem>>
    %dma_start3A_279 = arith.constant 0 : i32
    %dma_start3A_280 = tpu.memref_slice %arg4[%add3A_274, %dma_start3A_279] : memref<2560x128xi32, #tpu.memory_space<hbm>> -> memref<1x128xi32, #tpu.memory_space<hbm>>
    %dma_start3A_281 = tpu.memref_slice %arg14[%dma_start3A_275] : memref<4x!tpu.dma_semaphore, #tpu.memory_space<semaphore_mem>> -> memref<1x!tpu.dma_semaphore, #tpu.memory_space<semaphore_mem>>
    %dma_start3A_282 = tpu.memref_squeeze %dma_start3A_281 : memref<1x!tpu.dma_semaphore, #tpu.memory_space<semaphore_mem>> -> memref<!tpu.dma_semaphore, #tpu.memory_space<semaphore_mem>>
    %dma_start3A_283 = arith.constant 0 : i32
    %dma_start3A_284 = arith.constant 0 : i32
    %dma_start3A_285 = tpu.memref_slice %arg8[%dma_start3A_283, %dma_start3A_284] : memref<4x128xi32, #tpu.memory_space<vmem>> -> memref<1x128xi32, #tpu.memory_space<vmem>>
    %dma_start3A_286 = arith.constant 0 : i32
    %dma_start3A_287 = tpu.memref_slice %arg4[%add3A_274, %dma_start3A_286] : memref<2560x128xi32, #tpu.memory_space<hbm>> -> memref<1x128xi32, #tpu.memory_space<hbm>>
    tpu.enqueue_dma source(%dma_start3A_287 : memref<1x128xi32, #tpu.memory_space<hbm>>) target(%dma_start3A_285 : memref<1x128xi32, #tpu.memory_space<vmem>>) target_semaphore(%dma_start3A_282 : memref<!tpu.dma_semaphore, #tpu.memory_space<semaphore_mem>>)
    %add3A_288 = arith.constant 3 : i32
    %add3A_289 = arith.addi %mul3A_0, %add3A_288 : i32
    %dma_wait3A_290 = arith.constant 3 : i32
    %dma_wait3A_291 = arith.constant 3 : i32
    %dma_wait3A_292 = arith.constant 0 : i32
    %dma_wait3A_293 = tpu.memref_slice %arg7[%dma_wait3A_291, %dma_wait3A_292] : memref<4x128xi32, #tpu.memory_space<vmem>> -> memref<1x128xi32, #tpu.memory_space<vmem>>
    %dma_wait3A_294 = arith.constant 0 : i32
    %dma_wait3A_295 = tpu.memref_slice %arg3[%add3A_289, %dma_wait3A_294] : memref<2560x128xi32, #tpu.memory_space<hbm>> -> memref<1x128xi32, #tpu.memory_space<hbm>>
    %dma_wait3A_296 = tpu.memref_slice %arg13[%dma_wait3A_290] : memref<4x!tpu.dma_semaphore, #tpu.memory_space<semaphore_mem>> -> memref<1x!tpu.dma_semaphore, #tpu.memory_space<semaphore_mem>>
    %dma_wait3A_297 = tpu.memref_squeeze %dma_wait3A_296 : memref<1x!tpu.dma_semaphore, #tpu.memory_space<semaphore_mem>> -> memref<!tpu.dma_semaphore, #tpu.memory_space<semaphore_mem>>
    %dma_wait3A_298 = arith.constant 3 : i32
    %dma_wait3A_299 = arith.constant 0 : i32
    %dma_wait3A_300 = tpu.memref_slice %arg7[%dma_wait3A_298, %dma_wait3A_299] : memref<4x128xi32, #tpu.memory_space<vmem>> -> memref<1x128xi32, #tpu.memory_space<vmem>>
    %dma_wait3A_301 = arith.constant 0 : i32
    %dma_wait3A_302 = tpu.memref_slice %arg3[%add3A_289, %dma_wait3A_301] : memref<2560x128xi32, #tpu.memory_space<hbm>> -> memref<1x128xi32, #tpu.memory_space<hbm>>
    tpu.wait_dma2 semaphore(%dma_wait3A_297 : memref<!tpu.dma_semaphore, #tpu.memory_space<semaphore_mem>>) src(%dma_wait3A_302 : memref<1x128xi32, #tpu.memory_space<hbm>>) dst(%dma_wait3A_300 : memref<1x128xi32, #tpu.memory_space<vmem>>)
    %add3A_303 = arith.constant 3 : i32
    %add3A_304 = arith.addi %mul3A_0, %add3A_303 : i32
    %dma_wait3A_305 = arith.constant 3 : i32
    %dma_wait3A_306 = arith.constant 3 : i32
    %dma_wait3A_307 = arith.constant 0 : i32
    %dma_wait3A_308 = tpu.memref_slice %arg8[%dma_wait3A_306, %dma_wait3A_307] : memref<4x128xi32, #tpu.memory_space<vmem>> -> memref<1x128xi32, #tpu.memory_space<vmem>>
    %dma_wait3A_309 = arith.constant 0 : i32
    %dma_wait3A_310 = tpu.memref_slice %arg4[%add3A_304, %dma_wait3A_309] : memref<2560x128xi32, #tpu.memory_space<hbm>> -> memref<1x128xi32, #tpu.memory_space<hbm>>
    %dma_wait3A_311 = tpu.memref_slice %arg14[%dma_wait3A_305] : memref<4x!tpu.dma_semaphore, #tpu.memory_space<semaphore_mem>> -> memref<1x!tpu.dma_semaphore, #tpu.memory_space<semaphore_mem>>
    %dma_wait3A_312 = tpu.memref_squeeze %dma_wait3A_311 : memref<1x!tpu.dma_semaphore, #tpu.memory_space<semaphore_mem>> -> memref<!tpu.dma_semaphore, #tpu.memory_space<semaphore_mem>>
    %dma_wait3A_313 = arith.constant 3 : i32
    %dma_wait3A_314 = arith.constant 0 : i32
    %dma_wait3A_315 = tpu.memref_slice %arg8[%dma_wait3A_313, %dma_wait3A_314] : memref<4x128xi32, #tpu.memory_space<vmem>> -> memref<1x128xi32, #tpu.memory_space<vmem>>
    %dma_wait3A_316 = arith.constant 0 : i32
    %dma_wait3A_317 = tpu.memref_slice %arg4[%add3A_304, %dma_wait3A_316] : memref<2560x128xi32, #tpu.memory_space<hbm>> -> memref<1x128xi32, #tpu.memory_space<hbm>>
    tpu.wait_dma2 semaphore(%dma_wait3A_312 : memref<!tpu.dma_semaphore, #tpu.memory_space<semaphore_mem>>) src(%dma_wait3A_317 : memref<1x128xi32, #tpu.memory_space<hbm>>) dst(%dma_wait3A_315 : memref<1x128xi32, #tpu.memory_space<vmem>>)
    %run_scoped3A_318 = arith.constant 3 : i32
    "tpu.region"() ({
      %run_scoped3A_663 = tpu.sem_alloc : memref<!tpu.dma_semaphore, #tpu.memory_space<semaphore_mem>>
      %dma_start3A_664 = arith.constant 0 : i32
      %dma_start3A_665 = tpu.memref_slice %arg7[%run_scoped3A_318, %dma_start3A_664] : memref<4x128xi32, #tpu.memory_space<vmem>> -> memref<1x128xi32, #tpu.memory_space<vmem>>
      %dma_start3A_666 = tpu.memref_squeeze %dma_start3A_665 : memref<1x128xi32, #tpu.memory_space<vmem>> -> memref<128xi32, #tpu.memory_space<vmem>>
      %dma_start3A_667 = arith.constant 0 : i32
      %dma_start3A_668 = arith.constant 0 : i32
      %dma_start3A_669 = tpu.memref_slice %arg16[%dma_start3A_667, %dma_start3A_668] : memref<10112x64xf32, #tpu.memory_space<vmem_shared>> -> memref<10112x64xf32, #tpu.memory_space<vmem_shared>>
      tpu.enqueue_indirect_dma source(%dma_start3A_669 : memref<10112x64xf32, #tpu.memory_space<vmem_shared>>) target(%arg12 : memref<128x64xf32, #tpu.memory_space<vmem>>) offsets(%dma_start3A_666 : memref<128xi32, #tpu.memory_space<vmem>>) semaphore(%run_scoped3A_663 : memref<!tpu.dma_semaphore, #tpu.memory_space<semaphore_mem>>)
      %dma_wait3A_670 = arith.constant 0 : i32
      %dma_wait3A_671 = tpu.memref_slice %arg7[%run_scoped3A_318, %dma_wait3A_670] : memref<4x128xi32, #tpu.memory_space<vmem>> -> memref<1x128xi32, #tpu.memory_space<vmem>>
      %dma_wait3A_672 = tpu.memref_squeeze %dma_wait3A_671 : memref<1x128xi32, #tpu.memory_space<vmem>> -> memref<128xi32, #tpu.memory_space<vmem>>
      %dma_wait3A_673 = arith.constant 0 : i32
      %dma_wait3A_674 = arith.constant 0 : i32
      %dma_wait3A_675 = tpu.memref_slice %arg16[%dma_wait3A_673, %dma_wait3A_674] : memref<10112x64xf32, #tpu.memory_space<vmem_shared>> -> memref<10112x64xf32, #tpu.memory_space<vmem_shared>>
      tpu.wait_indirect_dma semaphore(%run_scoped3A_663 : memref<!tpu.dma_semaphore, #tpu.memory_space<semaphore_mem>>) src(%dma_wait3A_675 : memref<10112x64xf32, #tpu.memory_space<vmem_shared>>) dst(%arg12 : memref<128x64xf32, #tpu.memory_space<vmem>>)
      tpu.yield
    }) : () -> ()
    %dma_start3A_319 = arith.constant 3 : i32
    %dma_start3A_320 = arith.constant 3 : i32
    %dma_start3A_321 = arith.constant 0 : i32
    %dma_start3A_322 = tpu.memref_slice %arg8[%dma_start3A_319, %dma_start3A_321] : memref<4x128xi32, #tpu.memory_space<vmem>> -> memref<1x128xi32, #tpu.memory_space<vmem>>
    %dma_start3A_323 = tpu.memref_squeeze %dma_start3A_322 : memref<1x128xi32, #tpu.memory_space<vmem>> -> memref<128xi32, #tpu.memory_space<vmem>>
    %dma_start3A_324 = arith.constant 0 : i32
    %dma_start3A_325 = arith.constant 0 : i32
    %dma_start3A_326 = tpu.memref_slice %arg17[%dma_start3A_324, %dma_start3A_325] : memref<10112x64xf32, #tpu.memory_space<vmem_shared>> -> memref<10112x64xf32, #tpu.memory_space<vmem_shared>>
    %dma_start3A_327 = tpu.memref_slice %arg15[%dma_start3A_320] : memref<4x!tpu.dma_semaphore, #tpu.memory_space<semaphore_mem>> -> memref<1x!tpu.dma_semaphore, #tpu.memory_space<semaphore_mem>>
    %dma_start3A_328 = tpu.memref_squeeze %dma_start3A_327 : memref<1x!tpu.dma_semaphore, #tpu.memory_space<semaphore_mem>> -> memref<!tpu.dma_semaphore, #tpu.memory_space<semaphore_mem>>
    tpu.enqueue_indirect_dma source(%arg12 : memref<128x64xf32, #tpu.memory_space<vmem>>) target(%dma_start3A_326 : memref<10112x64xf32, #tpu.memory_space<vmem_shared>>) offsets(%dma_start3A_323 : memref<128xi32, #tpu.memory_space<vmem>>) semaphore(%dma_start3A_328 : memref<!tpu.dma_semaphore, #tpu.memory_space<semaphore_mem>>) {add = true}
    %dma_wait3A_329 = arith.constant 1 : i32
    %dma_wait3A_330 = arith.constant 1 : i32
    %dma_wait3A_331 = arith.constant 0 : i32
    %dma_wait3A_332 = tpu.memref_slice %arg8[%dma_wait3A_329, %dma_wait3A_331] : memref<4x128xi32, #tpu.memory_space<vmem>> -> memref<1x128xi32, #tpu.memory_space<vmem>>
    %dma_wait3A_333 = tpu.memref_squeeze %dma_wait3A_332 : memref<1x128xi32, #tpu.memory_space<vmem>> -> memref<128xi32, #tpu.memory_space<vmem>>
    %dma_wait3A_334 = arith.constant 0 : i32
    %dma_wait3A_335 = arith.constant 0 : i32
    %dma_wait3A_336 = tpu.memref_slice %arg17[%dma_wait3A_334, %dma_wait3A_335] : memref<10112x64xf32, #tpu.memory_space<vmem_shared>> -> memref<10112x64xf32, #tpu.memory_space<vmem_shared>>
    %dma_wait3A_337 = tpu.memref_slice %arg15[%dma_wait3A_330] : memref<4x!tpu.dma_semaphore, #tpu.memory_space<semaphore_mem>> -> memref<1x!tpu.dma_semaphore, #tpu.memory_space<semaphore_mem>>
    %dma_wait3A_338 = tpu.memref_squeeze %dma_wait3A_337 : memref<1x!tpu.dma_semaphore, #tpu.memory_space<semaphore_mem>> -> memref<!tpu.dma_semaphore, #tpu.memory_space<semaphore_mem>>
    tpu.wait_indirect_dma semaphore(%dma_wait3A_338 : memref<!tpu.dma_semaphore, #tpu.memory_space<semaphore_mem>>) src(%arg10 : memref<128x64xf32, #tpu.memory_space<vmem>>) dst(%dma_wait3A_336 : memref<10112x64xf32, #tpu.memory_space<vmem_shared>>)
    %add3A_339 = arith.constant 5 : i32
    %add3A_340 = arith.addi %mul3A_0, %add3A_339 : i32
    %dma_start3A_341 = arith.constant 1 : i32
    %dma_start3A_342 = arith.constant 1 : i32
    %dma_start3A_343 = arith.constant 0 : i32
    %dma_start3A_344 = tpu.memref_slice %arg7[%dma_start3A_342, %dma_start3A_343] : memref<4x128xi32, #tpu.memory_space<vmem>> -> memref<1x128xi32, #tpu.memory_space<vmem>>
    %dma_start3A_345 = arith.constant 0 : i32
    %dma_start3A_346 = tpu.memref_slice %arg3[%add3A_340, %dma_start3A_345] : memref<2560x128xi32, #tpu.memory_space<hbm>> -> memref<1x128xi32, #tpu.memory_space<hbm>>
    %dma_start3A_347 = tpu.memref_slice %arg13[%dma_start3A_341] : memref<4x!tpu.dma_semaphore, #tpu.memory_space<semaphore_mem>> -> memref<1x!tpu.dma_semaphore, #tpu.memory_space<semaphore_mem>>
    %dma_start3A_348 = tpu.memref_squeeze %dma_start3A_347 : memref<1x!tpu.dma_semaphore, #tpu.memory_space<semaphore_mem>> -> memref<!tpu.dma_semaphore, #tpu.memory_space<semaphore_mem>>
    %dma_start3A_349 = arith.constant 1 : i32
    %dma_start3A_350 = arith.constant 0 : i32
    %dma_start3A_351 = tpu.memref_slice %arg7[%dma_start3A_349, %dma_start3A_350] : memref<4x128xi32, #tpu.memory_space<vmem>> -> memref<1x128xi32, #tpu.memory_space<vmem>>
    %dma_start3A_352 = arith.constant 0 : i32
    %dma_start3A_353 = tpu.memref_slice %arg3[%add3A_340, %dma_start3A_352] : memref<2560x128xi32, #tpu.memory_space<hbm>> -> memref<1x128xi32, #tpu.memory_space<hbm>>
    tpu.enqueue_dma source(%dma_start3A_353 : memref<1x128xi32, #tpu.memory_space<hbm>>) target(%dma_start3A_351 : memref<1x128xi32, #tpu.memory_space<vmem>>) target_semaphore(%dma_start3A_348 : memref<!tpu.dma_semaphore, #tpu.memory_space<semaphore_mem>>)
    %add3A_354 = arith.constant 5 : i32
    %add3A_355 = arith.addi %mul3A_0, %add3A_354 : i32
    %dma_start3A_356 = arith.constant 1 : i32
    %dma_start3A_357 = arith.constant 1 : i32
    %dma_start3A_358 = arith.constant 0 : i32
    %dma_start3A_359 = tpu.memref_slice %arg8[%dma_start3A_357, %dma_start3A_358] : memref<4x128xi32, #tpu.memory_space<vmem>> -> memref<1x128xi32, #tpu.memory_space<vmem>>
    %dma_start3A_360 = arith.constant 0 : i32
    %dma_start3A_361 = tpu.memref_slice %arg4[%add3A_355, %dma_start3A_360] : memref<2560x128xi32, #tpu.memory_space<hbm>> -> memref<1x128xi32, #tpu.memory_space<hbm>>
    %dma_start3A_362 = tpu.memref_slice %arg14[%dma_start3A_356] : memref<4x!tpu.dma_semaphore, #tpu.memory_space<semaphore_mem>> -> memref<1x!tpu.dma_semaphore, #tpu.memory_space<semaphore_mem>>
    %dma_start3A_363 = tpu.memref_squeeze %dma_start3A_362 : memref<1x!tpu.dma_semaphore, #tpu.memory_space<semaphore_mem>> -> memref<!tpu.dma_semaphore, #tpu.memory_space<semaphore_mem>>
    %dma_start3A_364 = arith.constant 1 : i32
    %dma_start3A_365 = arith.constant 0 : i32
    %dma_start3A_366 = tpu.memref_slice %arg8[%dma_start3A_364, %dma_start3A_365] : memref<4x128xi32, #tpu.memory_space<vmem>> -> memref<1x128xi32, #tpu.memory_space<vmem>>
    %dma_start3A_367 = arith.constant 0 : i32
    %dma_start3A_368 = tpu.memref_slice %arg4[%add3A_355, %dma_start3A_367] : memref<2560x128xi32, #tpu.memory_space<hbm>> -> memref<1x128xi32, #tpu.memory_space<hbm>>
    tpu.enqueue_dma source(%dma_start3A_368 : memref<1x128xi32, #tpu.memory_space<hbm>>) target(%dma_start3A_366 : memref<1x128xi32, #tpu.memory_space<vmem>>) target_semaphore(%dma_start3A_363 : memref<!tpu.dma_semaphore, #tpu.memory_space<semaphore_mem>>)
    %scan3A = arith.constant 0 : i32
    %scan3A_369 = arith.constant 1 : i32
    %scan3A_370 = arith.constant 38 : i32
    %scan3A_371 = arith.addi %scan3A_369, %scan3A_370 : i32
    %scan3A_372 = arith.constant 1 : i32
    scf.for %scan3A_663 = %scan3A_369 to %scan3A_371 step %scan3A_372  : i32 {
      %mul3A_664 = arith.constant 4 : i32
      %mul3A_665 = arith.muli %mul3A_664, %scan3A_663 : i32
      %add3A_666 = arith.constant 0 : i32
      %add3A_667 = arith.addi %mul3A_665, %add3A_666 : i32
      %add3A_668 = arith.addi %mul3A_0, %add3A_667 : i32
      %dma_wait3A_669 = arith.constant 0 : i32
      %dma_wait3A_670 = arith.constant 0 : i32
      %dma_wait3A_671 = arith.constant 0 : i32
      %dma_wait3A_672 = tpu.memref_slice %arg7[%dma_wait3A_670, %dma_wait3A_671] : memref<4x128xi32, #tpu.memory_space<vmem>> -> memref<1x128xi32, #tpu.memory_space<vmem>>
      %dma_wait3A_673 = arith.constant 0 : i32
      %dma_wait3A_674 = tpu.memref_slice %arg3[%add3A_668, %dma_wait3A_673] : memref<2560x128xi32, #tpu.memory_space<hbm>> -> memref<1x128xi32, #tpu.memory_space<hbm>>
      %dma_wait3A_675 = tpu.memref_slice %arg13[%dma_wait3A_669] : memref<4x!tpu.dma_semaphore, #tpu.memory_space<semaphore_mem>> -> memref<1x!tpu.dma_semaphore, #tpu.memory_space<semaphore_mem>>
      %dma_wait3A_676 = tpu.memref_squeeze %dma_wait3A_675 : memref<1x!tpu.dma_semaphore, #tpu.memory_space<semaphore_mem>> -> memref<!tpu.dma_semaphore, #tpu.memory_space<semaphore_mem>>
      %dma_wait3A_677 = arith.constant 0 : i32
      %dma_wait3A_678 = arith.constant 0 : i32
      %dma_wait3A_679 = tpu.memref_slice %arg7[%dma_wait3A_677, %dma_wait3A_678] : memref<4x128xi32, #tpu.memory_space<vmem>> -> memref<1x128xi32, #tpu.memory_space<vmem>>
      %dma_wait3A_680 = arith.constant 0 : i32
      %dma_wait3A_681 = tpu.memref_slice %arg3[%add3A_668, %dma_wait3A_680] : memref<2560x128xi32, #tpu.memory_space<hbm>> -> memref<1x128xi32, #tpu.memory_space<hbm>>
      tpu.wait_dma2 semaphore(%dma_wait3A_676 : memref<!tpu.dma_semaphore, #tpu.memory_space<semaphore_mem>>) src(%dma_wait3A_681 : memref<1x128xi32, #tpu.memory_space<hbm>>) dst(%dma_wait3A_679 : memref<1x128xi32, #tpu.memory_space<vmem>>)
      %add3A_682 = arith.addi %mul3A_0, %add3A_667 : i32
      %dma_wait3A_683 = arith.constant 0 : i32
      %dma_wait3A_684 = arith.constant 0 : i32
      %dma_wait3A_685 = arith.constant 0 : i32
      %dma_wait3A_686 = tpu.memref_slice %arg8[%dma_wait3A_684, %dma_wait3A_685] : memref<4x128xi32, #tpu.memory_space<vmem>> -> memref<1x128xi32, #tpu.memory_space<vmem>>
      %dma_wait3A_687 = arith.constant 0 : i32
      %dma_wait3A_688 = tpu.memref_slice %arg4[%add3A_682, %dma_wait3A_687] : memref<2560x128xi32, #tpu.memory_space<hbm>> -> memref<1x128xi32, #tpu.memory_space<hbm>>
      %dma_wait3A_689 = tpu.memref_slice %arg14[%dma_wait3A_683] : memref<4x!tpu.dma_semaphore, #tpu.memory_space<semaphore_mem>> -> memref<1x!tpu.dma_semaphore, #tpu.memory_space<semaphore_mem>>
      %dma_wait3A_690 = tpu.memref_squeeze %dma_wait3A_689 : memref<1x!tpu.dma_semaphore, #tpu.memory_space<semaphore_mem>> -> memref<!tpu.dma_semaphore, #tpu.memory_space<semaphore_mem>>
      %dma_wait3A_691 = arith.constant 0 : i32
      %dma_wait3A_692 = arith.constant 0 : i32
      %dma_wait3A_693 = tpu.memref_slice %arg8[%dma_wait3A_691, %dma_wait3A_692] : memref<4x128xi32, #tpu.memory_space<vmem>> -> memref<1x128xi32, #tpu.memory_space<vmem>>
      %dma_wait3A_694 = arith.constant 0 : i32
      %dma_wait3A_695 = tpu.memref_slice %arg4[%add3A_682, %dma_wait3A_694] : memref<2560x128xi32, #tpu.memory_space<hbm>> -> memref<1x128xi32, #tpu.memory_space<hbm>>
      tpu.wait_dma2 semaphore(%dma_wait3A_690 : memref<!tpu.dma_semaphore, #tpu.memory_space<semaphore_mem>>) src(%dma_wait3A_695 : memref<1x128xi32, #tpu.memory_space<hbm>>) dst(%dma_wait3A_693 : memref<1x128xi32, #tpu.memory_space<vmem>>)
      %run_scoped3A_696 = arith.constant 0 : i32
      "tpu.region"() ({
        %run_scoped3A_990 = tpu.sem_alloc : memref<!tpu.dma_semaphore, #tpu.memory_space<semaphore_mem>>
        %dma_start3A_991 = arith.constant 0 : i32
        %dma_start3A_992 = tpu.memref_slice %arg7[%run_scoped3A_696, %dma_start3A_991] : memref<4x128xi32, #tpu.memory_space<vmem>> -> memref<1x128xi32, #tpu.memory_space<vmem>>
        %dma_start3A_993 = tpu.memref_squeeze %dma_start3A_992 : memref<1x128xi32, #tpu.memory_space<vmem>> -> memref<128xi32, #tpu.memory_space<vmem>>
        %dma_start3A_994 = arith.constant 0 : i32
        %dma_start3A_995 = arith.constant 0 : i32
        %dma_start3A_996 = tpu.memref_slice %arg16[%dma_start3A_994, %dma_start3A_995] : memref<10112x64xf32, #tpu.memory_space<vmem_shared>> -> memref<10112x64xf32, #tpu.memory_space<vmem_shared>>
        tpu.enqueue_indirect_dma source(%dma_start3A_996 : memref<10112x64xf32, #tpu.memory_space<vmem_shared>>) target(%arg9 : memref<128x64xf32, #tpu.memory_space<vmem>>) offsets(%dma_start3A_993 : memref<128xi32, #tpu.memory_space<vmem>>) semaphore(%run_scoped3A_990 : memref<!tpu.dma_semaphore, #tpu.memory_space<semaphore_mem>>)
        %dma_wait3A_997 = arith.constant 0 : i32
        %dma_wait3A_998 = tpu.memref_slice %arg7[%run_scoped3A_696, %dma_wait3A_997] : memref<4x128xi32, #tpu.memory_space<vmem>> -> memref<1x128xi32, #tpu.memory_space<vmem>>
        %dma_wait3A_999 = tpu.memref_squeeze %dma_wait3A_998 : memref<1x128xi32, #tpu.memory_space<vmem>> -> memref<128xi32, #tpu.memory_space<vmem>>
        %dma_wait3A_1000 = arith.constant 0 : i32
        %dma_wait3A_1001 = arith.constant 0 : i32
        %dma_wait3A_1002 = tpu.memref_slice %arg16[%dma_wait3A_1000, %dma_wait3A_1001] : memref<10112x64xf32, #tpu.memory_space<vmem_shared>> -> memref<10112x64xf32, #tpu.memory_space<vmem_shared>>
        tpu.wait_indirect_dma semaphore(%run_scoped3A_990 : memref<!tpu.dma_semaphore, #tpu.memory_space<semaphore_mem>>) src(%dma_wait3A_1002 : memref<10112x64xf32, #tpu.memory_space<vmem_shared>>) dst(%arg9 : memref<128x64xf32, #tpu.memory_space<vmem>>)
        tpu.yield
      }) : () -> ()
      %dma_start3A_697 = arith.constant 0 : i32
      %dma_start3A_698 = arith.constant 0 : i32
      %dma_start3A_699 = arith.constant 0 : i32
      %dma_start3A_700 = tpu.memref_slice %arg8[%dma_start3A_697, %dma_start3A_699] : memref<4x128xi32, #tpu.memory_space<vmem>> -> memref<1x128xi32, #tpu.memory_space<vmem>>
      %dma_start3A_701 = tpu.memref_squeeze %dma_start3A_700 : memref<1x128xi32, #tpu.memory_space<vmem>> -> memref<128xi32, #tpu.memory_space<vmem>>
      %dma_start3A_702 = arith.constant 0 : i32
      %dma_start3A_703 = arith.constant 0 : i32
      %dma_start3A_704 = tpu.memref_slice %arg17[%dma_start3A_702, %dma_start3A_703] : memref<10112x64xf32, #tpu.memory_space<vmem_shared>> -> memref<10112x64xf32, #tpu.memory_space<vmem_shared>>
      %dma_start3A_705 = tpu.memref_slice %arg15[%dma_start3A_698] : memref<4x!tpu.dma_semaphore, #tpu.memory_space<semaphore_mem>> -> memref<1x!tpu.dma_semaphore, #tpu.memory_space<semaphore_mem>>
      %dma_start3A_706 = tpu.memref_squeeze %dma_start3A_705 : memref<1x!tpu.dma_semaphore, #tpu.memory_space<semaphore_mem>> -> memref<!tpu.dma_semaphore, #tpu.memory_space<semaphore_mem>>
      tpu.enqueue_indirect_dma source(%arg9 : memref<128x64xf32, #tpu.memory_space<vmem>>) target(%dma_start3A_704 : memref<10112x64xf32, #tpu.memory_space<vmem_shared>>) offsets(%dma_start3A_701 : memref<128xi32, #tpu.memory_space<vmem>>) semaphore(%dma_start3A_706 : memref<!tpu.dma_semaphore, #tpu.memory_space<semaphore_mem>>) {add = true}
      %dma_wait3A_707 = arith.constant 2 : i32
      %dma_wait3A_708 = arith.constant 2 : i32
      %dma_wait3A_709 = arith.constant 0 : i32
      %dma_wait3A_710 = tpu.memref_slice %arg8[%dma_wait3A_707, %dma_wait3A_709] : memref<4x128xi32, #tpu.memory_space<vmem>> -> memref<1x128xi32, #tpu.memory_space<vmem>>
      %dma_wait3A_711 = tpu.memref_squeeze %dma_wait3A_710 : memref<1x128xi32, #tpu.memory_space<vmem>> -> memref<128xi32, #tpu.memory_space<vmem>>
      %dma_wait3A_712 = arith.constant 0 : i32
      %dma_wait3A_713 = arith.constant 0 : i32
      %dma_wait3A_714 = tpu.memref_slice %arg17[%dma_wait3A_712, %dma_wait3A_713] : memref<10112x64xf32, #tpu.memory_space<vmem_shared>> -> memref<10112x64xf32, #tpu.memory_space<vmem_shared>>
      %dma_wait3A_715 = tpu.memref_slice %arg15[%dma_wait3A_708] : memref<4x!tpu.dma_semaphore, #tpu.memory_space<semaphore_mem>> -> memref<1x!tpu.dma_semaphore, #tpu.memory_space<semaphore_mem>>
      %dma_wait3A_716 = tpu.memref_squeeze %dma_wait3A_715 : memref<1x!tpu.dma_semaphore, #tpu.memory_space<semaphore_mem>> -> memref<!tpu.dma_semaphore, #tpu.memory_space<semaphore_mem>>
      tpu.wait_indirect_dma semaphore(%dma_wait3A_716 : memref<!tpu.dma_semaphore, #tpu.memory_space<semaphore_mem>>) src(%arg11 : memref<128x64xf32, #tpu.memory_space<vmem>>) dst(%dma_wait3A_714 : memref<10112x64xf32, #tpu.memory_space<vmem_shared>>)
      %add3A_717 = arith.constant 2 : i32
      %add3A_718 = arith.addi %add3A_667, %add3A_717 : i32
      %add3A_719 = arith.addi %mul3A_0, %add3A_718 : i32
      %dma_start3A_720 = arith.constant 2 : i32
      %dma_start3A_721 = arith.constant 2 : i32
      %dma_start3A_722 = arith.constant 0 : i32
      %dma_start3A_723 = tpu.memref_slice %arg7[%dma_start3A_721, %dma_start3A_722] : memref<4x128xi32, #tpu.memory_space<vmem>> -> memref<1x128xi32, #tpu.memory_space<vmem>>
      %dma_start3A_724 = arith.constant 0 : i32
      %dma_start3A_725 = tpu.memref_slice %arg3[%add3A_719, %dma_start3A_724] : memref<2560x128xi32, #tpu.memory_space<hbm>> -> memref<1x128xi32, #tpu.memory_space<hbm>>
      %dma_start3A_726 = tpu.memref_slice %arg13[%dma_start3A_720] : memref<4x!tpu.dma_semaphore, #tpu.memory_space<semaphore_mem>> -> memref<1x!tpu.dma_semaphore, #tpu.memory_space<semaphore_mem>>
      %dma_start3A_727 = tpu.memref_squeeze %dma_start3A_726 : memref<1x!tpu.dma_semaphore, #tpu.memory_space<semaphore_mem>> -> memref<!tpu.dma_semaphore, #tpu.memory_space<semaphore_mem>>
      %dma_start3A_728 = arith.constant 2 : i32
      %dma_start3A_729 = arith.constant 0 : i32
      %dma_start3A_730 = tpu.memref_slice %arg7[%dma_start3A_728, %dma_start3A_729] : memref<4x128xi32, #tpu.memory_space<vmem>> -> memref<1x128xi32, #tpu.memory_space<vmem>>
      %dma_start3A_731 = arith.constant 0 : i32
      %dma_start3A_732 = tpu.memref_slice %arg3[%add3A_719, %dma_start3A_731] : memref<2560x128xi32, #tpu.memory_space<hbm>> -> memref<1x128xi32, #tpu.memory_space<hbm>>
      tpu.enqueue_dma source(%dma_start3A_732 : memref<1x128xi32, #tpu.memory_space<hbm>>) target(%dma_start3A_730 : memref<1x128xi32, #tpu.memory_space<vmem>>) target_semaphore(%dma_start3A_727 : memref<!tpu.dma_semaphore, #tpu.memory_space<semaphore_mem>>)
      %add3A_733 = arith.addi %mul3A_0, %add3A_718 : i32
      %dma_start3A_734 = arith.constant 2 : i32
      %dma_start3A_735 = arith.constant 2 : i32
      %dma_start3A_736 = arith.constant 0 : i32
      %dma_start3A_737 = tpu.memref_slice %arg8[%dma_start3A_735, %dma_start3A_736] : memref<4x128xi32, #tpu.memory_space<vmem>> -> memref<1x128xi32, #tpu.memory_space<vmem>>
      %dma_start3A_738 = arith.constant 0 : i32
      %dma_start3A_739 = tpu.memref_slice %arg4[%add3A_733, %dma_start3A_738] : memref<2560x128xi32, #tpu.memory_space<hbm>> -> memref<1x128xi32, #tpu.memory_space<hbm>>
      %dma_start3A_740 = tpu.memref_slice %arg14[%dma_start3A_734] : memref<4x!tpu.dma_semaphore, #tpu.memory_space<semaphore_mem>> -> memref<1x!tpu.dma_semaphore, #tpu.memory_space<semaphore_mem>>
      %dma_start3A_741 = tpu.memref_squeeze %dma_start3A_740 : memref<1x!tpu.dma_semaphore, #tpu.memory_space<semaphore_mem>> -> memref<!tpu.dma_semaphore, #tpu.memory_space<semaphore_mem>>
      %dma_start3A_742 = arith.constant 2 : i32
      %dma_start3A_743 = arith.constant 0 : i32
      %dma_start3A_744 = tpu.memref_slice %arg8[%dma_start3A_742, %dma_start3A_743] : memref<4x128xi32, #tpu.memory_space<vmem>> -> memref<1x128xi32, #tpu.memory_space<vmem>>
      %dma_start3A_745 = arith.constant 0 : i32
      %dma_start3A_746 = tpu.memref_slice %arg4[%add3A_733, %dma_start3A_745] : memref<2560x128xi32, #tpu.memory_space<hbm>> -> memref<1x128xi32, #tpu.memory_space<hbm>>
      tpu.enqueue_dma source(%dma_start3A_746 : memref<1x128xi32, #tpu.memory_space<hbm>>) target(%dma_start3A_744 : memref<1x128xi32, #tpu.memory_space<vmem>>) target_semaphore(%dma_start3A_741 : memref<!tpu.dma_semaphore, #tpu.memory_space<semaphore_mem>>)
      %add3A_747 = arith.constant 1 : i32
      %add3A_748 = arith.addi %mul3A_665, %add3A_747 : i32
      %add3A_749 = arith.addi %mul3A_0, %add3A_748 : i32
      %dma_wait3A_750 = arith.constant 1 : i32
      %dma_wait3A_751 = arith.constant 1 : i32
      %dma_wait3A_752 = arith.constant 0 : i32
      %dma_wait3A_753 = tpu.memref_slice %arg7[%dma_wait3A_751, %dma_wait3A_752] : memref<4x128xi32, #tpu.memory_space<vmem>> -> memref<1x128xi32, #tpu.memory_space<vmem>>
      %dma_wait3A_754 = arith.constant 0 : i32
      %dma_wait3A_755 = tpu.memref_slice %arg3[%add3A_749, %dma_wait3A_754] : memref<2560x128xi32, #tpu.memory_space<hbm>> -> memref<1x128xi32, #tpu.memory_space<hbm>>
      %dma_wait3A_756 = tpu.memref_slice %arg13[%dma_wait3A_750] : memref<4x!tpu.dma_semaphore, #tpu.memory_space<semaphore_mem>> -> memref<1x!tpu.dma_semaphore, #tpu.memory_space<semaphore_mem>>
      %dma_wait3A_757 = tpu.memref_squeeze %dma_wait3A_756 : memref<1x!tpu.dma_semaphore, #tpu.memory_space<semaphore_mem>> -> memref<!tpu.dma_semaphore, #tpu.memory_space<semaphore_mem>>
      %dma_wait3A_758 = arith.constant 1 : i32
      %dma_wait3A_759 = arith.constant 0 : i32
      %dma_wait3A_760 = tpu.memref_slice %arg7[%dma_wait3A_758, %dma_wait3A_759] : memref<4x128xi32, #tpu.memory_space<vmem>> -> memref<1x128xi32, #tpu.memory_space<vmem>>
      %dma_wait3A_761 = arith.constant 0 : i32
      %dma_wait3A_762 = tpu.memref_slice %arg3[%add3A_749, %dma_wait3A_761] : memref<2560x128xi32, #tpu.memory_space<hbm>> -> memref<1x128xi32, #tpu.memory_space<hbm>>
      tpu.wait_dma2 semaphore(%dma_wait3A_757 : memref<!tpu.dma_semaphore, #tpu.memory_space<semaphore_mem>>) src(%dma_wait3A_762 : memref<1x128xi32, #tpu.memory_space<hbm>>) dst(%dma_wait3A_760 : memref<1x128xi32, #tpu.memory_space<vmem>>)
      %add3A_763 = arith.addi %mul3A_0, %add3A_748 : i32
      %dma_wait3A_764 = arith.constant 1 : i32
      %dma_wait3A_765 = arith.constant 1 : i32
      %dma_wait3A_766 = arith.constant 0 : i32
      %dma_wait3A_767 = tpu.memref_slice %arg8[%dma_wait3A_765, %dma_wait3A_766] : memref<4x128xi32, #tpu.memory_space<vmem>> -> memref<1x128xi32, #tpu.memory_space<vmem>>
      %dma_wait3A_768 = arith.constant 0 : i32
      %dma_wait3A_769 = tpu.memref_slice %arg4[%add3A_763, %dma_wait3A_768] : memref<2560x128xi32, #tpu.memory_space<hbm>> -> memref<1x128xi32, #tpu.memory_space<hbm>>
      %dma_wait3A_770 = tpu.memref_slice %arg14[%dma_wait3A_764] : memref<4x!tpu.dma_semaphore, #tpu.memory_space<semaphore_mem>> -> memref<1x!tpu.dma_semaphore, #tpu.memory_space<semaphore_mem>>
      %dma_wait3A_771 = tpu.memref_squeeze %dma_wait3A_770 : memref<1x!tpu.dma_semaphore, #tpu.memory_space<semaphore_mem>> -> memref<!tpu.dma_semaphore, #tpu.memory_space<semaphore_mem>>
      %dma_wait3A_772 = arith.constant 1 : i32
      %dma_wait3A_773 = arith.constant 0 : i32
      %dma_wait3A_774 = tpu.memref_slice %arg8[%dma_wait3A_772, %dma_wait3A_773] : memref<4x128xi32, #tpu.memory_space<vmem>> -> memref<1x128xi32, #tpu.memory_space<vmem>>
      %dma_wait3A_775 = arith.constant 0 : i32
      %dma_wait3A_776 = tpu.memref_slice %arg4[%add3A_763, %dma_wait3A_775] : memref<2560x128xi32, #tpu.memory_space<hbm>> -> memref<1x128xi32, #tpu.memory_space<hbm>>
      tpu.wait_dma2 semaphore(%dma_wait3A_771 : memref<!tpu.dma_semaphore, #tpu.memory_space<semaphore_mem>>) src(%dma_wait3A_776 : memref<1x128xi32, #tpu.memory_space<hbm>>) dst(%dma_wait3A_774 : memref<1x128xi32, #tpu.memory_space<vmem>>)
      %run_scoped3A_777 = arith.constant 1 : i32
      "tpu.region"() ({
        %run_scoped3A_990 = tpu.sem_alloc : memref<!tpu.dma_semaphore, #tpu.memory_space<semaphore_mem>>
        %dma_start3A_991 = arith.constant 0 : i32
        %dma_start3A_992 = tpu.memref_slice %arg7[%run_scoped3A_777, %dma_start3A_991] : memref<4x128xi32, #tpu.memory_space<vmem>> -> memref<1x128xi32, #tpu.memory_space<vmem>>
        %dma_start3A_993 = tpu.memref_squeeze %dma_start3A_992 : memref<1x128xi32, #tpu.memory_space<vmem>> -> memref<128xi32, #tpu.memory_space<vmem>>
        %dma_start3A_994 = arith.constant 0 : i32
        %dma_start3A_995 = arith.constant 0 : i32
        %dma_start3A_996 = tpu.memref_slice %arg16[%dma_start3A_994, %dma_start3A_995] : memref<10112x64xf32, #tpu.memory_space<vmem_shared>> -> memref<10112x64xf32, #tpu.memory_space<vmem_shared>>
        tpu.enqueue_indirect_dma source(%dma_start3A_996 : memref<10112x64xf32, #tpu.memory_space<vmem_shared>>) target(%arg10 : memref<128x64xf32, #tpu.memory_space<vmem>>) offsets(%dma_start3A_993 : memref<128xi32, #tpu.memory_space<vmem>>) semaphore(%run_scoped3A_990 : memref<!tpu.dma_semaphore, #tpu.memory_space<semaphore_mem>>)
        %dma_wait3A_997 = arith.constant 0 : i32
        %dma_wait3A_998 = tpu.memref_slice %arg7[%run_scoped3A_777, %dma_wait3A_997] : memref<4x128xi32, #tpu.memory_space<vmem>> -> memref<1x128xi32, #tpu.memory_space<vmem>>
        %dma_wait3A_999 = tpu.memref_squeeze %dma_wait3A_998 : memref<1x128xi32, #tpu.memory_space<vmem>> -> memref<128xi32, #tpu.memory_space<vmem>>
        %dma_wait3A_1000 = arith.constant 0 : i32
        %dma_wait3A_1001 = arith.constant 0 : i32
        %dma_wait3A_1002 = tpu.memref_slice %arg16[%dma_wait3A_1000, %dma_wait3A_1001] : memref<10112x64xf32, #tpu.memory_space<vmem_shared>> -> memref<10112x64xf32, #tpu.memory_space<vmem_shared>>
        tpu.wait_indirect_dma semaphore(%run_scoped3A_990 : memref<!tpu.dma_semaphore, #tpu.memory_space<semaphore_mem>>) src(%dma_wait3A_1002 : memref<10112x64xf32, #tpu.memory_space<vmem_shared>>) dst(%arg10 : memref<128x64xf32, #tpu.memory_space<vmem>>)
        tpu.yield
      }) : () -> ()
      %dma_start3A_778 = arith.constant 1 : i32
      %dma_start3A_779 = arith.constant 1 : i32
      %dma_start3A_780 = arith.constant 0 : i32
      %dma_start3A_781 = tpu.memref_slice %arg8[%dma_start3A_778, %dma_start3A_780] : memref<4x128xi32, #tpu.memory_space<vmem>> -> memref<1x128xi32, #tpu.memory_space<vmem>>
      %dma_start3A_782 = tpu.memref_squeeze %dma_start3A_781 : memref<1x128xi32, #tpu.memory_space<vmem>> -> memref<128xi32, #tpu.memory_space<vmem>>
      %dma_start3A_783 = arith.constant 0 : i32
      %dma_start3A_784 = arith.constant 0 : i32
      %dma_start3A_785 = tpu.memref_slice %arg17[%dma_start3A_783, %dma_start3A_784] : memref<10112x64xf32, #tpu.memory_space<vmem_shared>> -> memref<10112x64xf32, #tpu.memory_space<vmem_shared>>
      %dma_start3A_786 = tpu.memref_slice %arg15[%dma_start3A_779] : memref<4x!tpu.dma_semaphore, #tpu.memory_space<semaphore_mem>> -> memref<1x!tpu.dma_semaphore, #tpu.memory_space<semaphore_mem>>
      %dma_start3A_787 = tpu.memref_squeeze %dma_start3A_786 : memref<1x!tpu.dma_semaphore, #tpu.memory_space<semaphore_mem>> -> memref<!tpu.dma_semaphore, #tpu.memory_space<semaphore_mem>>
      tpu.enqueue_indirect_dma source(%arg10 : memref<128x64xf32, #tpu.memory_space<vmem>>) target(%dma_start3A_785 : memref<10112x64xf32, #tpu.memory_space<vmem_shared>>) offsets(%dma_start3A_782 : memref<128xi32, #tpu.memory_space<vmem>>) semaphore(%dma_start3A_787 : memref<!tpu.dma_semaphore, #tpu.memory_space<semaphore_mem>>) {add = true}
      %dma_wait3A_788 = arith.constant 3 : i32
      %dma_wait3A_789 = arith.constant 3 : i32
      %dma_wait3A_790 = arith.constant 0 : i32
      %dma_wait3A_791 = tpu.memref_slice %arg8[%dma_wait3A_788, %dma_wait3A_790] : memref<4x128xi32, #tpu.memory_space<vmem>> -> memref<1x128xi32, #tpu.memory_space<vmem>>
      %dma_wait3A_792 = tpu.memref_squeeze %dma_wait3A_791 : memref<1x128xi32, #tpu.memory_space<vmem>> -> memref<128xi32, #tpu.memory_space<vmem>>
      %dma_wait3A_793 = arith.constant 0 : i32
      %dma_wait3A_794 = arith.constant 0 : i32
      %dma_wait3A_795 = tpu.memref_slice %arg17[%dma_wait3A_793, %dma_wait3A_794] : memref<10112x64xf32, #tpu.memory_space<vmem_shared>> -> memref<10112x64xf32, #tpu.memory_space<vmem_shared>>
      %dma_wait3A_796 = tpu.memref_slice %arg15[%dma_wait3A_789] : memref<4x!tpu.dma_semaphore, #tpu.memory_space<semaphore_mem>> -> memref<1x!tpu.dma_semaphore, #tpu.memory_space<semaphore_mem>>
      %dma_wait3A_797 = tpu.memref_squeeze %dma_wait3A_796 : memref<1x!tpu.dma_semaphore, #tpu.memory_space<semaphore_mem>> -> memref<!tpu.dma_semaphore, #tpu.memory_space<semaphore_mem>>
      tpu.wait_indirect_dma semaphore(%dma_wait3A_797 : memref<!tpu.dma_semaphore, #tpu.memory_space<semaphore_mem>>) src(%arg12 : memref<128x64xf32, #tpu.memory_space<vmem>>) dst(%dma_wait3A_795 : memref<10112x64xf32, #tpu.memory_space<vmem_shared>>)
      %add3A_798 = arith.constant 2 : i32
      %add3A_799 = arith.addi %add3A_748, %add3A_798 : i32
      %add3A_800 = arith.addi %mul3A_0, %add3A_799 : i32
      %dma_start3A_801 = arith.constant 3 : i32
      %dma_start3A_802 = arith.constant 3 : i32
      %dma_start3A_803 = arith.constant 0 : i32
      %dma_start3A_804 = tpu.memref_slice %arg7[%dma_start3A_802, %dma_start3A_803] : memref<4x128xi32, #tpu.memory_space<vmem>> -> memref<1x128xi32, #tpu.memory_space<vmem>>
      %dma_start3A_805 = arith.constant 0 : i32
      %dma_start3A_806 = tpu.memref_slice %arg3[%add3A_800, %dma_start3A_805] : memref<2560x128xi32, #tpu.memory_space<hbm>> -> memref<1x128xi32, #tpu.memory_space<hbm>>
      %dma_start3A_807 = tpu.memref_slice %arg13[%dma_start3A_801] : memref<4x!tpu.dma_semaphore, #tpu.memory_space<semaphore_mem>> -> memref<1x!tpu.dma_semaphore, #tpu.memory_space<semaphore_mem>>
      %dma_start3A_808 = tpu.memref_squeeze %dma_start3A_807 : memref<1x!tpu.dma_semaphore, #tpu.memory_space<semaphore_mem>> -> memref<!tpu.dma_semaphore, #tpu.memory_space<semaphore_mem>>
      %dma_start3A_809 = arith.constant 3 : i32
      %dma_start3A_810 = arith.constant 0 : i32
      %dma_start3A_811 = tpu.memref_slice %arg7[%dma_start3A_809, %dma_start3A_810] : memref<4x128xi32, #tpu.memory_space<vmem>> -> memref<1x128xi32, #tpu.memory_space<vmem>>
      %dma_start3A_812 = arith.constant 0 : i32
      %dma_start3A_813 = tpu.memref_slice %arg3[%add3A_800, %dma_start3A_812] : memref<2560x128xi32, #tpu.memory_space<hbm>> -> memref<1x128xi32, #tpu.memory_space<hbm>>
      tpu.enqueue_dma source(%dma_start3A_813 : memref<1x128xi32, #tpu.memory_space<hbm>>) target(%dma_start3A_811 : memref<1x128xi32, #tpu.memory_space<vmem>>) target_semaphore(%dma_start3A_808 : memref<!tpu.dma_semaphore, #tpu.memory_space<semaphore_mem>>)
      %add3A_814 = arith.addi %mul3A_0, %add3A_799 : i32
      %dma_start3A_815 = arith.constant 3 : i32
      %dma_start3A_816 = arith.constant 3 : i32
      %dma_start3A_817 = arith.constant 0 : i32
      %dma_start3A_818 = tpu.memref_slice %arg8[%dma_start3A_816, %dma_start3A_817] : memref<4x128xi32, #tpu.memory_space<vmem>> -> memref<1x128xi32, #tpu.memory_space<vmem>>
      %dma_start3A_819 = arith.constant 0 : i32
      %dma_start3A_820 = tpu.memref_slice %arg4[%add3A_814, %dma_start3A_819] : memref<2560x128xi32, #tpu.memory_space<hbm>> -> memref<1x128xi32, #tpu.memory_space<hbm>>
      %dma_start3A_821 = tpu.memref_slice %arg14[%dma_start3A_815] : memref<4x!tpu.dma_semaphore, #tpu.memory_space<semaphore_mem>> -> memref<1x!tpu.dma_semaphore, #tpu.memory_space<semaphore_mem>>
      %dma_start3A_822 = tpu.memref_squeeze %dma_start3A_821 : memref<1x!tpu.dma_semaphore, #tpu.memory_space<semaphore_mem>> -> memref<!tpu.dma_semaphore, #tpu.memory_space<semaphore_mem>>
      %dma_start3A_823 = arith.constant 3 : i32
      %dma_start3A_824 = arith.constant 0 : i32
      %dma_start3A_825 = tpu.memref_slice %arg8[%dma_start3A_823, %dma_start3A_824] : memref<4x128xi32, #tpu.memory_space<vmem>> -> memref<1x128xi32, #tpu.memory_space<vmem>>
      %dma_start3A_826 = arith.constant 0 : i32
      %dma_start3A_827 = tpu.memref_slice %arg4[%add3A_814, %dma_start3A_826] : memref<2560x128xi32, #tpu.memory_space<hbm>> -> memref<1x128xi32, #tpu.memory_space<hbm>>
      tpu.enqueue_dma source(%dma_start3A_827 : memref<1x128xi32, #tpu.memory_space<hbm>>) target(%dma_start3A_825 : memref<1x128xi32, #tpu.memory_space<vmem>>) target_semaphore(%dma_start3A_822 : memref<!tpu.dma_semaphore, #tpu.memory_space<semaphore_mem>>)
      %add3A_828 = arith.constant 2 : i32
      %add3A_829 = arith.addi %mul3A_665, %add3A_828 : i32
      %add3A_830 = arith.addi %mul3A_0, %add3A_829 : i32
      %dma_wait3A_831 = arith.constant 2 : i32
      %dma_wait3A_832 = arith.constant 2 : i32
      %dma_wait3A_833 = arith.constant 0 : i32
      %dma_wait3A_834 = tpu.memref_slice %arg7[%dma_wait3A_832, %dma_wait3A_833] : memref<4x128xi32, #tpu.memory_space<vmem>> -> memref<1x128xi32, #tpu.memory_space<vmem>>
      %dma_wait3A_835 = arith.constant 0 : i32
      %dma_wait3A_836 = tpu.memref_slice %arg3[%add3A_830, %dma_wait3A_835] : memref<2560x128xi32, #tpu.memory_space<hbm>> -> memref<1x128xi32, #tpu.memory_space<hbm>>
      %dma_wait3A_837 = tpu.memref_slice %arg13[%dma_wait3A_831] : memref<4x!tpu.dma_semaphore, #tpu.memory_space<semaphore_mem>> -> memref<1x!tpu.dma_semaphore, #tpu.memory_space<semaphore_mem>>
      %dma_wait3A_838 = tpu.memref_squeeze %dma_wait3A_837 : memref<1x!tpu.dma_semaphore, #tpu.memory_space<semaphore_mem>> -> memref<!tpu.dma_semaphore, #tpu.memory_space<semaphore_mem>>
      %dma_wait3A_839 = arith.constant 2 : i32
      %dma_wait3A_840 = arith.constant 0 : i32
      %dma_wait3A_841 = tpu.memref_slice %arg7[%dma_wait3A_839, %dma_wait3A_840] : memref<4x128xi32, #tpu.memory_space<vmem>> -> memref<1x128xi32, #tpu.memory_space<vmem>>
      %dma_wait3A_842 = arith.constant 0 : i32
      %dma_wait3A_843 = tpu.memref_slice %arg3[%add3A_830, %dma_wait3A_842] : memref<2560x128xi32, #tpu.memory_space<hbm>> -> memref<1x128xi32, #tpu.memory_space<hbm>>
      tpu.wait_dma2 semaphore(%dma_wait3A_838 : memref<!tpu.dma_semaphore, #tpu.memory_space<semaphore_mem>>) src(%dma_wait3A_843 : memref<1x128xi32, #tpu.memory_space<hbm>>) dst(%dma_wait3A_841 : memref<1x128xi32, #tpu.memory_space<vmem>>)
      %add3A_844 = arith.addi %mul3A_0, %add3A_829 : i32
      %dma_wait3A_845 = arith.constant 2 : i32
      %dma_wait3A_846 = arith.constant 2 : i32
      %dma_wait3A_847 = arith.constant 0 : i32
      %dma_wait3A_848 = tpu.memref_slice %arg8[%dma_wait3A_846, %dma_wait3A_847] : memref<4x128xi32, #tpu.memory_space<vmem>> -> memref<1x128xi32, #tpu.memory_space<vmem>>
      %dma_wait3A_849 = arith.constant 0 : i32
      %dma_wait3A_850 = tpu.memref_slice %arg4[%add3A_844, %dma_wait3A_849] : memref<2560x128xi32, #tpu.memory_space<hbm>> -> memref<1x128xi32, #tpu.memory_space<hbm>>
      %dma_wait3A_851 = tpu.memref_slice %arg14[%dma_wait3A_845] : memref<4x!tpu.dma_semaphore, #tpu.memory_space<semaphore_mem>> -> memref<1x!tpu.dma_semaphore, #tpu.memory_space<semaphore_mem>>
      %dma_wait3A_852 = tpu.memref_squeeze %dma_wait3A_851 : memref<1x!tpu.dma_semaphore, #tpu.memory_space<semaphore_mem>> -> memref<!tpu.dma_semaphore, #tpu.memory_space<semaphore_mem>>
      %dma_wait3A_853 = arith.constant 2 : i32
      %dma_wait3A_854 = arith.constant 0 : i32
      %dma_wait3A_855 = tpu.memref_slice %arg8[%dma_wait3A_853, %dma_wait3A_854] : memref<4x128xi32, #tpu.memory_space<vmem>> -> memref<1x128xi32, #tpu.memory_space<vmem>>
      %dma_wait3A_856 = arith.constant 0 : i32
      %dma_wait3A_857 = tpu.memref_slice %arg4[%add3A_844, %dma_wait3A_856] : memref<2560x128xi32, #tpu.memory_space<hbm>> -> memref<1x128xi32, #tpu.memory_space<hbm>>
      tpu.wait_dma2 semaphore(%dma_wait3A_852 : memref<!tpu.dma_semaphore, #tpu.memory_space<semaphore_mem>>) src(%dma_wait3A_857 : memref<1x128xi32, #tpu.memory_space<hbm>>) dst(%dma_wait3A_855 : memref<1x128xi32, #tpu.memory_space<vmem>>)
      %run_scoped3A_858 = arith.constant 2 : i32
      "tpu.region"() ({
        %run_scoped3A_990 = tpu.sem_alloc : memref<!tpu.dma_semaphore, #tpu.memory_space<semaphore_mem>>
        %dma_start3A_991 = arith.constant 0 : i32
        %dma_start3A_992 = tpu.memref_slice %arg7[%run_scoped3A_858, %dma_start3A_991] : memref<4x128xi32, #tpu.memory_space<vmem>> -> memref<1x128xi32, #tpu.memory_space<vmem>>
        %dma_start3A_993 = tpu.memref_squeeze %dma_start3A_992 : memref<1x128xi32, #tpu.memory_space<vmem>> -> memref<128xi32, #tpu.memory_space<vmem>>
        %dma_start3A_994 = arith.constant 0 : i32
        %dma_start3A_995 = arith.constant 0 : i32
        %dma_start3A_996 = tpu.memref_slice %arg16[%dma_start3A_994, %dma_start3A_995] : memref<10112x64xf32, #tpu.memory_space<vmem_shared>> -> memref<10112x64xf32, #tpu.memory_space<vmem_shared>>
        tpu.enqueue_indirect_dma source(%dma_start3A_996 : memref<10112x64xf32, #tpu.memory_space<vmem_shared>>) target(%arg11 : memref<128x64xf32, #tpu.memory_space<vmem>>) offsets(%dma_start3A_993 : memref<128xi32, #tpu.memory_space<vmem>>) semaphore(%run_scoped3A_990 : memref<!tpu.dma_semaphore, #tpu.memory_space<semaphore_mem>>)
        %dma_wait3A_997 = arith.constant 0 : i32
        %dma_wait3A_998 = tpu.memref_slice %arg7[%run_scoped3A_858, %dma_wait3A_997] : memref<4x128xi32, #tpu.memory_space<vmem>> -> memref<1x128xi32, #tpu.memory_space<vmem>>
        %dma_wait3A_999 = tpu.memref_squeeze %dma_wait3A_998 : memref<1x128xi32, #tpu.memory_space<vmem>> -> memref<128xi32, #tpu.memory_space<vmem>>
        %dma_wait3A_1000 = arith.constant 0 : i32
        %dma_wait3A_1001 = arith.constant 0 : i32
        %dma_wait3A_1002 = tpu.memref_slice %arg16[%dma_wait3A_1000, %dma_wait3A_1001] : memref<10112x64xf32, #tpu.memory_space<vmem_shared>> -> memref<10112x64xf32, #tpu.memory_space<vmem_shared>>
        tpu.wait_indirect_dma semaphore(%run_scoped3A_990 : memref<!tpu.dma_semaphore, #tpu.memory_space<semaphore_mem>>) src(%dma_wait3A_1002 : memref<10112x64xf32, #tpu.memory_space<vmem_shared>>) dst(%arg11 : memref<128x64xf32, #tpu.memory_space<vmem>>)
        tpu.yield
      }) : () -> ()
      %dma_start3A_859 = arith.constant 2 : i32
      %dma_start3A_860 = arith.constant 2 : i32
      %dma_start3A_861 = arith.constant 0 : i32
      %dma_start3A_862 = tpu.memref_slice %arg8[%dma_start3A_859, %dma_start3A_861] : memref<4x128xi32, #tpu.memory_space<vmem>> -> memref<1x128xi32, #tpu.memory_space<vmem>>
      %dma_start3A_863 = tpu.memref_squeeze %dma_start3A_862 : memref<1x128xi32, #tpu.memory_space<vmem>> -> memref<128xi32, #tpu.memory_space<vmem>>
      %dma_start3A_864 = arith.constant 0 : i32
      %dma_start3A_865 = arith.constant 0 : i32
      %dma_start3A_866 = tpu.memref_slice %arg17[%dma_start3A_864, %dma_start3A_865] : memref<10112x64xf32, #tpu.memory_space<vmem_shared>> -> memref<10112x64xf32, #tpu.memory_space<vmem_shared>>
      %dma_start3A_867 = tpu.memref_slice %arg15[%dma_start3A_860] : memref<4x!tpu.dma_semaphore, #tpu.memory_space<semaphore_mem>> -> memref<1x!tpu.dma_semaphore, #tpu.memory_space<semaphore_mem>>
      %dma_start3A_868 = tpu.memref_squeeze %dma_start3A_867 : memref<1x!tpu.dma_semaphore, #tpu.memory_space<semaphore_mem>> -> memref<!tpu.dma_semaphore, #tpu.memory_space<semaphore_mem>>
      tpu.enqueue_indirect_dma source(%arg11 : memref<128x64xf32, #tpu.memory_space<vmem>>) target(%dma_start3A_866 : memref<10112x64xf32, #tpu.memory_space<vmem_shared>>) offsets(%dma_start3A_863 : memref<128xi32, #tpu.memory_space<vmem>>) semaphore(%dma_start3A_868 : memref<!tpu.dma_semaphore, #tpu.memory_space<semaphore_mem>>) {add = true}
      %dma_wait3A_869 = arith.constant 0 : i32
      %dma_wait3A_870 = arith.constant 0 : i32
      %dma_wait3A_871 = arith.constant 0 : i32
      %dma_wait3A_872 = tpu.memref_slice %arg8[%dma_wait3A_869, %dma_wait3A_871] : memref<4x128xi32, #tpu.memory_space<vmem>> -> memref<1x128xi32, #tpu.memory_space<vmem>>
      %dma_wait3A_873 = tpu.memref_squeeze %dma_wait3A_872 : memref<1x128xi32, #tpu.memory_space<vmem>> -> memref<128xi32, #tpu.memory_space<vmem>>
      %dma_wait3A_874 = arith.constant 0 : i32
      %dma_wait3A_875 = arith.constant 0 : i32
      %dma_wait3A_876 = tpu.memref_slice %arg17[%dma_wait3A_874, %dma_wait3A_875] : memref<10112x64xf32, #tpu.memory_space<vmem_shared>> -> memref<10112x64xf32, #tpu.memory_space<vmem_shared>>
      %dma_wait3A_877 = tpu.memref_slice %arg15[%dma_wait3A_870] : memref<4x!tpu.dma_semaphore, #tpu.memory_space<semaphore_mem>> -> memref<1x!tpu.dma_semaphore, #tpu.memory_space<semaphore_mem>>
      %dma_wait3A_878 = tpu.memref_squeeze %dma_wait3A_877 : memref<1x!tpu.dma_semaphore, #tpu.memory_space<semaphore_mem>> -> memref<!tpu.dma_semaphore, #tpu.memory_space<semaphore_mem>>
      tpu.wait_indirect_dma semaphore(%dma_wait3A_878 : memref<!tpu.dma_semaphore, #tpu.memory_space<semaphore_mem>>) src(%arg9 : memref<128x64xf32, #tpu.memory_space<vmem>>) dst(%dma_wait3A_876 : memref<10112x64xf32, #tpu.memory_space<vmem_shared>>)
      %add3A_879 = arith.constant 2 : i32
      %add3A_880 = arith.addi %add3A_829, %add3A_879 : i32
      %add3A_881 = arith.addi %mul3A_0, %add3A_880 : i32
      %dma_start3A_882 = arith.constant 0 : i32
      %dma_start3A_883 = arith.constant 0 : i32
      %dma_start3A_884 = arith.constant 0 : i32
      %dma_start3A_885 = tpu.memref_slice %arg7[%dma_start3A_883, %dma_start3A_884] : memref<4x128xi32, #tpu.memory_space<vmem>> -> memref<1x128xi32, #tpu.memory_space<vmem>>
      %dma_start3A_886 = arith.constant 0 : i32
      %dma_start3A_887 = tpu.memref_slice %arg3[%add3A_881, %dma_start3A_886] : memref<2560x128xi32, #tpu.memory_space<hbm>> -> memref<1x128xi32, #tpu.memory_space<hbm>>
      %dma_start3A_888 = tpu.memref_slice %arg13[%dma_start3A_882] : memref<4x!tpu.dma_semaphore, #tpu.memory_space<semaphore_mem>> -> memref<1x!tpu.dma_semaphore, #tpu.memory_space<semaphore_mem>>
      %dma_start3A_889 = tpu.memref_squeeze %dma_start3A_888 : memref<1x!tpu.dma_semaphore, #tpu.memory_space<semaphore_mem>> -> memref<!tpu.dma_semaphore, #tpu.memory_space<semaphore_mem>>
      %dma_start3A_890 = arith.constant 0 : i32
      %dma_start3A_891 = arith.constant 0 : i32
      %dma_start3A_892 = tpu.memref_slice %arg7[%dma_start3A_890, %dma_start3A_891] : memref<4x128xi32, #tpu.memory_space<vmem>> -> memref<1x128xi32, #tpu.memory_space<vmem>>
      %dma_start3A_893 = arith.constant 0 : i32
      %dma_start3A_894 = tpu.memref_slice %arg3[%add3A_881, %dma_start3A_893] : memref<2560x128xi32, #tpu.memory_space<hbm>> -> memref<1x128xi32, #tpu.memory_space<hbm>>
      tpu.enqueue_dma source(%dma_start3A_894 : memref<1x128xi32, #tpu.memory_space<hbm>>) target(%dma_start3A_892 : memref<1x128xi32, #tpu.memory_space<vmem>>) target_semaphore(%dma_start3A_889 : memref<!tpu.dma_semaphore, #tpu.memory_space<semaphore_mem>>)
      %add3A_895 = arith.addi %mul3A_0, %add3A_880 : i32
      %dma_start3A_896 = arith.constant 0 : i32
      %dma_start3A_897 = arith.constant 0 : i32
      %dma_start3A_898 = arith.constant 0 : i32
      %dma_start3A_899 = tpu.memref_slice %arg8[%dma_start3A_897, %dma_start3A_898] : memref<4x128xi32, #tpu.memory_space<vmem>> -> memref<1x128xi32, #tpu.memory_space<vmem>>
      %dma_start3A_900 = arith.constant 0 : i32
      %dma_start3A_901 = tpu.memref_slice %arg4[%add3A_895, %dma_start3A_900] : memref<2560x128xi32, #tpu.memory_space<hbm>> -> memref<1x128xi32, #tpu.memory_space<hbm>>
      %dma_start3A_902 = tpu.memref_slice %arg14[%dma_start3A_896] : memref<4x!tpu.dma_semaphore, #tpu.memory_space<semaphore_mem>> -> memref<1x!tpu.dma_semaphore, #tpu.memory_space<semaphore_mem>>
      %dma_start3A_903 = tpu.memref_squeeze %dma_start3A_902 : memref<1x!tpu.dma_semaphore, #tpu.memory_space<semaphore_mem>> -> memref<!tpu.dma_semaphore, #tpu.memory_space<semaphore_mem>>
      %dma_start3A_904 = arith.constant 0 : i32
      %dma_start3A_905 = arith.constant 0 : i32
      %dma_start3A_906 = tpu.memref_slice %arg8[%dma_start3A_904, %dma_start3A_905] : memref<4x128xi32, #tpu.memory_space<vmem>> -> memref<1x128xi32, #tpu.memory_space<vmem>>
      %dma_start3A_907 = arith.constant 0 : i32
      %dma_start3A_908 = tpu.memref_slice %arg4[%add3A_895, %dma_start3A_907] : memref<2560x128xi32, #tpu.memory_space<hbm>> -> memref<1x128xi32, #tpu.memory_space<hbm>>
      tpu.enqueue_dma source(%dma_start3A_908 : memref<1x128xi32, #tpu.memory_space<hbm>>) target(%dma_start3A_906 : memref<1x128xi32, #tpu.memory_space<vmem>>) target_semaphore(%dma_start3A_903 : memref<!tpu.dma_semaphore, #tpu.memory_space<semaphore_mem>>)
      %add3A_909 = arith.constant 3 : i32
      %add3A_910 = arith.addi %mul3A_665, %add3A_909 : i32
      %add3A_911 = arith.addi %mul3A_0, %add3A_910 : i32
      %dma_wait3A_912 = arith.constant 3 : i32
      %dma_wait3A_913 = arith.constant 3 : i32
      %dma_wait3A_914 = arith.constant 0 : i32
      %dma_wait3A_915 = tpu.memref_slice %arg7[%dma_wait3A_913, %dma_wait3A_914] : memref<4x128xi32, #tpu.memory_space<vmem>> -> memref<1x128xi32, #tpu.memory_space<vmem>>
      %dma_wait3A_916 = arith.constant 0 : i32
      %dma_wait3A_917 = tpu.memref_slice %arg3[%add3A_911, %dma_wait3A_916] : memref<2560x128xi32, #tpu.memory_space<hbm>> -> memref<1x128xi32, #tpu.memory_space<hbm>>
      %dma_wait3A_918 = tpu.memref_slice %arg13[%dma_wait3A_912] : memref<4x!tpu.dma_semaphore, #tpu.memory_space<semaphore_mem>> -> memref<1x!tpu.dma_semaphore, #tpu.memory_space<semaphore_mem>>
      %dma_wait3A_919 = tpu.memref_squeeze %dma_wait3A_918 : memref<1x!tpu.dma_semaphore, #tpu.memory_space<semaphore_mem>> -> memref<!tpu.dma_semaphore, #tpu.memory_space<semaphore_mem>>
      %dma_wait3A_920 = arith.constant 3 : i32
      %dma_wait3A_921 = arith.constant 0 : i32
      %dma_wait3A_922 = tpu.memref_slice %arg7[%dma_wait3A_920, %dma_wait3A_921] : memref<4x128xi32, #tpu.memory_space<vmem>> -> memref<1x128xi32, #tpu.memory_space<vmem>>
      %dma_wait3A_923 = arith.constant 0 : i32
      %dma_wait3A_924 = tpu.memref_slice %arg3[%add3A_911, %dma_wait3A_923] : memref<2560x128xi32, #tpu.memory_space<hbm>> -> memref<1x128xi32, #tpu.memory_space<hbm>>
      tpu.wait_dma2 semaphore(%dma_wait3A_919 : memref<!tpu.dma_semaphore, #tpu.memory_space<semaphore_mem>>) src(%dma_wait3A_924 : memref<1x128xi32, #tpu.memory_space<hbm>>) dst(%dma_wait3A_922 : memref<1x128xi32, #tpu.memory_space<vmem>>)
      %add3A_925 = arith.addi %mul3A_0, %add3A_910 : i32
      %dma_wait3A_926 = arith.constant 3 : i32
      %dma_wait3A_927 = arith.constant 3 : i32
      %dma_wait3A_928 = arith.constant 0 : i32
      %dma_wait3A_929 = tpu.memref_slice %arg8[%dma_wait3A_927, %dma_wait3A_928] : memref<4x128xi32, #tpu.memory_space<vmem>> -> memref<1x128xi32, #tpu.memory_space<vmem>>
      %dma_wait3A_930 = arith.constant 0 : i32
      %dma_wait3A_931 = tpu.memref_slice %arg4[%add3A_925, %dma_wait3A_930] : memref<2560x128xi32, #tpu.memory_space<hbm>> -> memref<1x128xi32, #tpu.memory_space<hbm>>
      %dma_wait3A_932 = tpu.memref_slice %arg14[%dma_wait3A_926] : memref<4x!tpu.dma_semaphore, #tpu.memory_space<semaphore_mem>> -> memref<1x!tpu.dma_semaphore, #tpu.memory_space<semaphore_mem>>
      %dma_wait3A_933 = tpu.memref_squeeze %dma_wait3A_932 : memref<1x!tpu.dma_semaphore, #tpu.memory_space<semaphore_mem>> -> memref<!tpu.dma_semaphore, #tpu.memory_space<semaphore_mem>>
      %dma_wait3A_934 = arith.constant 3 : i32
      %dma_wait3A_935 = arith.constant 0 : i32
      %dma_wait3A_936 = tpu.memref_slice %arg8[%dma_wait3A_934, %dma_wait3A_935] : memref<4x128xi32, #tpu.memory_space<vmem>> -> memref<1x128xi32, #tpu.memory_space<vmem>>
      %dma_wait3A_937 = arith.constant 0 : i32
      %dma_wait3A_938 = tpu.memref_slice %arg4[%add3A_925, %dma_wait3A_937] : memref<2560x128xi32, #tpu.memory_space<hbm>> -> memref<1x128xi32, #tpu.memory_space<hbm>>
      tpu.wait_dma2 semaphore(%dma_wait3A_933 : memref<!tpu.dma_semaphore, #tpu.memory_space<semaphore_mem>>) src(%dma_wait3A_938 : memref<1x128xi32, #tpu.memory_space<hbm>>) dst(%dma_wait3A_936 : memref<1x128xi32, #tpu.memory_space<vmem>>)
      %run_scoped3A_939 = arith.constant 3 : i32
      "tpu.region"() ({
        %run_scoped3A_990 = tpu.sem_alloc : memref<!tpu.dma_semaphore, #tpu.memory_space<semaphore_mem>>
        %dma_start3A_991 = arith.constant 0 : i32
        %dma_start3A_992 = tpu.memref_slice %arg7[%run_scoped3A_939, %dma_start3A_991] : memref<4x128xi32, #tpu.memory_space<vmem>> -> memref<1x128xi32, #tpu.memory_space<vmem>>
        %dma_start3A_993 = tpu.memref_squeeze %dma_start3A_992 : memref<1x128xi32, #tpu.memory_space<vmem>> -> memref<128xi32, #tpu.memory_space<vmem>>
        %dma_start3A_994 = arith.constant 0 : i32
        %dma_start3A_995 = arith.constant 0 : i32
        %dma_start3A_996 = tpu.memref_slice %arg16[%dma_start3A_994, %dma_start3A_995] : memref<10112x64xf32, #tpu.memory_space<vmem_shared>> -> memref<10112x64xf32, #tpu.memory_space<vmem_shared>>
        tpu.enqueue_indirect_dma source(%dma_start3A_996 : memref<10112x64xf32, #tpu.memory_space<vmem_shared>>) target(%arg12 : memref<128x64xf32, #tpu.memory_space<vmem>>) offsets(%dma_start3A_993 : memref<128xi32, #tpu.memory_space<vmem>>) semaphore(%run_scoped3A_990 : memref<!tpu.dma_semaphore, #tpu.memory_space<semaphore_mem>>)
        %dma_wait3A_997 = arith.constant 0 : i32
        %dma_wait3A_998 = tpu.memref_slice %arg7[%run_scoped3A_939, %dma_wait3A_997] : memref<4x128xi32, #tpu.memory_space<vmem>> -> memref<1x128xi32, #tpu.memory_space<vmem>>
        %dma_wait3A_999 = tpu.memref_squeeze %dma_wait3A_998 : memref<1x128xi32, #tpu.memory_space<vmem>> -> memref<128xi32, #tpu.memory_space<vmem>>
        %dma_wait3A_1000 = arith.constant 0 : i32
        %dma_wait3A_1001 = arith.constant 0 : i32
        %dma_wait3A_1002 = tpu.memref_slice %arg16[%dma_wait3A_1000, %dma_wait3A_1001] : memref<10112x64xf32, #tpu.memory_space<vmem_shared>> -> memref<10112x64xf32, #tpu.memory_space<vmem_shared>>
        tpu.wait_indirect_dma semaphore(%run_scoped3A_990 : memref<!tpu.dma_semaphore, #tpu.memory_space<semaphore_mem>>) src(%dma_wait3A_1002 : memref<10112x64xf32, #tpu.memory_space<vmem_shared>>) dst(%arg12 : memref<128x64xf32, #tpu.memory_space<vmem>>)
        tpu.yield
      }) : () -> ()
      %dma_start3A_940 = arith.constant 3 : i32
      %dma_start3A_941 = arith.constant 3 : i32
      %dma_start3A_942 = arith.constant 0 : i32
      %dma_start3A_943 = tpu.memref_slice %arg8[%dma_start3A_940, %dma_start3A_942] : memref<4x128xi32, #tpu.memory_space<vmem>> -> memref<1x128xi32, #tpu.memory_space<vmem>>
      %dma_start3A_944 = tpu.memref_squeeze %dma_start3A_943 : memref<1x128xi32, #tpu.memory_space<vmem>> -> memref<128xi32, #tpu.memory_space<vmem>>
      %dma_start3A_945 = arith.constant 0 : i32
      %dma_start3A_946 = arith.constant 0 : i32
      %dma_start3A_947 = tpu.memref_slice %arg17[%dma_start3A_945, %dma_start3A_946] : memref<10112x64xf32, #tpu.memory_space<vmem_shared>> -> memref<10112x64xf32, #tpu.memory_space<vmem_shared>>
      %dma_start3A_948 = tpu.memref_slice %arg15[%dma_start3A_941] : memref<4x!tpu.dma_semaphore, #tpu.memory_space<semaphore_mem>> -> memref<1x!tpu.dma_semaphore, #tpu.memory_space<semaphore_mem>>
      %dma_start3A_949 = tpu.memref_squeeze %dma_start3A_948 : memref<1x!tpu.dma_semaphore, #tpu.memory_space<semaphore_mem>> -> memref<!tpu.dma_semaphore, #tpu.memory_space<semaphore_mem>>
      tpu.enqueue_indirect_dma source(%arg12 : memref<128x64xf32, #tpu.memory_space<vmem>>) target(%dma_start3A_947 : memref<10112x64xf32, #tpu.memory_space<vmem_shared>>) offsets(%dma_start3A_944 : memref<128xi32, #tpu.memory_space<vmem>>) semaphore(%dma_start3A_949 : memref<!tpu.dma_semaphore, #tpu.memory_space<semaphore_mem>>) {add = true}
      %dma_wait3A_950 = arith.constant 1 : i32
      %dma_wait3A_951 = arith.constant 1 : i32
      %dma_wait3A_952 = arith.constant 0 : i32
      %dma_wait3A_953 = tpu.memref_slice %arg8[%dma_wait3A_950, %dma_wait3A_952] : memref<4x128xi32, #tpu.memory_space<vmem>> -> memref<1x128xi32, #tpu.memory_space<vmem>>
      %dma_wait3A_954 = tpu.memref_squeeze %dma_wait3A_953 : memref<1x128xi32, #tpu.memory_space<vmem>> -> memref<128xi32, #tpu.memory_space<vmem>>
      %dma_wait3A_955 = arith.constant 0 : i32
      %dma_wait3A_956 = arith.constant 0 : i32
      %dma_wait3A_957 = tpu.memref_slice %arg17[%dma_wait3A_955, %dma_wait3A_956] : memref<10112x64xf32, #tpu.memory_space<vmem_shared>> -> memref<10112x64xf32, #tpu.memory_space<vmem_shared>>
      %dma_wait3A_958 = tpu.memref_slice %arg15[%dma_wait3A_951] : memref<4x!tpu.dma_semaphore, #tpu.memory_space<semaphore_mem>> -> memref<1x!tpu.dma_semaphore, #tpu.memory_space<semaphore_mem>>
      %dma_wait3A_959 = tpu.memref_squeeze %dma_wait3A_958 : memref<1x!tpu.dma_semaphore, #tpu.memory_space<semaphore_mem>> -> memref<!tpu.dma_semaphore, #tpu.memory_space<semaphore_mem>>
      tpu.wait_indirect_dma semaphore(%dma_wait3A_959 : memref<!tpu.dma_semaphore, #tpu.memory_space<semaphore_mem>>) src(%arg10 : memref<128x64xf32, #tpu.memory_space<vmem>>) dst(%dma_wait3A_957 : memref<10112x64xf32, #tpu.memory_space<vmem_shared>>)
      %add3A_960 = arith.constant 2 : i32
      %add3A_961 = arith.addi %add3A_910, %add3A_960 : i32
      %add3A_962 = arith.addi %mul3A_0, %add3A_961 : i32
      %dma_start3A_963 = arith.constant 1 : i32
      %dma_start3A_964 = arith.constant 1 : i32
      %dma_start3A_965 = arith.constant 0 : i32
      %dma_start3A_966 = tpu.memref_slice %arg7[%dma_start3A_964, %dma_start3A_965] : memref<4x128xi32, #tpu.memory_space<vmem>> -> memref<1x128xi32, #tpu.memory_space<vmem>>
      %dma_start3A_967 = arith.constant 0 : i32
      %dma_start3A_968 = tpu.memref_slice %arg3[%add3A_962, %dma_start3A_967] : memref<2560x128xi32, #tpu.memory_space<hbm>> -> memref<1x128xi32, #tpu.memory_space<hbm>>
      %dma_start3A_969 = tpu.memref_slice %arg13[%dma_start3A_963] : memref<4x!tpu.dma_semaphore, #tpu.memory_space<semaphore_mem>> -> memref<1x!tpu.dma_semaphore, #tpu.memory_space<semaphore_mem>>
      %dma_start3A_970 = tpu.memref_squeeze %dma_start3A_969 : memref<1x!tpu.dma_semaphore, #tpu.memory_space<semaphore_mem>> -> memref<!tpu.dma_semaphore, #tpu.memory_space<semaphore_mem>>
      %dma_start3A_971 = arith.constant 1 : i32
      %dma_start3A_972 = arith.constant 0 : i32
      %dma_start3A_973 = tpu.memref_slice %arg7[%dma_start3A_971, %dma_start3A_972] : memref<4x128xi32, #tpu.memory_space<vmem>> -> memref<1x128xi32, #tpu.memory_space<vmem>>
      %dma_start3A_974 = arith.constant 0 : i32
      %dma_start3A_975 = tpu.memref_slice %arg3[%add3A_962, %dma_start3A_974] : memref<2560x128xi32, #tpu.memory_space<hbm>> -> memref<1x128xi32, #tpu.memory_space<hbm>>
      tpu.enqueue_dma source(%dma_start3A_975 : memref<1x128xi32, #tpu.memory_space<hbm>>) target(%dma_start3A_973 : memref<1x128xi32, #tpu.memory_space<vmem>>) target_semaphore(%dma_start3A_970 : memref<!tpu.dma_semaphore, #tpu.memory_space<semaphore_mem>>)
      %add3A_976 = arith.addi %mul3A_0, %add3A_961 : i32
      %dma_start3A_977 = arith.constant 1 : i32
      %dma_start3A_978 = arith.constant 1 : i32
      %dma_start3A_979 = arith.constant 0 : i32
      %dma_start3A_980 = tpu.memref_slice %arg8[%dma_start3A_978, %dma_start3A_979] : memref<4x128xi32, #tpu.memory_space<vmem>> -> memref<1x128xi32, #tpu.memory_space<vmem>>
      %dma_start3A_981 = arith.constant 0 : i32
      %dma_start3A_982 = tpu.memref_slice %arg4[%add3A_976, %dma_start3A_981] : memref<2560x128xi32, #tpu.memory_space<hbm>> -> memref<1x128xi32, #tpu.memory_space<hbm>>
      %dma_start3A_983 = tpu.memref_slice %arg14[%dma_start3A_977] : memref<4x!tpu.dma_semaphore, #tpu.memory_space<semaphore_mem>> -> memref<1x!tpu.dma_semaphore, #tpu.memory_space<semaphore_mem>>
      %dma_start3A_984 = tpu.memref_squeeze %dma_start3A_983 : memref<1x!tpu.dma_semaphore, #tpu.memory_space<semaphore_mem>> -> memref<!tpu.dma_semaphore, #tpu.memory_space<semaphore_mem>>
      %dma_start3A_985 = arith.constant 1 : i32
      %dma_start3A_986 = arith.constant 0 : i32
      %dma_start3A_987 = tpu.memref_slice %arg8[%dma_start3A_985, %dma_start3A_986] : memref<4x128xi32, #tpu.memory_space<vmem>> -> memref<1x128xi32, #tpu.memory_space<vmem>>
      %dma_start3A_988 = arith.constant 0 : i32
      %dma_start3A_989 = tpu.memref_slice %arg4[%add3A_976, %dma_start3A_988] : memref<2560x128xi32, #tpu.memory_space<hbm>> -> memref<1x128xi32, #tpu.memory_space<hbm>>
      tpu.enqueue_dma source(%dma_start3A_989 : memref<1x128xi32, #tpu.memory_space<hbm>>) target(%dma_start3A_987 : memref<1x128xi32, #tpu.memory_space<vmem>>) target_semaphore(%dma_start3A_984 : memref<!tpu.dma_semaphore, #tpu.memory_space<semaphore_mem>>)
    }
    %scan3A_373 = arith.constant 38 : i32
    %add3A_374 = arith.constant 156 : i32
    %add3A_375 = arith.addi %mul3A_0, %add3A_374 : i32
    %dma_wait3A_376 = arith.constant 0 : i32
    %dma_wait3A_377 = arith.constant 0 : i32
    %dma_wait3A_378 = arith.constant 0 : i32
    %dma_wait3A_379 = tpu.memref_slice %arg7[%dma_wait3A_377, %dma_wait3A_378] : memref<4x128xi32, #tpu.memory_space<vmem>> -> memref<1x128xi32, #tpu.memory_space<vmem>>
    %dma_wait3A_380 = arith.constant 0 : i32
    %dma_wait3A_381 = tpu.memref_slice %arg3[%add3A_375, %dma_wait3A_380] : memref<2560x128xi32, #tpu.memory_space<hbm>> -> memref<1x128xi32, #tpu.memory_space<hbm>>
    %dma_wait3A_382 = tpu.memref_slice %arg13[%dma_wait3A_376] : memref<4x!tpu.dma_semaphore, #tpu.memory_space<semaphore_mem>> -> memref<1x!tpu.dma_semaphore, #tpu.memory_space<semaphore_mem>>
    %dma_wait3A_383 = tpu.memref_squeeze %dma_wait3A_382 : memref<1x!tpu.dma_semaphore, #tpu.memory_space<semaphore_mem>> -> memref<!tpu.dma_semaphore, #tpu.memory_space<semaphore_mem>>
    %dma_wait3A_384 = arith.constant 0 : i32
    %dma_wait3A_385 = arith.constant 0 : i32
    %dma_wait3A_386 = tpu.memref_slice %arg7[%dma_wait3A_384, %dma_wait3A_385] : memref<4x128xi32, #tpu.memory_space<vmem>> -> memref<1x128xi32, #tpu.memory_space<vmem>>
    %dma_wait3A_387 = arith.constant 0 : i32
    %dma_wait3A_388 = tpu.memref_slice %arg3[%add3A_375, %dma_wait3A_387] : memref<2560x128xi32, #tpu.memory_space<hbm>> -> memref<1x128xi32, #tpu.memory_space<hbm>>
    tpu.wait_dma2 semaphore(%dma_wait3A_383 : memref<!tpu.dma_semaphore, #tpu.memory_space<semaphore_mem>>) src(%dma_wait3A_388 : memref<1x128xi32, #tpu.memory_space<hbm>>) dst(%dma_wait3A_386 : memref<1x128xi32, #tpu.memory_space<vmem>>)
    %add3A_389 = arith.constant 156 : i32
    %add3A_390 = arith.addi %mul3A_0, %add3A_389 : i32
    %dma_wait3A_391 = arith.constant 0 : i32
    %dma_wait3A_392 = arith.constant 0 : i32
    %dma_wait3A_393 = arith.constant 0 : i32
    %dma_wait3A_394 = tpu.memref_slice %arg8[%dma_wait3A_392, %dma_wait3A_393] : memref<4x128xi32, #tpu.memory_space<vmem>> -> memref<1x128xi32, #tpu.memory_space<vmem>>
    %dma_wait3A_395 = arith.constant 0 : i32
    %dma_wait3A_396 = tpu.memref_slice %arg4[%add3A_390, %dma_wait3A_395] : memref<2560x128xi32, #tpu.memory_space<hbm>> -> memref<1x128xi32, #tpu.memory_space<hbm>>
    %dma_wait3A_397 = tpu.memref_slice %arg14[%dma_wait3A_391] : memref<4x!tpu.dma_semaphore, #tpu.memory_space<semaphore_mem>> -> memref<1x!tpu.dma_semaphore, #tpu.memory_space<semaphore_mem>>
    %dma_wait3A_398 = tpu.memref_squeeze %dma_wait3A_397 : memref<1x!tpu.dma_semaphore, #tpu.memory_space<semaphore_mem>> -> memref<!tpu.dma_semaphore, #tpu.memory_space<semaphore_mem>>
    %dma_wait3A_399 = arith.constant 0 : i32
    %dma_wait3A_400 = arith.constant 0 : i32
    %dma_wait3A_401 = tpu.memref_slice %arg8[%dma_wait3A_399, %dma_wait3A_400] : memref<4x128xi32, #tpu.memory_space<vmem>> -> memref<1x128xi32, #tpu.memory_space<vmem>>
    %dma_wait3A_402 = arith.constant 0 : i32
    %dma_wait3A_403 = tpu.memref_slice %arg4[%add3A_390, %dma_wait3A_402] : memref<2560x128xi32, #tpu.memory_space<hbm>> -> memref<1x128xi32, #tpu.memory_space<hbm>>
    tpu.wait_dma2 semaphore(%dma_wait3A_398 : memref<!tpu.dma_semaphore, #tpu.memory_space<semaphore_mem>>) src(%dma_wait3A_403 : memref<1x128xi32, #tpu.memory_space<hbm>>) dst(%dma_wait3A_401 : memref<1x128xi32, #tpu.memory_space<vmem>>)
    %run_scoped3A_404 = arith.constant 0 : i32
    "tpu.region"() ({
      %run_scoped3A_663 = tpu.sem_alloc : memref<!tpu.dma_semaphore, #tpu.memory_space<semaphore_mem>>
      %dma_start3A_664 = arith.constant 0 : i32
      %dma_start3A_665 = tpu.memref_slice %arg7[%run_scoped3A_404, %dma_start3A_664] : memref<4x128xi32, #tpu.memory_space<vmem>> -> memref<1x128xi32, #tpu.memory_space<vmem>>
      %dma_start3A_666 = tpu.memref_squeeze %dma_start3A_665 : memref<1x128xi32, #tpu.memory_space<vmem>> -> memref<128xi32, #tpu.memory_space<vmem>>
      %dma_start3A_667 = arith.constant 0 : i32
      %dma_start3A_668 = arith.constant 0 : i32
      %dma_start3A_669 = tpu.memref_slice %arg16[%dma_start3A_667, %dma_start3A_668] : memref<10112x64xf32, #tpu.memory_space<vmem_shared>> -> memref<10112x64xf32, #tpu.memory_space<vmem_shared>>
      tpu.enqueue_indirect_dma source(%dma_start3A_669 : memref<10112x64xf32, #tpu.memory_space<vmem_shared>>) target(%arg9 : memref<128x64xf32, #tpu.memory_space<vmem>>) offsets(%dma_start3A_666 : memref<128xi32, #tpu.memory_space<vmem>>) semaphore(%run_scoped3A_663 : memref<!tpu.dma_semaphore, #tpu.memory_space<semaphore_mem>>)
      %dma_wait3A_670 = arith.constant 0 : i32
      %dma_wait3A_671 = tpu.memref_slice %arg7[%run_scoped3A_404, %dma_wait3A_670] : memref<4x128xi32, #tpu.memory_space<vmem>> -> memref<1x128xi32, #tpu.memory_space<vmem>>
      %dma_wait3A_672 = tpu.memref_squeeze %dma_wait3A_671 : memref<1x128xi32, #tpu.memory_space<vmem>> -> memref<128xi32, #tpu.memory_space<vmem>>
      %dma_wait3A_673 = arith.constant 0 : i32
      %dma_wait3A_674 = arith.constant 0 : i32
      %dma_wait3A_675 = tpu.memref_slice %arg16[%dma_wait3A_673, %dma_wait3A_674] : memref<10112x64xf32, #tpu.memory_space<vmem_shared>> -> memref<10112x64xf32, #tpu.memory_space<vmem_shared>>
      tpu.wait_indirect_dma semaphore(%run_scoped3A_663 : memref<!tpu.dma_semaphore, #tpu.memory_space<semaphore_mem>>) src(%dma_wait3A_675 : memref<10112x64xf32, #tpu.memory_space<vmem_shared>>) dst(%arg9 : memref<128x64xf32, #tpu.memory_space<vmem>>)
      tpu.yield
    }) : () -> ()
    %dma_start3A_405 = arith.constant 0 : i32
    %dma_start3A_406 = arith.constant 0 : i32
    %dma_start3A_407 = arith.constant 0 : i32
    %dma_start3A_408 = tpu.memref_slice %arg8[%dma_start3A_405, %dma_start3A_407] : memref<4x128xi32, #tpu.memory_space<vmem>> -> memref<1x128xi32, #tpu.memory_space<vmem>>
    %dma_start3A_409 = tpu.memref_squeeze %dma_start3A_408 : memref<1x128xi32, #tpu.memory_space<vmem>> -> memref<128xi32, #tpu.memory_space<vmem>>
    %dma_start3A_410 = arith.constant 0 : i32
    %dma_start3A_411 = arith.constant 0 : i32
    %dma_start3A_412 = tpu.memref_slice %arg17[%dma_start3A_410, %dma_start3A_411] : memref<10112x64xf32, #tpu.memory_space<vmem_shared>> -> memref<10112x64xf32, #tpu.memory_space<vmem_shared>>
    %dma_start3A_413 = tpu.memref_slice %arg15[%dma_start3A_406] : memref<4x!tpu.dma_semaphore, #tpu.memory_space<semaphore_mem>> -> memref<1x!tpu.dma_semaphore, #tpu.memory_space<semaphore_mem>>
    %dma_start3A_414 = tpu.memref_squeeze %dma_start3A_413 : memref<1x!tpu.dma_semaphore, #tpu.memory_space<semaphore_mem>> -> memref<!tpu.dma_semaphore, #tpu.memory_space<semaphore_mem>>
    tpu.enqueue_indirect_dma source(%arg9 : memref<128x64xf32, #tpu.memory_space<vmem>>) target(%dma_start3A_412 : memref<10112x64xf32, #tpu.memory_space<vmem_shared>>) offsets(%dma_start3A_409 : memref<128xi32, #tpu.memory_space<vmem>>) semaphore(%dma_start3A_414 : memref<!tpu.dma_semaphore, #tpu.memory_space<semaphore_mem>>) {add = true}
    %dma_wait3A_415 = arith.constant 2 : i32
    %dma_wait3A_416 = arith.constant 2 : i32
    %dma_wait3A_417 = arith.constant 0 : i32
    %dma_wait3A_418 = tpu.memref_slice %arg8[%dma_wait3A_415, %dma_wait3A_417] : memref<4x128xi32, #tpu.memory_space<vmem>> -> memref<1x128xi32, #tpu.memory_space<vmem>>
    %dma_wait3A_419 = tpu.memref_squeeze %dma_wait3A_418 : memref<1x128xi32, #tpu.memory_space<vmem>> -> memref<128xi32, #tpu.memory_space<vmem>>
    %dma_wait3A_420 = arith.constant 0 : i32
    %dma_wait3A_421 = arith.constant 0 : i32
    %dma_wait3A_422 = tpu.memref_slice %arg17[%dma_wait3A_420, %dma_wait3A_421] : memref<10112x64xf32, #tpu.memory_space<vmem_shared>> -> memref<10112x64xf32, #tpu.memory_space<vmem_shared>>
    %dma_wait3A_423 = tpu.memref_slice %arg15[%dma_wait3A_416] : memref<4x!tpu.dma_semaphore, #tpu.memory_space<semaphore_mem>> -> memref<1x!tpu.dma_semaphore, #tpu.memory_space<semaphore_mem>>
    %dma_wait3A_424 = tpu.memref_squeeze %dma_wait3A_423 : memref<1x!tpu.dma_semaphore, #tpu.memory_space<semaphore_mem>> -> memref<!tpu.dma_semaphore, #tpu.memory_space<semaphore_mem>>
    tpu.wait_indirect_dma semaphore(%dma_wait3A_424 : memref<!tpu.dma_semaphore, #tpu.memory_space<semaphore_mem>>) src(%arg11 : memref<128x64xf32, #tpu.memory_space<vmem>>) dst(%dma_wait3A_422 : memref<10112x64xf32, #tpu.memory_space<vmem_shared>>)
    %add3A_425 = arith.constant 158 : i32
    %add3A_426 = arith.addi %mul3A_0, %add3A_425 : i32
    %dma_start3A_427 = arith.constant 2 : i32
    %dma_start3A_428 = arith.constant 2 : i32
    %dma_start3A_429 = arith.constant 0 : i32
    %dma_start3A_430 = tpu.memref_slice %arg7[%dma_start3A_428, %dma_start3A_429] : memref<4x128xi32, #tpu.memory_space<vmem>> -> memref<1x128xi32, #tpu.memory_space<vmem>>
    %dma_start3A_431 = arith.constant 0 : i32
    %dma_start3A_432 = tpu.memref_slice %arg3[%add3A_426, %dma_start3A_431] : memref<2560x128xi32, #tpu.memory_space<hbm>> -> memref<1x128xi32, #tpu.memory_space<hbm>>
    %dma_start3A_433 = tpu.memref_slice %arg13[%dma_start3A_427] : memref<4x!tpu.dma_semaphore, #tpu.memory_space<semaphore_mem>> -> memref<1x!tpu.dma_semaphore, #tpu.memory_space<semaphore_mem>>
    %dma_start3A_434 = tpu.memref_squeeze %dma_start3A_433 : memref<1x!tpu.dma_semaphore, #tpu.memory_space<semaphore_mem>> -> memref<!tpu.dma_semaphore, #tpu.memory_space<semaphore_mem>>
    %dma_start3A_435 = arith.constant 2 : i32
    %dma_start3A_436 = arith.constant 0 : i32
    %dma_start3A_437 = tpu.memref_slice %arg7[%dma_start3A_435, %dma_start3A_436] : memref<4x128xi32, #tpu.memory_space<vmem>> -> memref<1x128xi32, #tpu.memory_space<vmem>>
    %dma_start3A_438 = arith.constant 0 : i32
    %dma_start3A_439 = tpu.memref_slice %arg3[%add3A_426, %dma_start3A_438] : memref<2560x128xi32, #tpu.memory_space<hbm>> -> memref<1x128xi32, #tpu.memory_space<hbm>>
    tpu.enqueue_dma source(%dma_start3A_439 : memref<1x128xi32, #tpu.memory_space<hbm>>) target(%dma_start3A_437 : memref<1x128xi32, #tpu.memory_space<vmem>>) target_semaphore(%dma_start3A_434 : memref<!tpu.dma_semaphore, #tpu.memory_space<semaphore_mem>>)
    %add3A_440 = arith.constant 158 : i32
    %add3A_441 = arith.addi %mul3A_0, %add3A_440 : i32
    %dma_start3A_442 = arith.constant 2 : i32
    %dma_start3A_443 = arith.constant 2 : i32
    %dma_start3A_444 = arith.constant 0 : i32
    %dma_start3A_445 = tpu.memref_slice %arg8[%dma_start3A_443, %dma_start3A_444] : memref<4x128xi32, #tpu.memory_space<vmem>> -> memref<1x128xi32, #tpu.memory_space<vmem>>
    %dma_start3A_446 = arith.constant 0 : i32
    %dma_start3A_447 = tpu.memref_slice %arg4[%add3A_441, %dma_start3A_446] : memref<2560x128xi32, #tpu.memory_space<hbm>> -> memref<1x128xi32, #tpu.memory_space<hbm>>
    %dma_start3A_448 = tpu.memref_slice %arg14[%dma_start3A_442] : memref<4x!tpu.dma_semaphore, #tpu.memory_space<semaphore_mem>> -> memref<1x!tpu.dma_semaphore, #tpu.memory_space<semaphore_mem>>
    %dma_start3A_449 = tpu.memref_squeeze %dma_start3A_448 : memref<1x!tpu.dma_semaphore, #tpu.memory_space<semaphore_mem>> -> memref<!tpu.dma_semaphore, #tpu.memory_space<semaphore_mem>>
    %dma_start3A_450 = arith.constant 2 : i32
    %dma_start3A_451 = arith.constant 0 : i32
    %dma_start3A_452 = tpu.memref_slice %arg8[%dma_start3A_450, %dma_start3A_451] : memref<4x128xi32, #tpu.memory_space<vmem>> -> memref<1x128xi32, #tpu.memory_space<vmem>>
    %dma_start3A_453 = arith.constant 0 : i32
    %dma_start3A_454 = tpu.memref_slice %arg4[%add3A_441, %dma_start3A_453] : memref<2560x128xi32, #tpu.memory_space<hbm>> -> memref<1x128xi32, #tpu.memory_space<hbm>>
    tpu.enqueue_dma source(%dma_start3A_454 : memref<1x128xi32, #tpu.memory_space<hbm>>) target(%dma_start3A_452 : memref<1x128xi32, #tpu.memory_space<vmem>>) target_semaphore(%dma_start3A_449 : memref<!tpu.dma_semaphore, #tpu.memory_space<semaphore_mem>>)
    %add3A_455 = arith.constant 157 : i32
    %add3A_456 = arith.addi %mul3A_0, %add3A_455 : i32
    %dma_wait3A_457 = arith.constant 1 : i32
    %dma_wait3A_458 = arith.constant 1 : i32
    %dma_wait3A_459 = arith.constant 0 : i32
    %dma_wait3A_460 = tpu.memref_slice %arg7[%dma_wait3A_458, %dma_wait3A_459] : memref<4x128xi32, #tpu.memory_space<vmem>> -> memref<1x128xi32, #tpu.memory_space<vmem>>
    %dma_wait3A_461 = arith.constant 0 : i32
    %dma_wait3A_462 = tpu.memref_slice %arg3[%add3A_456, %dma_wait3A_461] : memref<2560x128xi32, #tpu.memory_space<hbm>> -> memref<1x128xi32, #tpu.memory_space<hbm>>
    %dma_wait3A_463 = tpu.memref_slice %arg13[%dma_wait3A_457] : memref<4x!tpu.dma_semaphore, #tpu.memory_space<semaphore_mem>> -> memref<1x!tpu.dma_semaphore, #tpu.memory_space<semaphore_mem>>
    %dma_wait3A_464 = tpu.memref_squeeze %dma_wait3A_463 : memref<1x!tpu.dma_semaphore, #tpu.memory_space<semaphore_mem>> -> memref<!tpu.dma_semaphore, #tpu.memory_space<semaphore_mem>>
    %dma_wait3A_465 = arith.constant 1 : i32
    %dma_wait3A_466 = arith.constant 0 : i32
    %dma_wait3A_467 = tpu.memref_slice %arg7[%dma_wait3A_465, %dma_wait3A_466] : memref<4x128xi32, #tpu.memory_space<vmem>> -> memref<1x128xi32, #tpu.memory_space<vmem>>
    %dma_wait3A_468 = arith.constant 0 : i32
    %dma_wait3A_469 = tpu.memref_slice %arg3[%add3A_456, %dma_wait3A_468] : memref<2560x128xi32, #tpu.memory_space<hbm>> -> memref<1x128xi32, #tpu.memory_space<hbm>>
    tpu.wait_dma2 semaphore(%dma_wait3A_464 : memref<!tpu.dma_semaphore, #tpu.memory_space<semaphore_mem>>) src(%dma_wait3A_469 : memref<1x128xi32, #tpu.memory_space<hbm>>) dst(%dma_wait3A_467 : memref<1x128xi32, #tpu.memory_space<vmem>>)
    %add3A_470 = arith.constant 157 : i32
    %add3A_471 = arith.addi %mul3A_0, %add3A_470 : i32
    %dma_wait3A_472 = arith.constant 1 : i32
    %dma_wait3A_473 = arith.constant 1 : i32
    %dma_wait3A_474 = arith.constant 0 : i32
    %dma_wait3A_475 = tpu.memref_slice %arg8[%dma_wait3A_473, %dma_wait3A_474] : memref<4x128xi32, #tpu.memory_space<vmem>> -> memref<1x128xi32, #tpu.memory_space<vmem>>
    %dma_wait3A_476 = arith.constant 0 : i32
    %dma_wait3A_477 = tpu.memref_slice %arg4[%add3A_471, %dma_wait3A_476] : memref<2560x128xi32, #tpu.memory_space<hbm>> -> memref<1x128xi32, #tpu.memory_space<hbm>>
    %dma_wait3A_478 = tpu.memref_slice %arg14[%dma_wait3A_472] : memref<4x!tpu.dma_semaphore, #tpu.memory_space<semaphore_mem>> -> memref<1x!tpu.dma_semaphore, #tpu.memory_space<semaphore_mem>>
    %dma_wait3A_479 = tpu.memref_squeeze %dma_wait3A_478 : memref<1x!tpu.dma_semaphore, #tpu.memory_space<semaphore_mem>> -> memref<!tpu.dma_semaphore, #tpu.memory_space<semaphore_mem>>
    %dma_wait3A_480 = arith.constant 1 : i32
    %dma_wait3A_481 = arith.constant 0 : i32
    %dma_wait3A_482 = tpu.memref_slice %arg8[%dma_wait3A_480, %dma_wait3A_481] : memref<4x128xi32, #tpu.memory_space<vmem>> -> memref<1x128xi32, #tpu.memory_space<vmem>>
    %dma_wait3A_483 = arith.constant 0 : i32
    %dma_wait3A_484 = tpu.memref_slice %arg4[%add3A_471, %dma_wait3A_483] : memref<2560x128xi32, #tpu.memory_space<hbm>> -> memref<1x128xi32, #tpu.memory_space<hbm>>
    tpu.wait_dma2 semaphore(%dma_wait3A_479 : memref<!tpu.dma_semaphore, #tpu.memory_space<semaphore_mem>>) src(%dma_wait3A_484 : memref<1x128xi32, #tpu.memory_space<hbm>>) dst(%dma_wait3A_482 : memref<1x128xi32, #tpu.memory_space<vmem>>)
    %run_scoped3A_485 = arith.constant 1 : i32
    "tpu.region"() ({
      %run_scoped3A_663 = tpu.sem_alloc : memref<!tpu.dma_semaphore, #tpu.memory_space<semaphore_mem>>
      %dma_start3A_664 = arith.constant 0 : i32
      %dma_start3A_665 = tpu.memref_slice %arg7[%run_scoped3A_485, %dma_start3A_664] : memref<4x128xi32, #tpu.memory_space<vmem>> -> memref<1x128xi32, #tpu.memory_space<vmem>>
      %dma_start3A_666 = tpu.memref_squeeze %dma_start3A_665 : memref<1x128xi32, #tpu.memory_space<vmem>> -> memref<128xi32, #tpu.memory_space<vmem>>
      %dma_start3A_667 = arith.constant 0 : i32
      %dma_start3A_668 = arith.constant 0 : i32
      %dma_start3A_669 = tpu.memref_slice %arg16[%dma_start3A_667, %dma_start3A_668] : memref<10112x64xf32, #tpu.memory_space<vmem_shared>> -> memref<10112x64xf32, #tpu.memory_space<vmem_shared>>
      tpu.enqueue_indirect_dma source(%dma_start3A_669 : memref<10112x64xf32, #tpu.memory_space<vmem_shared>>) target(%arg10 : memref<128x64xf32, #tpu.memory_space<vmem>>) offsets(%dma_start3A_666 : memref<128xi32, #tpu.memory_space<vmem>>) semaphore(%run_scoped3A_663 : memref<!tpu.dma_semaphore, #tpu.memory_space<semaphore_mem>>)
      %dma_wait3A_670 = arith.constant 0 : i32
      %dma_wait3A_671 = tpu.memref_slice %arg7[%run_scoped3A_485, %dma_wait3A_670] : memref<4x128xi32, #tpu.memory_space<vmem>> -> memref<1x128xi32, #tpu.memory_space<vmem>>
      %dma_wait3A_672 = tpu.memref_squeeze %dma_wait3A_671 : memref<1x128xi32, #tpu.memory_space<vmem>> -> memref<128xi32, #tpu.memory_space<vmem>>
      %dma_wait3A_673 = arith.constant 0 : i32
      %dma_wait3A_674 = arith.constant 0 : i32
      %dma_wait3A_675 = tpu.memref_slice %arg16[%dma_wait3A_673, %dma_wait3A_674] : memref<10112x64xf32, #tpu.memory_space<vmem_shared>> -> memref<10112x64xf32, #tpu.memory_space<vmem_shared>>
      tpu.wait_indirect_dma semaphore(%run_scoped3A_663 : memref<!tpu.dma_semaphore, #tpu.memory_space<semaphore_mem>>) src(%dma_wait3A_675 : memref<10112x64xf32, #tpu.memory_space<vmem_shared>>) dst(%arg10 : memref<128x64xf32, #tpu.memory_space<vmem>>)
      tpu.yield
    }) : () -> ()
    %dma_start3A_486 = arith.constant 1 : i32
    %dma_start3A_487 = arith.constant 1 : i32
    %dma_start3A_488 = arith.constant 0 : i32
    %dma_start3A_489 = tpu.memref_slice %arg8[%dma_start3A_486, %dma_start3A_488] : memref<4x128xi32, #tpu.memory_space<vmem>> -> memref<1x128xi32, #tpu.memory_space<vmem>>
    %dma_start3A_490 = tpu.memref_squeeze %dma_start3A_489 : memref<1x128xi32, #tpu.memory_space<vmem>> -> memref<128xi32, #tpu.memory_space<vmem>>
    %dma_start3A_491 = arith.constant 0 : i32
    %dma_start3A_492 = arith.constant 0 : i32
    %dma_start3A_493 = tpu.memref_slice %arg17[%dma_start3A_491, %dma_start3A_492] : memref<10112x64xf32, #tpu.memory_space<vmem_shared>> -> memref<10112x64xf32, #tpu.memory_space<vmem_shared>>
    %dma_start3A_494 = tpu.memref_slice %arg15[%dma_start3A_487] : memref<4x!tpu.dma_semaphore, #tpu.memory_space<semaphore_mem>> -> memref<1x!tpu.dma_semaphore, #tpu.memory_space<semaphore_mem>>
    %dma_start3A_495 = tpu.memref_squeeze %dma_start3A_494 : memref<1x!tpu.dma_semaphore, #tpu.memory_space<semaphore_mem>> -> memref<!tpu.dma_semaphore, #tpu.memory_space<semaphore_mem>>
    tpu.enqueue_indirect_dma source(%arg10 : memref<128x64xf32, #tpu.memory_space<vmem>>) target(%dma_start3A_493 : memref<10112x64xf32, #tpu.memory_space<vmem_shared>>) offsets(%dma_start3A_490 : memref<128xi32, #tpu.memory_space<vmem>>) semaphore(%dma_start3A_495 : memref<!tpu.dma_semaphore, #tpu.memory_space<semaphore_mem>>) {add = true}
    %dma_wait3A_496 = arith.constant 3 : i32
    %dma_wait3A_497 = arith.constant 3 : i32
    %dma_wait3A_498 = arith.constant 0 : i32
    %dma_wait3A_499 = tpu.memref_slice %arg8[%dma_wait3A_496, %dma_wait3A_498] : memref<4x128xi32, #tpu.memory_space<vmem>> -> memref<1x128xi32, #tpu.memory_space<vmem>>
    %dma_wait3A_500 = tpu.memref_squeeze %dma_wait3A_499 : memref<1x128xi32, #tpu.memory_space<vmem>> -> memref<128xi32, #tpu.memory_space<vmem>>
    %dma_wait3A_501 = arith.constant 0 : i32
    %dma_wait3A_502 = arith.constant 0 : i32
    %dma_wait3A_503 = tpu.memref_slice %arg17[%dma_wait3A_501, %dma_wait3A_502] : memref<10112x64xf32, #tpu.memory_space<vmem_shared>> -> memref<10112x64xf32, #tpu.memory_space<vmem_shared>>
    %dma_wait3A_504 = tpu.memref_slice %arg15[%dma_wait3A_497] : memref<4x!tpu.dma_semaphore, #tpu.memory_space<semaphore_mem>> -> memref<1x!tpu.dma_semaphore, #tpu.memory_space<semaphore_mem>>
    %dma_wait3A_505 = tpu.memref_squeeze %dma_wait3A_504 : memref<1x!tpu.dma_semaphore, #tpu.memory_space<semaphore_mem>> -> memref<!tpu.dma_semaphore, #tpu.memory_space<semaphore_mem>>
    tpu.wait_indirect_dma semaphore(%dma_wait3A_505 : memref<!tpu.dma_semaphore, #tpu.memory_space<semaphore_mem>>) src(%arg12 : memref<128x64xf32, #tpu.memory_space<vmem>>) dst(%dma_wait3A_503 : memref<10112x64xf32, #tpu.memory_space<vmem_shared>>)
    %add3A_506 = arith.constant 159 : i32
    %add3A_507 = arith.addi %mul3A_0, %add3A_506 : i32
    %dma_start3A_508 = arith.constant 3 : i32
    %dma_start3A_509 = arith.constant 3 : i32
    %dma_start3A_510 = arith.constant 0 : i32
    %dma_start3A_511 = tpu.memref_slice %arg7[%dma_start3A_509, %dma_start3A_510] : memref<4x128xi32, #tpu.memory_space<vmem>> -> memref<1x128xi32, #tpu.memory_space<vmem>>
    %dma_start3A_512 = arith.constant 0 : i32
    %dma_start3A_513 = tpu.memref_slice %arg3[%add3A_507, %dma_start3A_512] : memref<2560x128xi32, #tpu.memory_space<hbm>> -> memref<1x128xi32, #tpu.memory_space<hbm>>
    %dma_start3A_514 = tpu.memref_slice %arg13[%dma_start3A_508] : memref<4x!tpu.dma_semaphore, #tpu.memory_space<semaphore_mem>> -> memref<1x!tpu.dma_semaphore, #tpu.memory_space<semaphore_mem>>
    %dma_start3A_515 = tpu.memref_squeeze %dma_start3A_514 : memref<1x!tpu.dma_semaphore, #tpu.memory_space<semaphore_mem>> -> memref<!tpu.dma_semaphore, #tpu.memory_space<semaphore_mem>>
    %dma_start3A_516 = arith.constant 3 : i32
    %dma_start3A_517 = arith.constant 0 : i32
    %dma_start3A_518 = tpu.memref_slice %arg7[%dma_start3A_516, %dma_start3A_517] : memref<4x128xi32, #tpu.memory_space<vmem>> -> memref<1x128xi32, #tpu.memory_space<vmem>>
    %dma_start3A_519 = arith.constant 0 : i32
    %dma_start3A_520 = tpu.memref_slice %arg3[%add3A_507, %dma_start3A_519] : memref<2560x128xi32, #tpu.memory_space<hbm>> -> memref<1x128xi32, #tpu.memory_space<hbm>>
    tpu.enqueue_dma source(%dma_start3A_520 : memref<1x128xi32, #tpu.memory_space<hbm>>) target(%dma_start3A_518 : memref<1x128xi32, #tpu.memory_space<vmem>>) target_semaphore(%dma_start3A_515 : memref<!tpu.dma_semaphore, #tpu.memory_space<semaphore_mem>>)
    %add3A_521 = arith.constant 159 : i32
    %add3A_522 = arith.addi %mul3A_0, %add3A_521 : i32
    %dma_start3A_523 = arith.constant 3 : i32
    %dma_start3A_524 = arith.constant 3 : i32
    %dma_start3A_525 = arith.constant 0 : i32
    %dma_start3A_526 = tpu.memref_slice %arg8[%dma_start3A_524, %dma_start3A_525] : memref<4x128xi32, #tpu.memory_space<vmem>> -> memref<1x128xi32, #tpu.memory_space<vmem>>
    %dma_start3A_527 = arith.constant 0 : i32
    %dma_start3A_528 = tpu.memref_slice %arg4[%add3A_522, %dma_start3A_527] : memref<2560x128xi32, #tpu.memory_space<hbm>> -> memref<1x128xi32, #tpu.memory_space<hbm>>
    %dma_start3A_529 = tpu.memref_slice %arg14[%dma_start3A_523] : memref<4x!tpu.dma_semaphore, #tpu.memory_space<semaphore_mem>> -> memref<1x!tpu.dma_semaphore, #tpu.memory_space<semaphore_mem>>
    %dma_start3A_530 = tpu.memref_squeeze %dma_start3A_529 : memref<1x!tpu.dma_semaphore, #tpu.memory_space<semaphore_mem>> -> memref<!tpu.dma_semaphore, #tpu.memory_space<semaphore_mem>>
    %dma_start3A_531 = arith.constant 3 : i32
    %dma_start3A_532 = arith.constant 0 : i32
    %dma_start3A_533 = tpu.memref_slice %arg8[%dma_start3A_531, %dma_start3A_532] : memref<4x128xi32, #tpu.memory_space<vmem>> -> memref<1x128xi32, #tpu.memory_space<vmem>>
    %dma_start3A_534 = arith.constant 0 : i32
    %dma_start3A_535 = tpu.memref_slice %arg4[%add3A_522, %dma_start3A_534] : memref<2560x128xi32, #tpu.memory_space<hbm>> -> memref<1x128xi32, #tpu.memory_space<hbm>>
    tpu.enqueue_dma source(%dma_start3A_535 : memref<1x128xi32, #tpu.memory_space<hbm>>) target(%dma_start3A_533 : memref<1x128xi32, #tpu.memory_space<vmem>>) target_semaphore(%dma_start3A_530 : memref<!tpu.dma_semaphore, #tpu.memory_space<semaphore_mem>>)
    %add3A_536 = arith.constant 158 : i32
    %add3A_537 = arith.addi %mul3A_0, %add3A_536 : i32
    %dma_wait3A_538 = arith.constant 2 : i32
    %dma_wait3A_539 = arith.constant 2 : i32
    %dma_wait3A_540 = arith.constant 0 : i32
    %dma_wait3A_541 = tpu.memref_slice %arg7[%dma_wait3A_539, %dma_wait3A_540] : memref<4x128xi32, #tpu.memory_space<vmem>> -> memref<1x128xi32, #tpu.memory_space<vmem>>
    %dma_wait3A_542 = arith.constant 0 : i32
    %dma_wait3A_543 = tpu.memref_slice %arg3[%add3A_537, %dma_wait3A_542] : memref<2560x128xi32, #tpu.memory_space<hbm>> -> memref<1x128xi32, #tpu.memory_space<hbm>>
    %dma_wait3A_544 = tpu.memref_slice %arg13[%dma_wait3A_538] : memref<4x!tpu.dma_semaphore, #tpu.memory_space<semaphore_mem>> -> memref<1x!tpu.dma_semaphore, #tpu.memory_space<semaphore_mem>>
    %dma_wait3A_545 = tpu.memref_squeeze %dma_wait3A_544 : memref<1x!tpu.dma_semaphore, #tpu.memory_space<semaphore_mem>> -> memref<!tpu.dma_semaphore, #tpu.memory_space<semaphore_mem>>
    %dma_wait3A_546 = arith.constant 2 : i32
    %dma_wait3A_547 = arith.constant 0 : i32
    %dma_wait3A_548 = tpu.memref_slice %arg7[%dma_wait3A_546, %dma_wait3A_547] : memref<4x128xi32, #tpu.memory_space<vmem>> -> memref<1x128xi32, #tpu.memory_space<vmem>>
    %dma_wait3A_549 = arith.constant 0 : i32
    %dma_wait3A_550 = tpu.memref_slice %arg3[%add3A_537, %dma_wait3A_549] : memref<2560x128xi32, #tpu.memory_space<hbm>> -> memref<1x128xi32, #tpu.memory_space<hbm>>
    tpu.wait_dma2 semaphore(%dma_wait3A_545 : memref<!tpu.dma_semaphore, #tpu.memory_space<semaphore_mem>>) src(%dma_wait3A_550 : memref<1x128xi32, #tpu.memory_space<hbm>>) dst(%dma_wait3A_548 : memref<1x128xi32, #tpu.memory_space<vmem>>)
    %add3A_551 = arith.constant 158 : i32
    %add3A_552 = arith.addi %mul3A_0, %add3A_551 : i32
    %dma_wait3A_553 = arith.constant 2 : i32
    %dma_wait3A_554 = arith.constant 2 : i32
    %dma_wait3A_555 = arith.constant 0 : i32
    %dma_wait3A_556 = tpu.memref_slice %arg8[%dma_wait3A_554, %dma_wait3A_555] : memref<4x128xi32, #tpu.memory_space<vmem>> -> memref<1x128xi32, #tpu.memory_space<vmem>>
    %dma_wait3A_557 = arith.constant 0 : i32
    %dma_wait3A_558 = tpu.memref_slice %arg4[%add3A_552, %dma_wait3A_557] : memref<2560x128xi32, #tpu.memory_space<hbm>> -> memref<1x128xi32, #tpu.memory_space<hbm>>
    %dma_wait3A_559 = tpu.memref_slice %arg14[%dma_wait3A_553] : memref<4x!tpu.dma_semaphore, #tpu.memory_space<semaphore_mem>> -> memref<1x!tpu.dma_semaphore, #tpu.memory_space<semaphore_mem>>
    %dma_wait3A_560 = tpu.memref_squeeze %dma_wait3A_559 : memref<1x!tpu.dma_semaphore, #tpu.memory_space<semaphore_mem>> -> memref<!tpu.dma_semaphore, #tpu.memory_space<semaphore_mem>>
    %dma_wait3A_561 = arith.constant 2 : i32
    %dma_wait3A_562 = arith.constant 0 : i32
    %dma_wait3A_563 = tpu.memref_slice %arg8[%dma_wait3A_561, %dma_wait3A_562] : memref<4x128xi32, #tpu.memory_space<vmem>> -> memref<1x128xi32, #tpu.memory_space<vmem>>
    %dma_wait3A_564 = arith.constant 0 : i32
    %dma_wait3A_565 = tpu.memref_slice %arg4[%add3A_552, %dma_wait3A_564] : memref<2560x128xi32, #tpu.memory_space<hbm>> -> memref<1x128xi32, #tpu.memory_space<hbm>>
    tpu.wait_dma2 semaphore(%dma_wait3A_560 : memref<!tpu.dma_semaphore, #tpu.memory_space<semaphore_mem>>) src(%dma_wait3A_565 : memref<1x128xi32, #tpu.memory_space<hbm>>) dst(%dma_wait3A_563 : memref<1x128xi32, #tpu.memory_space<vmem>>)
    %run_scoped3A_566 = arith.constant 2 : i32
    "tpu.region"() ({
      %run_scoped3A_663 = tpu.sem_alloc : memref<!tpu.dma_semaphore, #tpu.memory_space<semaphore_mem>>
      %dma_start3A_664 = arith.constant 0 : i32
      %dma_start3A_665 = tpu.memref_slice %arg7[%run_scoped3A_566, %dma_start3A_664] : memref<4x128xi32, #tpu.memory_space<vmem>> -> memref<1x128xi32, #tpu.memory_space<vmem>>
      %dma_start3A_666 = tpu.memref_squeeze %dma_start3A_665 : memref<1x128xi32, #tpu.memory_space<vmem>> -> memref<128xi32, #tpu.memory_space<vmem>>
      %dma_start3A_667 = arith.constant 0 : i32
      %dma_start3A_668 = arith.constant 0 : i32
      %dma_start3A_669 = tpu.memref_slice %arg16[%dma_start3A_667, %dma_start3A_668] : memref<10112x64xf32, #tpu.memory_space<vmem_shared>> -> memref<10112x64xf32, #tpu.memory_space<vmem_shared>>
      tpu.enqueue_indirect_dma source(%dma_start3A_669 : memref<10112x64xf32, #tpu.memory_space<vmem_shared>>) target(%arg11 : memref<128x64xf32, #tpu.memory_space<vmem>>) offsets(%dma_start3A_666 : memref<128xi32, #tpu.memory_space<vmem>>) semaphore(%run_scoped3A_663 : memref<!tpu.dma_semaphore, #tpu.memory_space<semaphore_mem>>)
      %dma_wait3A_670 = arith.constant 0 : i32
      %dma_wait3A_671 = tpu.memref_slice %arg7[%run_scoped3A_566, %dma_wait3A_670] : memref<4x128xi32, #tpu.memory_space<vmem>> -> memref<1x128xi32, #tpu.memory_space<vmem>>
      %dma_wait3A_672 = tpu.memref_squeeze %dma_wait3A_671 : memref<1x128xi32, #tpu.memory_space<vmem>> -> memref<128xi32, #tpu.memory_space<vmem>>
      %dma_wait3A_673 = arith.constant 0 : i32
      %dma_wait3A_674 = arith.constant 0 : i32
      %dma_wait3A_675 = tpu.memref_slice %arg16[%dma_wait3A_673, %dma_wait3A_674] : memref<10112x64xf32, #tpu.memory_space<vmem_shared>> -> memref<10112x64xf32, #tpu.memory_space<vmem_shared>>
      tpu.wait_indirect_dma semaphore(%run_scoped3A_663 : memref<!tpu.dma_semaphore, #tpu.memory_space<semaphore_mem>>) src(%dma_wait3A_675 : memref<10112x64xf32, #tpu.memory_space<vmem_shared>>) dst(%arg11 : memref<128x64xf32, #tpu.memory_space<vmem>>)
      tpu.yield
    }) : () -> ()
    %dma_start3A_567 = arith.constant 2 : i32
    %dma_start3A_568 = arith.constant 2 : i32
    %dma_start3A_569 = arith.constant 0 : i32
    %dma_start3A_570 = tpu.memref_slice %arg8[%dma_start3A_567, %dma_start3A_569] : memref<4x128xi32, #tpu.memory_space<vmem>> -> memref<1x128xi32, #tpu.memory_space<vmem>>
    %dma_start3A_571 = tpu.memref_squeeze %dma_start3A_570 : memref<1x128xi32, #tpu.memory_space<vmem>> -> memref<128xi32, #tpu.memory_space<vmem>>
    %dma_start3A_572 = arith.constant 0 : i32
    %dma_start3A_573 = arith.constant 0 : i32
    %dma_start3A_574 = tpu.memref_slice %arg17[%dma_start3A_572, %dma_start3A_573] : memref<10112x64xf32, #tpu.memory_space<vmem_shared>> -> memref<10112x64xf32, #tpu.memory_space<vmem_shared>>
    %dma_start3A_575 = tpu.memref_slice %arg15[%dma_start3A_568] : memref<4x!tpu.dma_semaphore, #tpu.memory_space<semaphore_mem>> -> memref<1x!tpu.dma_semaphore, #tpu.memory_space<semaphore_mem>>
    %dma_start3A_576 = tpu.memref_squeeze %dma_start3A_575 : memref<1x!tpu.dma_semaphore, #tpu.memory_space<semaphore_mem>> -> memref<!tpu.dma_semaphore, #tpu.memory_space<semaphore_mem>>
    tpu.enqueue_indirect_dma source(%arg11 : memref<128x64xf32, #tpu.memory_space<vmem>>) target(%dma_start3A_574 : memref<10112x64xf32, #tpu.memory_space<vmem_shared>>) offsets(%dma_start3A_571 : memref<128xi32, #tpu.memory_space<vmem>>) semaphore(%dma_start3A_576 : memref<!tpu.dma_semaphore, #tpu.memory_space<semaphore_mem>>) {add = true}
    %dma_wait3A_577 = arith.constant 0 : i32
    %dma_wait3A_578 = arith.constant 0 : i32
    %dma_wait3A_579 = arith.constant 0 : i32
    %dma_wait3A_580 = tpu.memref_slice %arg8[%dma_wait3A_577, %dma_wait3A_579] : memref<4x128xi32, #tpu.memory_space<vmem>> -> memref<1x128xi32, #tpu.memory_space<vmem>>
    %dma_wait3A_581 = tpu.memref_squeeze %dma_wait3A_580 : memref<1x128xi32, #tpu.memory_space<vmem>> -> memref<128xi32, #tpu.memory_space<vmem>>
    %dma_wait3A_582 = arith.constant 0 : i32
    %dma_wait3A_583 = arith.constant 0 : i32
    %dma_wait3A_584 = tpu.memref_slice %arg17[%dma_wait3A_582, %dma_wait3A_583] : memref<10112x64xf32, #tpu.memory_space<vmem_shared>> -> memref<10112x64xf32, #tpu.memory_space<vmem_shared>>
    %dma_wait3A_585 = tpu.memref_slice %arg15[%dma_wait3A_578] : memref<4x!tpu.dma_semaphore, #tpu.memory_space<semaphore_mem>> -> memref<1x!tpu.dma_semaphore, #tpu.memory_space<semaphore_mem>>
    %dma_wait3A_586 = tpu.memref_squeeze %dma_wait3A_585 : memref<1x!tpu.dma_semaphore, #tpu.memory_space<semaphore_mem>> -> memref<!tpu.dma_semaphore, #tpu.memory_space<semaphore_mem>>
    tpu.wait_indirect_dma semaphore(%dma_wait3A_586 : memref<!tpu.dma_semaphore, #tpu.memory_space<semaphore_mem>>) src(%arg9 : memref<128x64xf32, #tpu.memory_space<vmem>>) dst(%dma_wait3A_584 : memref<10112x64xf32, #tpu.memory_space<vmem_shared>>)
    %add3A_587 = arith.constant 159 : i32
    %add3A_588 = arith.addi %mul3A_0, %add3A_587 : i32
    %dma_wait3A_589 = arith.constant 3 : i32
    %dma_wait3A_590 = arith.constant 3 : i32
    %dma_wait3A_591 = arith.constant 0 : i32
    %dma_wait3A_592 = tpu.memref_slice %arg7[%dma_wait3A_590, %dma_wait3A_591] : memref<4x128xi32, #tpu.memory_space<vmem>> -> memref<1x128xi32, #tpu.memory_space<vmem>>
    %dma_wait3A_593 = arith.constant 0 : i32
    %dma_wait3A_594 = tpu.memref_slice %arg3[%add3A_588, %dma_wait3A_593] : memref<2560x128xi32, #tpu.memory_space<hbm>> -> memref<1x128xi32, #tpu.memory_space<hbm>>
    %dma_wait3A_595 = tpu.memref_slice %arg13[%dma_wait3A_589] : memref<4x!tpu.dma_semaphore, #tpu.memory_space<semaphore_mem>> -> memref<1x!tpu.dma_semaphore, #tpu.memory_space<semaphore_mem>>
    %dma_wait3A_596 = tpu.memref_squeeze %dma_wait3A_595 : memref<1x!tpu.dma_semaphore, #tpu.memory_space<semaphore_mem>> -> memref<!tpu.dma_semaphore, #tpu.memory_space<semaphore_mem>>
    %dma_wait3A_597 = arith.constant 3 : i32
    %dma_wait3A_598 = arith.constant 0 : i32
    %dma_wait3A_599 = tpu.memref_slice %arg7[%dma_wait3A_597, %dma_wait3A_598] : memref<4x128xi32, #tpu.memory_space<vmem>> -> memref<1x128xi32, #tpu.memory_space<vmem>>
    %dma_wait3A_600 = arith.constant 0 : i32
    %dma_wait3A_601 = tpu.memref_slice %arg3[%add3A_588, %dma_wait3A_600] : memref<2560x128xi32, #tpu.memory_space<hbm>> -> memref<1x128xi32, #tpu.memory_space<hbm>>
    tpu.wait_dma2 semaphore(%dma_wait3A_596 : memref<!tpu.dma_semaphore, #tpu.memory_space<semaphore_mem>>) src(%dma_wait3A_601 : memref<1x128xi32, #tpu.memory_space<hbm>>) dst(%dma_wait3A_599 : memref<1x128xi32, #tpu.memory_space<vmem>>)
    %add3A_602 = arith.constant 159 : i32
    %add3A_603 = arith.addi %mul3A_0, %add3A_602 : i32
    %dma_wait3A_604 = arith.constant 3 : i32
    %dma_wait3A_605 = arith.constant 3 : i32
    %dma_wait3A_606 = arith.constant 0 : i32
    %dma_wait3A_607 = tpu.memref_slice %arg8[%dma_wait3A_605, %dma_wait3A_606] : memref<4x128xi32, #tpu.memory_space<vmem>> -> memref<1x128xi32, #tpu.memory_space<vmem>>
    %dma_wait3A_608 = arith.constant 0 : i32
    %dma_wait3A_609 = tpu.memref_slice %arg4[%add3A_603, %dma_wait3A_608] : memref<2560x128xi32, #tpu.memory_space<hbm>> -> memref<1x128xi32, #tpu.memory_space<hbm>>
    %dma_wait3A_610 = tpu.memref_slice %arg14[%dma_wait3A_604] : memref<4x!tpu.dma_semaphore, #tpu.memory_space<semaphore_mem>> -> memref<1x!tpu.dma_semaphore, #tpu.memory_space<semaphore_mem>>
    %dma_wait3A_611 = tpu.memref_squeeze %dma_wait3A_610 : memref<1x!tpu.dma_semaphore, #tpu.memory_space<semaphore_mem>> -> memref<!tpu.dma_semaphore, #tpu.memory_space<semaphore_mem>>
    %dma_wait3A_612 = arith.constant 3 : i32
    %dma_wait3A_613 = arith.constant 0 : i32
    %dma_wait3A_614 = tpu.memref_slice %arg8[%dma_wait3A_612, %dma_wait3A_613] : memref<4x128xi32, #tpu.memory_space<vmem>> -> memref<1x128xi32, #tpu.memory_space<vmem>>
    %dma_wait3A_615 = arith.constant 0 : i32
    %dma_wait3A_616 = tpu.memref_slice %arg4[%add3A_603, %dma_wait3A_615] : memref<2560x128xi32, #tpu.memory_space<hbm>> -> memref<1x128xi32, #tpu.memory_space<hbm>>
    tpu.wait_dma2 semaphore(%dma_wait3A_611 : memref<!tpu.dma_semaphore, #tpu.memory_space<semaphore_mem>>) src(%dma_wait3A_616 : memref<1x128xi32, #tpu.memory_space<hbm>>) dst(%dma_wait3A_614 : memref<1x128xi32, #tpu.memory_space<vmem>>)
    %run_scoped3A_617 = arith.constant 3 : i32
    "tpu.region"() ({
      %run_scoped3A_663 = tpu.sem_alloc : memref<!tpu.dma_semaphore, #tpu.memory_space<semaphore_mem>>
      %dma_start3A_664 = arith.constant 0 : i32
      %dma_start3A_665 = tpu.memref_slice %arg7[%run_scoped3A_617, %dma_start3A_664] : memref<4x128xi32, #tpu.memory_space<vmem>> -> memref<1x128xi32, #tpu.memory_space<vmem>>
      %dma_start3A_666 = tpu.memref_squeeze %dma_start3A_665 : memref<1x128xi32, #tpu.memory_space<vmem>> -> memref<128xi32, #tpu.memory_space<vmem>>
      %dma_start3A_667 = arith.constant 0 : i32
      %dma_start3A_668 = arith.constant 0 : i32
      %dma_start3A_669 = tpu.memref_slice %arg16[%dma_start3A_667, %dma_start3A_668] : memref<10112x64xf32, #tpu.memory_space<vmem_shared>> -> memref<10112x64xf32, #tpu.memory_space<vmem_shared>>
      tpu.enqueue_indirect_dma source(%dma_start3A_669 : memref<10112x64xf32, #tpu.memory_space<vmem_shared>>) target(%arg12 : memref<128x64xf32, #tpu.memory_space<vmem>>) offsets(%dma_start3A_666 : memref<128xi32, #tpu.memory_space<vmem>>) semaphore(%run_scoped3A_663 : memref<!tpu.dma_semaphore, #tpu.memory_space<semaphore_mem>>)
      %dma_wait3A_670 = arith.constant 0 : i32
      %dma_wait3A_671 = tpu.memref_slice %arg7[%run_scoped3A_617, %dma_wait3A_670] : memref<4x128xi32, #tpu.memory_space<vmem>> -> memref<1x128xi32, #tpu.memory_space<vmem>>
      %dma_wait3A_672 = tpu.memref_squeeze %dma_wait3A_671 : memref<1x128xi32, #tpu.memory_space<vmem>> -> memref<128xi32, #tpu.memory_space<vmem>>
      %dma_wait3A_673 = arith.constant 0 : i32
      %dma_wait3A_674 = arith.constant 0 : i32
      %dma_wait3A_675 = tpu.memref_slice %arg16[%dma_wait3A_673, %dma_wait3A_674] : memref<10112x64xf32, #tpu.memory_space<vmem_shared>> -> memref<10112x64xf32, #tpu.memory_space<vmem_shared>>
      tpu.wait_indirect_dma semaphore(%run_scoped3A_663 : memref<!tpu.dma_semaphore, #tpu.memory_space<semaphore_mem>>) src(%dma_wait3A_675 : memref<10112x64xf32, #tpu.memory_space<vmem_shared>>) dst(%arg12 : memref<128x64xf32, #tpu.memory_space<vmem>>)
      tpu.yield
    }) : () -> ()
    %dma_start3A_618 = arith.constant 3 : i32
    %dma_start3A_619 = arith.constant 3 : i32
    %dma_start3A_620 = arith.constant 0 : i32
    %dma_start3A_621 = tpu.memref_slice %arg8[%dma_start3A_618, %dma_start3A_620] : memref<4x128xi32, #tpu.memory_space<vmem>> -> memref<1x128xi32, #tpu.memory_space<vmem>>
    %dma_start3A_622 = tpu.memref_squeeze %dma_start3A_621 : memref<1x128xi32, #tpu.memory_space<vmem>> -> memref<128xi32, #tpu.memory_space<vmem>>
    %dma_start3A_623 = arith.constant 0 : i32
    %dma_start3A_624 = arith.constant 0 : i32
    %dma_start3A_625 = tpu.memref_slice %arg17[%dma_start3A_623, %dma_start3A_624] : memref<10112x64xf32, #tpu.memory_space<vmem_shared>> -> memref<10112x64xf32, #tpu.memory_space<vmem_shared>>
    %dma_start3A_626 = tpu.memref_slice %arg15[%dma_start3A_619] : memref<4x!tpu.dma_semaphore, #tpu.memory_space<semaphore_mem>> -> memref<1x!tpu.dma_semaphore, #tpu.memory_space<semaphore_mem>>
    %dma_start3A_627 = tpu.memref_squeeze %dma_start3A_626 : memref<1x!tpu.dma_semaphore, #tpu.memory_space<semaphore_mem>> -> memref<!tpu.dma_semaphore, #tpu.memory_space<semaphore_mem>>
    tpu.enqueue_indirect_dma source(%arg12 : memref<128x64xf32, #tpu.memory_space<vmem>>) target(%dma_start3A_625 : memref<10112x64xf32, #tpu.memory_space<vmem_shared>>) offsets(%dma_start3A_622 : memref<128xi32, #tpu.memory_space<vmem>>) semaphore(%dma_start3A_627 : memref<!tpu.dma_semaphore, #tpu.memory_space<semaphore_mem>>) {add = true}
    %dma_wait3A_628 = arith.constant 1 : i32
    %dma_wait3A_629 = arith.constant 1 : i32
    %dma_wait3A_630 = arith.constant 0 : i32
    %dma_wait3A_631 = tpu.memref_slice %arg8[%dma_wait3A_628, %dma_wait3A_630] : memref<4x128xi32, #tpu.memory_space<vmem>> -> memref<1x128xi32, #tpu.memory_space<vmem>>
    %dma_wait3A_632 = tpu.memref_squeeze %dma_wait3A_631 : memref<1x128xi32, #tpu.memory_space<vmem>> -> memref<128xi32, #tpu.memory_space<vmem>>
    %dma_wait3A_633 = arith.constant 0 : i32
    %dma_wait3A_634 = arith.constant 0 : i32
    %dma_wait3A_635 = tpu.memref_slice %arg17[%dma_wait3A_633, %dma_wait3A_634] : memref<10112x64xf32, #tpu.memory_space<vmem_shared>> -> memref<10112x64xf32, #tpu.memory_space<vmem_shared>>
    %dma_wait3A_636 = tpu.memref_slice %arg15[%dma_wait3A_629] : memref<4x!tpu.dma_semaphore, #tpu.memory_space<semaphore_mem>> -> memref<1x!tpu.dma_semaphore, #tpu.memory_space<semaphore_mem>>
    %dma_wait3A_637 = tpu.memref_squeeze %dma_wait3A_636 : memref<1x!tpu.dma_semaphore, #tpu.memory_space<semaphore_mem>> -> memref<!tpu.dma_semaphore, #tpu.memory_space<semaphore_mem>>
    tpu.wait_indirect_dma semaphore(%dma_wait3A_637 : memref<!tpu.dma_semaphore, #tpu.memory_space<semaphore_mem>>) src(%arg10 : memref<128x64xf32, #tpu.memory_space<vmem>>) dst(%dma_wait3A_635 : memref<10112x64xf32, #tpu.memory_space<vmem_shared>>)
    %dma_wait3A_638 = arith.constant 2 : i32
    %dma_wait3A_639 = arith.constant 2 : i32
    %dma_wait3A_640 = arith.constant 0 : i32
    %dma_wait3A_641 = tpu.memref_slice %arg8[%dma_wait3A_638, %dma_wait3A_640] : memref<4x128xi32, #tpu.memory_space<vmem>> -> memref<1x128xi32, #tpu.memory_space<vmem>>
    %dma_wait3A_642 = tpu.memref_squeeze %dma_wait3A_641 : memref<1x128xi32, #tpu.memory_space<vmem>> -> memref<128xi32, #tpu.memory_space<vmem>>
    %dma_wait3A_643 = arith.constant 0 : i32
    %dma_wait3A_644 = arith.constant 0 : i32
    %dma_wait3A_645 = tpu.memref_slice %arg17[%dma_wait3A_643, %dma_wait3A_644] : memref<10112x64xf32, #tpu.memory_space<vmem_shared>> -> memref<10112x64xf32, #tpu.memory_space<vmem_shared>>
    %dma_wait3A_646 = tpu.memref_slice %arg15[%dma_wait3A_639] : memref<4x!tpu.dma_semaphore, #tpu.memory_space<semaphore_mem>> -> memref<1x!tpu.dma_semaphore, #tpu.memory_space<semaphore_mem>>
    %dma_wait3A_647 = tpu.memref_squeeze %dma_wait3A_646 : memref<1x!tpu.dma_semaphore, #tpu.memory_space<semaphore_mem>> -> memref<!tpu.dma_semaphore, #tpu.memory_space<semaphore_mem>>
    tpu.wait_indirect_dma semaphore(%dma_wait3A_647 : memref<!tpu.dma_semaphore, #tpu.memory_space<semaphore_mem>>) src(%arg11 : memref<128x64xf32, #tpu.memory_space<vmem>>) dst(%dma_wait3A_645 : memref<10112x64xf32, #tpu.memory_space<vmem_shared>>)
    %dma_wait3A_648 = arith.constant 3 : i32
    %dma_wait3A_649 = arith.constant 3 : i32
    %dma_wait3A_650 = arith.constant 0 : i32
    %dma_wait3A_651 = tpu.memref_slice %arg8[%dma_wait3A_648, %dma_wait3A_650] : memref<4x128xi32, #tpu.memory_space<vmem>> -> memref<1x128xi32, #tpu.memory_space<vmem>>
    %dma_wait3A_652 = tpu.memref_squeeze %dma_wait3A_651 : memref<1x128xi32, #tpu.memory_space<vmem>> -> memref<128xi32, #tpu.memory_space<vmem>>
    %dma_wait3A_653 = arith.constant 0 : i32
    %dma_wait3A_654 = arith.constant 0 : i32
    %dma_wait3A_655 = tpu.memref_slice %arg17[%dma_wait3A_653, %dma_wait3A_654] : memref<10112x64xf32, #tpu.memory_space<vmem_shared>> -> memref<10112x64xf32, #tpu.memory_space<vmem_shared>>
    %dma_wait3A_656 = tpu.memref_slice %arg15[%dma_wait3A_649] : memref<4x!tpu.dma_semaphore, #tpu.memory_space<semaphore_mem>> -> memref<1x!tpu.dma_semaphore, #tpu.memory_space<semaphore_mem>>
    %dma_wait3A_657 = tpu.memref_squeeze %dma_wait3A_656 : memref<1x!tpu.dma_semaphore, #tpu.memory_space<semaphore_mem>> -> memref<!tpu.dma_semaphore, #tpu.memory_space<semaphore_mem>>
    tpu.wait_indirect_dma semaphore(%dma_wait3A_657 : memref<!tpu.dma_semaphore, #tpu.memory_space<semaphore_mem>>) src(%arg12 : memref<128x64xf32, #tpu.memory_space<vmem>>) dst(%dma_wait3A_655 : memref<10112x64xf32, #tpu.memory_space<vmem_shared>>)
    %barrier3A_658 = arith.constant 0 : index
    tpu.barrier barrier_id(%barrier3A_658)
    %mul3A_659 = arith.constant 632 : i32
    %mul3A_660 = arith.muli %arg1, %mul3A_659 : i32
    %mul3A_661 = arith.constant 632 : i32
    %mul3A_662 = arith.muli %arg1, %mul3A_661 : i32
    "tpu.region"() ({
      %run_scoped3A_663 = tpu.sem_alloc : memref<!tpu.dma_semaphore, #tpu.memory_space<semaphore_mem>>
      %dma_start3A_664 = arith.constant 0 : i32
      %dma_start3A_665 = tpu.memref_slice %arg6[%arg0, %mul3A_662, %dma_start3A_664] : memref<2x10112x64xf32, #tpu.memory_space<hbm>> -> memref<1x632x64xf32, #tpu.memory_space<hbm>>
      %dma_start3A_666 = tpu.memref_squeeze %dma_start3A_665 : memref<1x632x64xf32, #tpu.memory_space<hbm>> -> memref<632x64xf32, #tpu.memory_space<hbm>>
      %dma_start3A_667 = arith.constant 0 : i32
      %dma_start3A_668 = tpu.memref_slice %arg17[%mul3A_660, %dma_start3A_667] : memref<10112x64xf32, #tpu.memory_space<vmem_shared>> -> memref<632x64xf32, #tpu.memory_space<vmem_shared>>
      tpu.enqueue_dma source(%dma_start3A_668 : memref<632x64xf32, #tpu.memory_space<vmem_shared>>) target(%dma_start3A_666 : memref<632x64xf32, #tpu.memory_space<hbm>>) target_semaphore(%run_scoped3A_663 : memref<!tpu.dma_semaphore, #tpu.memory_space<semaphore_mem>>)
      %dma_wait3A_669 = arith.constant 0 : i32
      %dma_wait3A_670 = tpu.memref_slice %arg6[%arg0, %mul3A_662, %dma_wait3A_669] : memref<2x10112x64xf32, #tpu.memory_space<hbm>> -> memref<1x632x64xf32, #tpu.memory_space<hbm>>
      %dma_wait3A_671 = tpu.memref_squeeze %dma_wait3A_670 : memref<1x632x64xf32, #tpu.memory_space<hbm>> -> memref<632x64xf32, #tpu.memory_space<hbm>>
      %dma_wait3A_672 = arith.constant 0 : i32
      %dma_wait3A_673 = tpu.memref_slice %arg17[%mul3A_660, %dma_wait3A_672] : memref<10112x64xf32, #tpu.memory_space<vmem_shared>> -> memref<632x64xf32, #tpu.memory_space<vmem_shared>>
      tpu.wait_dma2 semaphore(%run_scoped3A_663 : memref<!tpu.dma_semaphore, #tpu.memory_space<semaphore_mem>>) src(%dma_wait3A_673 : memref<632x64xf32, #tpu.memory_space<vmem_shared>>) dst(%dma_wait3A_671 : memref<632x64xf32, #tpu.memory_space<hbm>>)
      tpu.yield
    }) : () -> ()
    return
  }
}

#map = affine_map<(d0, d1) -> (0, 0)>
#map1 = affine_map<(d0, d1) -> (0, 0, 0)>
module attributes {stable_mosaic.version = 14 : i64} {
  func.func @_sc_degree(%arg0: i32, %arg1: i32, %arg2: memref<2560x128xi32, #tpu.memory_space<hbm>>, %arg3: memref<128x16xf32, #tpu.memory_space<hbm>>, %arg4: memref<10112x16xf32, #tpu.memory_space<hbm>>, %arg5: memref<2x10112x16xf32, #tpu.memory_space<hbm>>, %arg6: memref<80x128xi32, #tpu.memory_space<vmem>>, %arg7: memref<128x16xf32, #tpu.memory_space<vmem>>, %arg8: memref<!tpu.dma_semaphore, #tpu.memory_space<semaphore_mem>>, %arg9: memref<10112x16xf32, #tpu.memory_space<vmem_shared>>) attributes {dimension_semantics = [#tpu.dimension_semantics<core_parallel>, #tpu.dimension_semantics<subcore_parallel>], iteration_bounds = array<i64: 2, 16>, scalar_prefetch = 0 : i64, scratch_operands = 4 : i64, tpu.core_type = #tpu.core_type<sc_vector_subcore>, window_params = [{transform_indices = #map}, {transform_indices = #map}, {transform_indices = #map}, {transform_indices = #map1}]} {
    %mul3A = arith.constant 2 : i32
    %mul3A_0 = arith.muli %arg1, %mul3A : i32
    %add3A = arith.addi %mul3A_0, %arg0 : i32
    %mul3A_1 = arith.constant 632 : i32
    %mul3A_2 = arith.muli %arg1, %mul3A_1 : i32
    %mul3A_3 = arith.constant 632 : i32
    %mul3A_4 = arith.muli %arg1, %mul3A_3 : i32
    "tpu.region"() ({
      %run_scoped3A = tpu.sem_alloc : memref<!tpu.dma_semaphore, #tpu.memory_space<semaphore_mem>>
      %dma_start3A = arith.constant 0 : i32
      %dma_start3A_17 = tpu.memref_slice %arg9[%mul3A_4, %dma_start3A] : memref<10112x16xf32, #tpu.memory_space<vmem_shared>> -> memref<632x16xf32, #tpu.memory_space<vmem_shared>>
      %dma_start3A_18 = arith.constant 0 : i32
      %dma_start3A_19 = tpu.memref_slice %arg4[%mul3A_2, %dma_start3A_18] : memref<10112x16xf32, #tpu.memory_space<hbm>> -> memref<632x16xf32, #tpu.memory_space<hbm>>
      tpu.enqueue_dma source(%dma_start3A_19 : memref<632x16xf32, #tpu.memory_space<hbm>>) target(%dma_start3A_17 : memref<632x16xf32, #tpu.memory_space<vmem_shared>>) target_semaphore(%run_scoped3A : memref<!tpu.dma_semaphore, #tpu.memory_space<semaphore_mem>>)
      %dma_wait3A = arith.constant 0 : i32
      %dma_wait3A_20 = tpu.memref_slice %arg9[%mul3A_4, %dma_wait3A] : memref<10112x16xf32, #tpu.memory_space<vmem_shared>> -> memref<632x16xf32, #tpu.memory_space<vmem_shared>>
      %dma_wait3A_21 = arith.constant 0 : i32
      %dma_wait3A_22 = tpu.memref_slice %arg4[%mul3A_2, %dma_wait3A_21] : memref<10112x16xf32, #tpu.memory_space<hbm>> -> memref<632x16xf32, #tpu.memory_space<hbm>>
      tpu.wait_dma2 semaphore(%run_scoped3A : memref<!tpu.dma_semaphore, #tpu.memory_space<semaphore_mem>>) src(%dma_wait3A_22 : memref<632x16xf32, #tpu.memory_space<hbm>>) dst(%dma_wait3A_20 : memref<632x16xf32, #tpu.memory_space<vmem_shared>>)
      tpu.yield
    }) : () -> ()
    %mul3A_5 = arith.constant 80 : i32
    %mul3A_6 = arith.muli %add3A, %mul3A_5 : i32
    "tpu.region"() ({
      %run_scoped3A = tpu.sem_alloc : memref<!tpu.dma_semaphore, #tpu.memory_space<semaphore_mem>>
      %dma_start3A = arith.constant 0 : i32
      %dma_start3A_17 = tpu.memref_slice %arg2[%mul3A_6, %dma_start3A] : memref<2560x128xi32, #tpu.memory_space<hbm>> -> memref<80x128xi32, #tpu.memory_space<hbm>>
      %dma_start3A_18 = arith.constant 0 : i32
      %dma_start3A_19 = tpu.memref_slice %arg2[%mul3A_6, %dma_start3A_18] : memref<2560x128xi32, #tpu.memory_space<hbm>> -> memref<80x128xi32, #tpu.memory_space<hbm>>
      tpu.enqueue_dma source(%dma_start3A_19 : memref<80x128xi32, #tpu.memory_space<hbm>>) target(%arg6 : memref<80x128xi32, #tpu.memory_space<vmem>>) target_semaphore(%run_scoped3A : memref<!tpu.dma_semaphore, #tpu.memory_space<semaphore_mem>>)
      %dma_wait3A = arith.constant 0 : i32
      %dma_wait3A_20 = tpu.memref_slice %arg2[%mul3A_6, %dma_wait3A] : memref<2560x128xi32, #tpu.memory_space<hbm>> -> memref<80x128xi32, #tpu.memory_space<hbm>>
      %dma_wait3A_21 = arith.constant 0 : i32
      %dma_wait3A_22 = tpu.memref_slice %arg2[%mul3A_6, %dma_wait3A_21] : memref<2560x128xi32, #tpu.memory_space<hbm>> -> memref<80x128xi32, #tpu.memory_space<hbm>>
      tpu.wait_dma2 semaphore(%run_scoped3A : memref<!tpu.dma_semaphore, #tpu.memory_space<semaphore_mem>>) src(%dma_wait3A_22 : memref<80x128xi32, #tpu.memory_space<hbm>>) dst(%arg6 : memref<80x128xi32, #tpu.memory_space<vmem>>)
      tpu.yield
    }) : () -> ()
    "tpu.region"() ({
      %run_scoped3A = tpu.sem_alloc : memref<!tpu.dma_semaphore, #tpu.memory_space<semaphore_mem>>
      tpu.enqueue_dma source(%arg3 : memref<128x16xf32, #tpu.memory_space<hbm>>) target(%arg7 : memref<128x16xf32, #tpu.memory_space<vmem>>) target_semaphore(%run_scoped3A : memref<!tpu.dma_semaphore, #tpu.memory_space<semaphore_mem>>)
      tpu.wait_dma2 semaphore(%run_scoped3A : memref<!tpu.dma_semaphore, #tpu.memory_space<semaphore_mem>>) src(%arg3 : memref<128x16xf32, #tpu.memory_space<hbm>>) dst(%arg7 : memref<128x16xf32, #tpu.memory_space<vmem>>)
      tpu.yield
    }) : () -> ()
    %barrier3A = arith.constant 0 : index
    tpu.barrier barrier_id(%barrier3A)
    %scan3A = arith.constant 0 : i32
    %scan3A_7 = arith.constant 0 : i32
    %scan3A_8 = arith.constant 10 : i32
    %scan3A_9 = arith.addi %scan3A_7, %scan3A_8 : i32
    %scan3A_10 = arith.constant 1 : i32
    scf.for %scan3A_17 = %scan3A_7 to %scan3A_9 step %scan3A_10  : i32 {
      %mul3A_18 = arith.constant 8 : i32
      %mul3A_19 = arith.muli %mul3A_18, %scan3A_17 : i32
      %add3A_20 = arith.constant 0 : i32
      %add3A_21 = arith.addi %mul3A_19, %add3A_20 : i32
      %dma_start3A = arith.constant 0 : i32
      %dma_start3A_22 = tpu.memref_slice %arg6[%add3A_21, %dma_start3A] : memref<80x128xi32, #tpu.memory_space<vmem>> -> memref<1x128xi32, #tpu.memory_space<vmem>>
      %dma_start3A_23 = tpu.memref_squeeze %dma_start3A_22 : memref<1x128xi32, #tpu.memory_space<vmem>> -> memref<128xi32, #tpu.memory_space<vmem>>
      %dma_start3A_24 = arith.constant 0 : i32
      %dma_start3A_25 = arith.constant 0 : i32
      %dma_start3A_26 = tpu.memref_slice %arg9[%dma_start3A_24, %dma_start3A_25] : memref<10112x16xf32, #tpu.memory_space<vmem_shared>> -> memref<10112x16xf32, #tpu.memory_space<vmem_shared>>
      tpu.enqueue_indirect_dma source(%arg7 : memref<128x16xf32, #tpu.memory_space<vmem>>) target(%dma_start3A_26 : memref<10112x16xf32, #tpu.memory_space<vmem_shared>>) offsets(%dma_start3A_23 : memref<128xi32, #tpu.memory_space<vmem>>) semaphore(%arg8 : memref<!tpu.dma_semaphore, #tpu.memory_space<semaphore_mem>>) {add = true}
      %mul3A_27 = arith.constant 8 : i32
      %mul3A_28 = arith.muli %mul3A_27, %scan3A_17 : i32
      %add3A_29 = arith.constant 1 : i32
      %add3A_30 = arith.addi %mul3A_28, %add3A_29 : i32
      %dma_start3A_31 = arith.constant 0 : i32
      %dma_start3A_32 = tpu.memref_slice %arg6[%add3A_30, %dma_start3A_31] : memref<80x128xi32, #tpu.memory_space<vmem>> -> memref<1x128xi32, #tpu.memory_space<vmem>>
      %dma_start3A_33 = tpu.memref_squeeze %dma_start3A_32 : memref<1x128xi32, #tpu.memory_space<vmem>> -> memref<128xi32, #tpu.memory_space<vmem>>
      %dma_start3A_34 = arith.constant 0 : i32
      %dma_start3A_35 = arith.constant 0 : i32
      %dma_start3A_36 = tpu.memref_slice %arg9[%dma_start3A_34, %dma_start3A_35] : memref<10112x16xf32, #tpu.memory_space<vmem_shared>> -> memref<10112x16xf32, #tpu.memory_space<vmem_shared>>
      tpu.enqueue_indirect_dma source(%arg7 : memref<128x16xf32, #tpu.memory_space<vmem>>) target(%dma_start3A_36 : memref<10112x16xf32, #tpu.memory_space<vmem_shared>>) offsets(%dma_start3A_33 : memref<128xi32, #tpu.memory_space<vmem>>) semaphore(%arg8 : memref<!tpu.dma_semaphore, #tpu.memory_space<semaphore_mem>>) {add = true}
      %mul3A_37 = arith.constant 8 : i32
      %mul3A_38 = arith.muli %mul3A_37, %scan3A_17 : i32
      %add3A_39 = arith.constant 2 : i32
      %add3A_40 = arith.addi %mul3A_38, %add3A_39 : i32
      %dma_start3A_41 = arith.constant 0 : i32
      %dma_start3A_42 = tpu.memref_slice %arg6[%add3A_40, %dma_start3A_41] : memref<80x128xi32, #tpu.memory_space<vmem>> -> memref<1x128xi32, #tpu.memory_space<vmem>>
      %dma_start3A_43 = tpu.memref_squeeze %dma_start3A_42 : memref<1x128xi32, #tpu.memory_space<vmem>> -> memref<128xi32, #tpu.memory_space<vmem>>
      %dma_start3A_44 = arith.constant 0 : i32
      %dma_start3A_45 = arith.constant 0 : i32
      %dma_start3A_46 = tpu.memref_slice %arg9[%dma_start3A_44, %dma_start3A_45] : memref<10112x16xf32, #tpu.memory_space<vmem_shared>> -> memref<10112x16xf32, #tpu.memory_space<vmem_shared>>
      tpu.enqueue_indirect_dma source(%arg7 : memref<128x16xf32, #tpu.memory_space<vmem>>) target(%dma_start3A_46 : memref<10112x16xf32, #tpu.memory_space<vmem_shared>>) offsets(%dma_start3A_43 : memref<128xi32, #tpu.memory_space<vmem>>) semaphore(%arg8 : memref<!tpu.dma_semaphore, #tpu.memory_space<semaphore_mem>>) {add = true}
      %mul3A_47 = arith.constant 8 : i32
      %mul3A_48 = arith.muli %mul3A_47, %scan3A_17 : i32
      %add3A_49 = arith.constant 3 : i32
      %add3A_50 = arith.addi %mul3A_48, %add3A_49 : i32
      %dma_start3A_51 = arith.constant 0 : i32
      %dma_start3A_52 = tpu.memref_slice %arg6[%add3A_50, %dma_start3A_51] : memref<80x128xi32, #tpu.memory_space<vmem>> -> memref<1x128xi32, #tpu.memory_space<vmem>>
      %dma_start3A_53 = tpu.memref_squeeze %dma_start3A_52 : memref<1x128xi32, #tpu.memory_space<vmem>> -> memref<128xi32, #tpu.memory_space<vmem>>
      %dma_start3A_54 = arith.constant 0 : i32
      %dma_start3A_55 = arith.constant 0 : i32
      %dma_start3A_56 = tpu.memref_slice %arg9[%dma_start3A_54, %dma_start3A_55] : memref<10112x16xf32, #tpu.memory_space<vmem_shared>> -> memref<10112x16xf32, #tpu.memory_space<vmem_shared>>
      tpu.enqueue_indirect_dma source(%arg7 : memref<128x16xf32, #tpu.memory_space<vmem>>) target(%dma_start3A_56 : memref<10112x16xf32, #tpu.memory_space<vmem_shared>>) offsets(%dma_start3A_53 : memref<128xi32, #tpu.memory_space<vmem>>) semaphore(%arg8 : memref<!tpu.dma_semaphore, #tpu.memory_space<semaphore_mem>>) {add = true}
      %mul3A_57 = arith.constant 8 : i32
      %mul3A_58 = arith.muli %mul3A_57, %scan3A_17 : i32
      %add3A_59 = arith.constant 4 : i32
      %add3A_60 = arith.addi %mul3A_58, %add3A_59 : i32
      %dma_start3A_61 = arith.constant 0 : i32
      %dma_start3A_62 = tpu.memref_slice %arg6[%add3A_60, %dma_start3A_61] : memref<80x128xi32, #tpu.memory_space<vmem>> -> memref<1x128xi32, #tpu.memory_space<vmem>>
      %dma_start3A_63 = tpu.memref_squeeze %dma_start3A_62 : memref<1x128xi32, #tpu.memory_space<vmem>> -> memref<128xi32, #tpu.memory_space<vmem>>
      %dma_start3A_64 = arith.constant 0 : i32
      %dma_start3A_65 = arith.constant 0 : i32
      %dma_start3A_66 = tpu.memref_slice %arg9[%dma_start3A_64, %dma_start3A_65] : memref<10112x16xf32, #tpu.memory_space<vmem_shared>> -> memref<10112x16xf32, #tpu.memory_space<vmem_shared>>
      tpu.enqueue_indirect_dma source(%arg7 : memref<128x16xf32, #tpu.memory_space<vmem>>) target(%dma_start3A_66 : memref<10112x16xf32, #tpu.memory_space<vmem_shared>>) offsets(%dma_start3A_63 : memref<128xi32, #tpu.memory_space<vmem>>) semaphore(%arg8 : memref<!tpu.dma_semaphore, #tpu.memory_space<semaphore_mem>>) {add = true}
      %mul3A_67 = arith.constant 8 : i32
      %mul3A_68 = arith.muli %mul3A_67, %scan3A_17 : i32
      %add3A_69 = arith.constant 5 : i32
      %add3A_70 = arith.addi %mul3A_68, %add3A_69 : i32
      %dma_start3A_71 = arith.constant 0 : i32
      %dma_start3A_72 = tpu.memref_slice %arg6[%add3A_70, %dma_start3A_71] : memref<80x128xi32, #tpu.memory_space<vmem>> -> memref<1x128xi32, #tpu.memory_space<vmem>>
      %dma_start3A_73 = tpu.memref_squeeze %dma_start3A_72 : memref<1x128xi32, #tpu.memory_space<vmem>> -> memref<128xi32, #tpu.memory_space<vmem>>
      %dma_start3A_74 = arith.constant 0 : i32
      %dma_start3A_75 = arith.constant 0 : i32
      %dma_start3A_76 = tpu.memref_slice %arg9[%dma_start3A_74, %dma_start3A_75] : memref<10112x16xf32, #tpu.memory_space<vmem_shared>> -> memref<10112x16xf32, #tpu.memory_space<vmem_shared>>
      tpu.enqueue_indirect_dma source(%arg7 : memref<128x16xf32, #tpu.memory_space<vmem>>) target(%dma_start3A_76 : memref<10112x16xf32, #tpu.memory_space<vmem_shared>>) offsets(%dma_start3A_73 : memref<128xi32, #tpu.memory_space<vmem>>) semaphore(%arg8 : memref<!tpu.dma_semaphore, #tpu.memory_space<semaphore_mem>>) {add = true}
      %mul3A_77 = arith.constant 8 : i32
      %mul3A_78 = arith.muli %mul3A_77, %scan3A_17 : i32
      %add3A_79 = arith.constant 6 : i32
      %add3A_80 = arith.addi %mul3A_78, %add3A_79 : i32
      %dma_start3A_81 = arith.constant 0 : i32
      %dma_start3A_82 = tpu.memref_slice %arg6[%add3A_80, %dma_start3A_81] : memref<80x128xi32, #tpu.memory_space<vmem>> -> memref<1x128xi32, #tpu.memory_space<vmem>>
      %dma_start3A_83 = tpu.memref_squeeze %dma_start3A_82 : memref<1x128xi32, #tpu.memory_space<vmem>> -> memref<128xi32, #tpu.memory_space<vmem>>
      %dma_start3A_84 = arith.constant 0 : i32
      %dma_start3A_85 = arith.constant 0 : i32
      %dma_start3A_86 = tpu.memref_slice %arg9[%dma_start3A_84, %dma_start3A_85] : memref<10112x16xf32, #tpu.memory_space<vmem_shared>> -> memref<10112x16xf32, #tpu.memory_space<vmem_shared>>
      tpu.enqueue_indirect_dma source(%arg7 : memref<128x16xf32, #tpu.memory_space<vmem>>) target(%dma_start3A_86 : memref<10112x16xf32, #tpu.memory_space<vmem_shared>>) offsets(%dma_start3A_83 : memref<128xi32, #tpu.memory_space<vmem>>) semaphore(%arg8 : memref<!tpu.dma_semaphore, #tpu.memory_space<semaphore_mem>>) {add = true}
      %mul3A_87 = arith.constant 8 : i32
      %mul3A_88 = arith.muli %mul3A_87, %scan3A_17 : i32
      %add3A_89 = arith.constant 7 : i32
      %add3A_90 = arith.addi %mul3A_88, %add3A_89 : i32
      %dma_start3A_91 = arith.constant 0 : i32
      %dma_start3A_92 = tpu.memref_slice %arg6[%add3A_90, %dma_start3A_91] : memref<80x128xi32, #tpu.memory_space<vmem>> -> memref<1x128xi32, #tpu.memory_space<vmem>>
      %dma_start3A_93 = tpu.memref_squeeze %dma_start3A_92 : memref<1x128xi32, #tpu.memory_space<vmem>> -> memref<128xi32, #tpu.memory_space<vmem>>
      %dma_start3A_94 = arith.constant 0 : i32
      %dma_start3A_95 = arith.constant 0 : i32
      %dma_start3A_96 = tpu.memref_slice %arg9[%dma_start3A_94, %dma_start3A_95] : memref<10112x16xf32, #tpu.memory_space<vmem_shared>> -> memref<10112x16xf32, #tpu.memory_space<vmem_shared>>
      tpu.enqueue_indirect_dma source(%arg7 : memref<128x16xf32, #tpu.memory_space<vmem>>) target(%dma_start3A_96 : memref<10112x16xf32, #tpu.memory_space<vmem_shared>>) offsets(%dma_start3A_93 : memref<128xi32, #tpu.memory_space<vmem>>) semaphore(%arg8 : memref<!tpu.dma_semaphore, #tpu.memory_space<semaphore_mem>>) {add = true}
      %mul3A_97 = arith.constant 8 : i32
      %mul3A_98 = arith.muli %mul3A_97, %scan3A_17 : i32
      %add3A_99 = arith.constant 0 : i32
      %add3A_100 = arith.addi %mul3A_98, %add3A_99 : i32
      %dma_wait3A = arith.constant 0 : i32
      %dma_wait3A_101 = tpu.memref_slice %arg6[%add3A_100, %dma_wait3A] : memref<80x128xi32, #tpu.memory_space<vmem>> -> memref<1x128xi32, #tpu.memory_space<vmem>>
      %dma_wait3A_102 = tpu.memref_squeeze %dma_wait3A_101 : memref<1x128xi32, #tpu.memory_space<vmem>> -> memref<128xi32, #tpu.memory_space<vmem>>
      %dma_wait3A_103 = arith.constant 0 : i32
      %dma_wait3A_104 = arith.constant 0 : i32
      %dma_wait3A_105 = tpu.memref_slice %arg9[%dma_wait3A_103, %dma_wait3A_104] : memref<10112x16xf32, #tpu.memory_space<vmem_shared>> -> memref<10112x16xf32, #tpu.memory_space<vmem_shared>>
      tpu.wait_indirect_dma semaphore(%arg8 : memref<!tpu.dma_semaphore, #tpu.memory_space<semaphore_mem>>) src(%arg7 : memref<128x16xf32, #tpu.memory_space<vmem>>) dst(%dma_wait3A_105 : memref<10112x16xf32, #tpu.memory_space<vmem_shared>>)
      %mul3A_106 = arith.constant 8 : i32
      %mul3A_107 = arith.muli %mul3A_106, %scan3A_17 : i32
      %add3A_108 = arith.constant 1 : i32
      %add3A_109 = arith.addi %mul3A_107, %add3A_108 : i32
      %dma_wait3A_110 = arith.constant 0 : i32
      %dma_wait3A_111 = tpu.memref_slice %arg6[%add3A_109, %dma_wait3A_110] : memref<80x128xi32, #tpu.memory_space<vmem>> -> memref<1x128xi32, #tpu.memory_space<vmem>>
      %dma_wait3A_112 = tpu.memref_squeeze %dma_wait3A_111 : memref<1x128xi32, #tpu.memory_space<vmem>> -> memref<128xi32, #tpu.memory_space<vmem>>
      %dma_wait3A_113 = arith.constant 0 : i32
      %dma_wait3A_114 = arith.constant 0 : i32
      %dma_wait3A_115 = tpu.memref_slice %arg9[%dma_wait3A_113, %dma_wait3A_114] : memref<10112x16xf32, #tpu.memory_space<vmem_shared>> -> memref<10112x16xf32, #tpu.memory_space<vmem_shared>>
      tpu.wait_indirect_dma semaphore(%arg8 : memref<!tpu.dma_semaphore, #tpu.memory_space<semaphore_mem>>) src(%arg7 : memref<128x16xf32, #tpu.memory_space<vmem>>) dst(%dma_wait3A_115 : memref<10112x16xf32, #tpu.memory_space<vmem_shared>>)
      %mul3A_116 = arith.constant 8 : i32
      %mul3A_117 = arith.muli %mul3A_116, %scan3A_17 : i32
      %add3A_118 = arith.constant 2 : i32
      %add3A_119 = arith.addi %mul3A_117, %add3A_118 : i32
      %dma_wait3A_120 = arith.constant 0 : i32
      %dma_wait3A_121 = tpu.memref_slice %arg6[%add3A_119, %dma_wait3A_120] : memref<80x128xi32, #tpu.memory_space<vmem>> -> memref<1x128xi32, #tpu.memory_space<vmem>>
      %dma_wait3A_122 = tpu.memref_squeeze %dma_wait3A_121 : memref<1x128xi32, #tpu.memory_space<vmem>> -> memref<128xi32, #tpu.memory_space<vmem>>
      %dma_wait3A_123 = arith.constant 0 : i32
      %dma_wait3A_124 = arith.constant 0 : i32
      %dma_wait3A_125 = tpu.memref_slice %arg9[%dma_wait3A_123, %dma_wait3A_124] : memref<10112x16xf32, #tpu.memory_space<vmem_shared>> -> memref<10112x16xf32, #tpu.memory_space<vmem_shared>>
      tpu.wait_indirect_dma semaphore(%arg8 : memref<!tpu.dma_semaphore, #tpu.memory_space<semaphore_mem>>) src(%arg7 : memref<128x16xf32, #tpu.memory_space<vmem>>) dst(%dma_wait3A_125 : memref<10112x16xf32, #tpu.memory_space<vmem_shared>>)
      %mul3A_126 = arith.constant 8 : i32
      %mul3A_127 = arith.muli %mul3A_126, %scan3A_17 : i32
      %add3A_128 = arith.constant 3 : i32
      %add3A_129 = arith.addi %mul3A_127, %add3A_128 : i32
      %dma_wait3A_130 = arith.constant 0 : i32
      %dma_wait3A_131 = tpu.memref_slice %arg6[%add3A_129, %dma_wait3A_130] : memref<80x128xi32, #tpu.memory_space<vmem>> -> memref<1x128xi32, #tpu.memory_space<vmem>>
      %dma_wait3A_132 = tpu.memref_squeeze %dma_wait3A_131 : memref<1x128xi32, #tpu.memory_space<vmem>> -> memref<128xi32, #tpu.memory_space<vmem>>
      %dma_wait3A_133 = arith.constant 0 : i32
      %dma_wait3A_134 = arith.constant 0 : i32
      %dma_wait3A_135 = tpu.memref_slice %arg9[%dma_wait3A_133, %dma_wait3A_134] : memref<10112x16xf32, #tpu.memory_space<vmem_shared>> -> memref<10112x16xf32, #tpu.memory_space<vmem_shared>>
      tpu.wait_indirect_dma semaphore(%arg8 : memref<!tpu.dma_semaphore, #tpu.memory_space<semaphore_mem>>) src(%arg7 : memref<128x16xf32, #tpu.memory_space<vmem>>) dst(%dma_wait3A_135 : memref<10112x16xf32, #tpu.memory_space<vmem_shared>>)
      %mul3A_136 = arith.constant 8 : i32
      %mul3A_137 = arith.muli %mul3A_136, %scan3A_17 : i32
      %add3A_138 = arith.constant 4 : i32
      %add3A_139 = arith.addi %mul3A_137, %add3A_138 : i32
      %dma_wait3A_140 = arith.constant 0 : i32
      %dma_wait3A_141 = tpu.memref_slice %arg6[%add3A_139, %dma_wait3A_140] : memref<80x128xi32, #tpu.memory_space<vmem>> -> memref<1x128xi32, #tpu.memory_space<vmem>>
      %dma_wait3A_142 = tpu.memref_squeeze %dma_wait3A_141 : memref<1x128xi32, #tpu.memory_space<vmem>> -> memref<128xi32, #tpu.memory_space<vmem>>
      %dma_wait3A_143 = arith.constant 0 : i32
      %dma_wait3A_144 = arith.constant 0 : i32
      %dma_wait3A_145 = tpu.memref_slice %arg9[%dma_wait3A_143, %dma_wait3A_144] : memref<10112x16xf32, #tpu.memory_space<vmem_shared>> -> memref<10112x16xf32, #tpu.memory_space<vmem_shared>>
      tpu.wait_indirect_dma semaphore(%arg8 : memref<!tpu.dma_semaphore, #tpu.memory_space<semaphore_mem>>) src(%arg7 : memref<128x16xf32, #tpu.memory_space<vmem>>) dst(%dma_wait3A_145 : memref<10112x16xf32, #tpu.memory_space<vmem_shared>>)
      %mul3A_146 = arith.constant 8 : i32
      %mul3A_147 = arith.muli %mul3A_146, %scan3A_17 : i32
      %add3A_148 = arith.constant 5 : i32
      %add3A_149 = arith.addi %mul3A_147, %add3A_148 : i32
      %dma_wait3A_150 = arith.constant 0 : i32
      %dma_wait3A_151 = tpu.memref_slice %arg6[%add3A_149, %dma_wait3A_150] : memref<80x128xi32, #tpu.memory_space<vmem>> -> memref<1x128xi32, #tpu.memory_space<vmem>>
      %dma_wait3A_152 = tpu.memref_squeeze %dma_wait3A_151 : memref<1x128xi32, #tpu.memory_space<vmem>> -> memref<128xi32, #tpu.memory_space<vmem>>
      %dma_wait3A_153 = arith.constant 0 : i32
      %dma_wait3A_154 = arith.constant 0 : i32
      %dma_wait3A_155 = tpu.memref_slice %arg9[%dma_wait3A_153, %dma_wait3A_154] : memref<10112x16xf32, #tpu.memory_space<vmem_shared>> -> memref<10112x16xf32, #tpu.memory_space<vmem_shared>>
      tpu.wait_indirect_dma semaphore(%arg8 : memref<!tpu.dma_semaphore, #tpu.memory_space<semaphore_mem>>) src(%arg7 : memref<128x16xf32, #tpu.memory_space<vmem>>) dst(%dma_wait3A_155 : memref<10112x16xf32, #tpu.memory_space<vmem_shared>>)
      %mul3A_156 = arith.constant 8 : i32
      %mul3A_157 = arith.muli %mul3A_156, %scan3A_17 : i32
      %add3A_158 = arith.constant 6 : i32
      %add3A_159 = arith.addi %mul3A_157, %add3A_158 : i32
      %dma_wait3A_160 = arith.constant 0 : i32
      %dma_wait3A_161 = tpu.memref_slice %arg6[%add3A_159, %dma_wait3A_160] : memref<80x128xi32, #tpu.memory_space<vmem>> -> memref<1x128xi32, #tpu.memory_space<vmem>>
      %dma_wait3A_162 = tpu.memref_squeeze %dma_wait3A_161 : memref<1x128xi32, #tpu.memory_space<vmem>> -> memref<128xi32, #tpu.memory_space<vmem>>
      %dma_wait3A_163 = arith.constant 0 : i32
      %dma_wait3A_164 = arith.constant 0 : i32
      %dma_wait3A_165 = tpu.memref_slice %arg9[%dma_wait3A_163, %dma_wait3A_164] : memref<10112x16xf32, #tpu.memory_space<vmem_shared>> -> memref<10112x16xf32, #tpu.memory_space<vmem_shared>>
      tpu.wait_indirect_dma semaphore(%arg8 : memref<!tpu.dma_semaphore, #tpu.memory_space<semaphore_mem>>) src(%arg7 : memref<128x16xf32, #tpu.memory_space<vmem>>) dst(%dma_wait3A_165 : memref<10112x16xf32, #tpu.memory_space<vmem_shared>>)
      %mul3A_166 = arith.constant 8 : i32
      %mul3A_167 = arith.muli %mul3A_166, %scan3A_17 : i32
      %add3A_168 = arith.constant 7 : i32
      %add3A_169 = arith.addi %mul3A_167, %add3A_168 : i32
      %dma_wait3A_170 = arith.constant 0 : i32
      %dma_wait3A_171 = tpu.memref_slice %arg6[%add3A_169, %dma_wait3A_170] : memref<80x128xi32, #tpu.memory_space<vmem>> -> memref<1x128xi32, #tpu.memory_space<vmem>>
      %dma_wait3A_172 = tpu.memref_squeeze %dma_wait3A_171 : memref<1x128xi32, #tpu.memory_space<vmem>> -> memref<128xi32, #tpu.memory_space<vmem>>
      %dma_wait3A_173 = arith.constant 0 : i32
      %dma_wait3A_174 = arith.constant 0 : i32
      %dma_wait3A_175 = tpu.memref_slice %arg9[%dma_wait3A_173, %dma_wait3A_174] : memref<10112x16xf32, #tpu.memory_space<vmem_shared>> -> memref<10112x16xf32, #tpu.memory_space<vmem_shared>>
      tpu.wait_indirect_dma semaphore(%arg8 : memref<!tpu.dma_semaphore, #tpu.memory_space<semaphore_mem>>) src(%arg7 : memref<128x16xf32, #tpu.memory_space<vmem>>) dst(%dma_wait3A_175 : memref<10112x16xf32, #tpu.memory_space<vmem_shared>>)
    }
    %scan3A_11 = arith.constant 10 : i32
    %barrier3A_12 = arith.constant 0 : index
    tpu.barrier barrier_id(%barrier3A_12)
    %mul3A_13 = arith.constant 632 : i32
    %mul3A_14 = arith.muli %arg1, %mul3A_13 : i32
    %mul3A_15 = arith.constant 632 : i32
    %mul3A_16 = arith.muli %arg1, %mul3A_15 : i32
    "tpu.region"() ({
      %run_scoped3A = tpu.sem_alloc : memref<!tpu.dma_semaphore, #tpu.memory_space<semaphore_mem>>
      %dma_start3A = arith.constant 0 : i32
      %dma_start3A_17 = tpu.memref_slice %arg5[%arg0, %mul3A_16, %dma_start3A] : memref<2x10112x16xf32, #tpu.memory_space<hbm>> -> memref<1x632x16xf32, #tpu.memory_space<hbm>>
      %dma_start3A_18 = tpu.memref_squeeze %dma_start3A_17 : memref<1x632x16xf32, #tpu.memory_space<hbm>> -> memref<632x16xf32, #tpu.memory_space<hbm>>
      %dma_start3A_19 = arith.constant 0 : i32
      %dma_start3A_20 = tpu.memref_slice %arg9[%mul3A_14, %dma_start3A_19] : memref<10112x16xf32, #tpu.memory_space<vmem_shared>> -> memref<632x16xf32, #tpu.memory_space<vmem_shared>>
      tpu.enqueue_dma source(%dma_start3A_20 : memref<632x16xf32, #tpu.memory_space<vmem_shared>>) target(%dma_start3A_18 : memref<632x16xf32, #tpu.memory_space<hbm>>) target_semaphore(%run_scoped3A : memref<!tpu.dma_semaphore, #tpu.memory_space<semaphore_mem>>)
      %dma_wait3A = arith.constant 0 : i32
      %dma_wait3A_21 = tpu.memref_slice %arg5[%arg0, %mul3A_16, %dma_wait3A] : memref<2x10112x16xf32, #tpu.memory_space<hbm>> -> memref<1x632x16xf32, #tpu.memory_space<hbm>>
      %dma_wait3A_22 = tpu.memref_squeeze %dma_wait3A_21 : memref<1x632x16xf32, #tpu.memory_space<hbm>> -> memref<632x16xf32, #tpu.memory_space<hbm>>
      %dma_wait3A_23 = arith.constant 0 : i32
      %dma_wait3A_24 = tpu.memref_slice %arg9[%mul3A_14, %dma_wait3A_23] : memref<10112x16xf32, #tpu.memory_space<vmem_shared>> -> memref<632x16xf32, #tpu.memory_space<vmem_shared>>
      tpu.wait_dma2 semaphore(%run_scoped3A : memref<!tpu.dma_semaphore, #tpu.memory_space<semaphore_mem>>) src(%dma_wait3A_24 : memref<632x16xf32, #tpu.memory_space<vmem_shared>>) dst(%dma_wait3A_22 : memref<632x16xf32, #tpu.memory_space<hbm>>)
      tpu.yield
    }) : () -> ()
    return
  }
}

module attributes {stable_mosaic.version = 14 : i64} {
  func.func @_tc_transform_body(%arg0: i32, %arg1: i32, %arg2: memref<1000x128xf32, #tpu.memory_space<vmem>>, %arg3: memref<1x128x64xf32, #tpu.memory_space<vmem>>, %arg4: memref<1000x16xf32, #tpu.memory_space<vmem>>, %arg5: memref<1000x16xf32, #tpu.memory_space<vmem>>, %arg6: memref<1x1000x64xf32, #tpu.memory_space<vmem>>, %arg7: memref<1000x16xf32, #tpu.memory_space<vmem>>) attributes {dimension_semantics = [#tpu.dimension_semantics<arbitrary>, #tpu.dimension_semantics<arbitrary>], iteration_bounds = array<i64: 2, 10>, scalar_prefetch = 0 : i64, scratch_operands = 0 : i64, tpu.core_type = #tpu.core_type<tc>, window_params = [{transform_indices = @transform_0, window_bounds = array<i64: 1000, 128>}, {transform_indices = @transform_1, window_bounds = array<i64: 1, 128, 64>}, {transform_indices = @transform_2, window_bounds = array<i64: 1000, 16>}, {transform_indices = @transform_3, window_bounds = array<i64: 1000, 16>}, {transform_indices = @transform_4, window_bounds = array<i64: 1, 1000, 64>}, {transform_indices = @transform_5, window_bounds = array<i64: 1000, 16>}]} {
    %get3A = arith.constant 0 : index
    %get3A_0 = arith.constant 0 : index
    %get3A_1 = vector.load %arg4[%get3A, %get3A_0] : memref<1000x16xf32, #tpu.memory_space<vmem>>, vector<1000x16xf32>
    %add3A = arith.constant 1.000000e+00 : f32
    %add3A_2 = vector.broadcast %add3A : f32 to vector<1000x16xf32>
    %add3A_3 = arith.addf %add3A_2, %get3A_1 : vector<1000x16xf32>
    %get3A_4 = arith.constant 0 : index
    %get3A_5 = arith.constant 0 : index
    %get3A_6 = vector.load %arg5[%get3A_4, %get3A_5] : memref<1000x16xf32, #tpu.memory_space<vmem>>, vector<1000x16xf32>
    %add3A_7 = arith.addf %add3A_3, %get3A_6 : vector<1000x16xf32>
    %rsqrt3A = math.rsqrt %add3A_7 : vector<1000x16xf32>
    %get3A_8 = arith.constant 0 : index
    %get3A_9 = arith.constant 0 : index
    %get3A_10 = vector.load %arg2[%get3A_8, %get3A_9] : memref<1000x128xf32, #tpu.memory_space<vmem>>, vector<1000x128xf32>
    %get3A_11 = arith.constant 0 : index
    %get3A_12 = arith.constant 0 : index
    %get3A_13 = arith.constant 0 : index
    %get3A_14 = vector.load %arg3[%get3A_11, %get3A_12, %get3A_13] : memref<1x128x64xf32, #tpu.memory_space<vmem>>, vector<1x128x64xf32>
    %get3A_15 = vector.shape_cast %get3A_14 : vector<1x128x64xf32> to vector<128x64xf32>
    %dot_general3A = arith.constant dense<0.000000e+00> : vector<1000x64xf32>
    %dot_general3A_16 = tpu.matmul %get3A_10, %get3A_15, %dot_general3A {dimension_numbers = #tpu.dot_dimension_numbers<[1], [0], [0], [1], [0, 0, 1, 1], [], []>, transpose_lhs_hint = false} : vector<1000x128xf32>, vector<128x64xf32>, vector<1000x64xf32> -> vector<1000x64xf32>
    %slice3A = vector.extract_strided_slice %rsqrt3A {offsets = [0, 0], sizes = [1000, 1], strides = [1, 1]} : vector<1000x16xf32> to vector<1000x1xf32>
    %mul3A = vector.broadcast %slice3A : vector<1000x1xf32> to vector<1000x64xf32>
    %mul3A_17 = arith.mulf %dot_general3A_16, %mul3A : vector<1000x64xf32>
    %swap3A = arith.constant 0 : index
    %swap3A_18 = arith.constant 0 : index
    %swap3A_19 = arith.constant 0 : index
    %swap3A_20 = vector.load %arg6[%swap3A, %swap3A_18, %swap3A_19] : memref<1x1000x64xf32, #tpu.memory_space<vmem>>, vector<1x1000x64xf32>
    %swap3A_21 = vector.shape_cast %swap3A_20 : vector<1x1000x64xf32> to vector<1000x64xf32>
    %swap3A_22 = vector.shape_cast %mul3A_17 : vector<1000x64xf32> to vector<1x1000x64xf32>
    tpu.vector_store %arg6[%swap3A, %swap3A_18, %swap3A_19], %swap3A_22 {strides = array<i32>} : memref<1x1000x64xf32, #tpu.memory_space<vmem>>, vector<1x1000x64xf32>,
    %swap3A_23 = arith.constant 0 : index
    %swap3A_24 = arith.constant 0 : index
    %swap3A_25 = vector.load %arg7[%swap3A_23, %swap3A_24] : memref<1000x16xf32, #tpu.memory_space<vmem>>, vector<1000x16xf32>
    tpu.vector_store %arg7[%swap3A_23, %swap3A_24], %rsqrt3A {strides = array<i32>} : memref<1000x16xf32, #tpu.memory_space<vmem>>, vector<1000x16xf32>,
    return
  }
  func.func @transform_0(%arg0: i32, %arg1: i32) -> (i32, i32) {
    %c0_i32 = arith.constant 0 : i32
    %c0_i32_0 = arith.constant 0 : i32
    return %arg1, %c0_i32 : i32, i32
  }
  func.func @transform_1(%arg0: i32, %arg1: i32) -> (i32, i32, i32) {
    %c0_i32 = arith.constant 0 : i32
    %c0_i32_0 = arith.constant 0 : i32
    %c0_i32_1 = arith.constant 0 : i32
    return %arg0, %c0_i32, %c0_i32_0 : i32, i32, i32
  }
  func.func @transform_2(%arg0: i32, %arg1: i32) -> (i32, i32) {
    %c0_i32 = arith.constant 0 : i32
    %c0_i32_0 = arith.constant 0 : i32
    return %arg1, %c0_i32 : i32, i32
  }
  func.func @transform_3(%arg0: i32, %arg1: i32) -> (i32, i32) {
    %c0_i32 = arith.constant 0 : i32
    %c0_i32_0 = arith.constant 0 : i32
    return %arg1, %c0_i32 : i32, i32
  }
  func.func @transform_4(%arg0: i32, %arg1: i32) -> (i32, i32, i32) {
    %c0_i32 = arith.constant 0 : i32
    %c0_i32_0 = arith.constant 0 : i32
    return %arg0, %arg1, %c0_i32 : i32, i32, i32
  }
  func.func @transform_5(%arg0: i32, %arg1: i32) -> (i32, i32) {
    %c0_i32 = arith.constant 0 : i32
    %c0_i32_0 = arith.constant 0 : i32
    return %arg1, %c0_i32 : i32, i32
  }
}

module attributes {stable_mosaic.version = 14 : i64} {
  func.func @_tc_final_body(%arg0: i32, %arg1: memref<1x1000x64xf32, #tpu.memory_space<vmem>>, %arg2: memref<1x1000x64xf32, #tpu.memory_space<vmem>>, %arg3: memref<1x1000x64xf32, #tpu.memory_space<vmem>>, %arg4: memref<1x1000x64xf32, #tpu.memory_space<vmem>>, %arg5: memref<1000x16xf32, #tpu.memory_space<vmem>>, %arg6: memref<1x128xf32, #tpu.memory_space<vmem>>, %arg7: memref<1000x128xf32, #tpu.memory_space<vmem>>) attributes {dimension_semantics = [#tpu.dimension_semantics<arbitrary>], iteration_bounds = array<i64: 10>, scalar_prefetch = 0 : i64, scratch_operands = 0 : i64, tpu.core_type = #tpu.core_type<tc>, window_params = [{transform_indices = @transform_0, window_bounds = array<i64: 1, 1000, 64>}, {transform_indices = @transform_1, window_bounds = array<i64: 1, 1000, 64>}, {transform_indices = @transform_2, window_bounds = array<i64: 1, 1000, 64>}, {transform_indices = @transform_3, window_bounds = array<i64: 1, 1000, 64>}, {transform_indices = @transform_4, window_bounds = array<i64: 1000, 16>}, {pipeline_mode = #tpu.pipeline_mode<synchronous>, transform_indices = @transform_5, window_bounds = array<i64: 1, 128>}, {transform_indices = @transform_6, window_bounds = array<i64: 1000, 128>}]} {
    %get3A = arith.constant 0 : index
    %get3A_0 = arith.constant 0 : index
    %get3A_1 = vector.load %arg5[%get3A, %get3A_0] : memref<1000x16xf32, #tpu.memory_space<vmem>>, vector<1000x1xf32>
    %get3A_2 = arith.constant 0 : index
    %get3A_3 = arith.constant 0 : index
    %get3A_4 = arith.constant 0 : index
    %get3A_5 = vector.load %arg1[%get3A_2, %get3A_3, %get3A_4] : memref<1x1000x64xf32, #tpu.memory_space<vmem>>, vector<1x1000x64xf32>
    %get3A_6 = vector.shape_cast %get3A_5 : vector<1x1000x64xf32> to vector<1000x64xf32>
    %get3A_7 = arith.constant 0 : index
    %get3A_8 = arith.constant 0 : index
    %get3A_9 = arith.constant 0 : index
    %get3A_10 = vector.load %arg3[%get3A_7, %get3A_8, %get3A_9] : memref<1x1000x64xf32, #tpu.memory_space<vmem>>, vector<1x1000x64xf32>
    %get3A_11 = vector.shape_cast %get3A_10 : vector<1x1000x64xf32> to vector<1000x64xf32>
    %add3A = arith.addf %get3A_6, %get3A_11 : vector<1000x64xf32>
    %mul3A = vector.broadcast %get3A_1 : vector<1000x1xf32> to vector<1000x64xf32>
    %mul3A_12 = arith.mulf %mul3A, %add3A : vector<1000x64xf32>
    %get3A_13 = arith.constant 0 : index
    %get3A_14 = arith.constant 0 : index
    %get3A_15 = arith.constant 0 : index
    %get3A_16 = vector.load %arg2[%get3A_13, %get3A_14, %get3A_15] : memref<1x1000x64xf32, #tpu.memory_space<vmem>>, vector<1x1000x64xf32>
    %get3A_17 = vector.shape_cast %get3A_16 : vector<1x1000x64xf32> to vector<1000x64xf32>
    %get3A_18 = arith.constant 0 : index
    %get3A_19 = arith.constant 0 : index
    %get3A_20 = arith.constant 0 : index
    %get3A_21 = vector.load %arg4[%get3A_18, %get3A_19, %get3A_20] : memref<1x1000x64xf32, #tpu.memory_space<vmem>>, vector<1x1000x64xf32>
    %get3A_22 = vector.shape_cast %get3A_21 : vector<1x1000x64xf32> to vector<1000x64xf32>
    %add3A_23 = arith.addf %get3A_17, %get3A_22 : vector<1000x64xf32>
    %mul3A_24 = vector.broadcast %get3A_1 : vector<1000x1xf32> to vector<1000x64xf32>
    %mul3A_25 = arith.mulf %mul3A_24, %add3A_23 : vector<1000x64xf32>
    %concatenate3A = tpu.concatenate %mul3A_12, %mul3A_25 in 1 : vector<1000x64xf32>, vector<1000x64xf32> -> vector<1000x128xf32>
    %get3A_26 = arith.constant 0 : index
    %get3A_27 = arith.constant 0 : index
    %get3A_28 = vector.load %arg6[%get3A_26, %get3A_27] : memref<1x128xf32, #tpu.memory_space<vmem>>, vector<1x128xf32>
    %add3A_29 = vector.broadcast %get3A_28 : vector<1x128xf32> to vector<1000x128xf32>
    %add3A_30 = arith.addf %concatenate3A, %add3A_29 : vector<1000x128xf32>
    %swap3A = arith.constant 0 : index
    %swap3A_31 = arith.constant 0 : index
    %swap3A_32 = vector.load %arg7[%swap3A, %swap3A_31] : memref<1000x128xf32, #tpu.memory_space<vmem>>, vector<1000x128xf32>
    tpu.vector_store %arg7[%swap3A, %swap3A_31], %add3A_30 {strides = array<i32>} : memref<1000x128xf32, #tpu.memory_space<vmem>>, vector<1000x128xf32>,
    return
  }
  func.func @transform_0(%arg0: i32) -> (i32, i32, i32) {
    %c0_i32 = arith.constant 0 : i32
    %c0_i32_0 = arith.constant 0 : i32
    %c0_i32_1 = arith.constant 0 : i32
    return %c0_i32, %arg0, %c0_i32_0 : i32, i32, i32
  }
  func.func @transform_1(%arg0: i32) -> (i32, i32, i32) {
    %c1_i32 = arith.constant 1 : i32
    %c0_i32 = arith.constant 0 : i32
    %c0_i32_0 = arith.constant 0 : i32
    return %c1_i32, %arg0, %c0_i32 : i32, i32, i32
  }
  func.func @transform_2(%arg0: i32) -> (i32, i32, i32) {
    %c0_i32 = arith.constant 0 : i32
    %c0_i32_0 = arith.constant 0 : i32
    %c0_i32_1 = arith.constant 0 : i32
    return %c0_i32, %arg0, %c0_i32_0 : i32, i32, i32
  }
  func.func @transform_3(%arg0: i32) -> (i32, i32, i32) {
    %c1_i32 = arith.constant 1 : i32
    %c0_i32 = arith.constant 0 : i32
    %c0_i32_0 = arith.constant 0 : i32
    return %c1_i32, %arg0, %c0_i32 : i32, i32, i32
  }
  func.func @transform_4(%arg0: i32) -> (i32, i32) {
    %c0_i32 = arith.constant 0 : i32
    %c0_i32_0 = arith.constant 0 : i32
    return %arg0, %c0_i32 : i32, i32
  }
  func.func @transform_5(%arg0: i32) -> (i32, i32) {
    %c0_i32 = arith.constant 0 : i32
    %c0_i32_0 = arith.constant 0 : i32
    %c0_i32_1 = arith.constant 0 : i32
    return %c0_i32, %c0_i32_0 : i32, i32
  }
  func.func @transform_6(%arg0: i32) -> (i32, i32) {
    %c0_i32 = arith.constant 0 : i32
    %c0_i32_0 = arith.constant 0 : i32
    return %arg0, %c0_i32 : i32, i32
  }
}

</mosaic_0001>

<sc_bundles>
// kernel: kernel.6.cloned.1.call-start
scs
__scs_entry_jumppad:
0x0: {  	(pc) =	sbr.rel $0x88, $3  }
0x1: {  	(tag) =	ssettag $0x0;
	lr =	simm.s32 $0x1  }
0x2: {  	[smem:$0x3F9D] =	sst lr;
	_ =	strace $0xD0000000  }
0x3: {  	_ = 	snop  }
0x4: {  	_ = 	snop  }
0x5: {  	_ = 	snop  }
0x6: {  	_ = 	snop  }
0x7: {  	_ = 	snop  }
__scs_overlays_trampoline_lowered:
0x8: {  	[smem:$0x3FAC] =	sst s0  }
0x9: {  	[smem:$0x3FAD] =	sst s1  }
0xa: {  	[smem:$0x3FAE] =	sst s2  }
0xb: {  	[smem:$0x3FAF] =	sst s3  }
0xc: {  	[smem:$0x3FB0] =	sst s4  }
0xd: {  	[smem:$0x3FB1] =	sst s5  }
0xe: {  	[smem:$0x3FB2] =	sst s6  }
0xf: {  	[smem:$0x3FB3] =	sst s7  }
0x10: {  	[smem:$0x3FB4] =	sst s8  }
0x11: {  	[smem:$0x3FB5] =	sst s9;
	s0 =	simm.s32 @!p0 $0x0  }
0x12: {  	s1 =	sld [smem:$0x3F9B];
	s0 =	simm.s32 @p0 $0x1  }
0x13: {  	[smem:$0x3FB6] =	sst s0;
	s0 =	simm.s32 @!p1 $0x0  }
0x14: {  	s2 =	sld [smem:$0x3F9A];
	s0 =	simm.s32 @p1 $0x1  }
0x15: {  	[smem:$0x3FB7] =	sst s0;
	s0 =	simm.s32 @!p2 $0x0  }
0x16: {  	s3 =	sld [smem:$0x3FDB];
	s0 =	simm.s32 @p2 $0x1  }
0x17: {  	s4 =	simm.s32 $0x1BF5;
	[smem:$0x3FB9] =	sst s0  }
0x18: {  	s0 =	sld [smem:$0x3F9C];
	_ =	swait.ge [sflag:s4], $0x0  }
0x19: {  	s7 =	sld [smem:$0x3F9D]  }
0x1a: {  	s8 =	sadd.s32 $0xFFFFE003, lr  }
0x1b: {  	s9 =	sadd.s32 $0xFFFFFEF7, lr;
	s5 =	simm.s32 $0xFFFFFFFF;
	p2 =	slt.u32 s8, $0xFFFFF086  }
0x1c: {  	p1 =	slt.u32 s9, $0xF7A;
	s5 =	simm.s32 @!p2 $0x0  }
0x1d: {  	s5 =	simm.s32 @p1 $0x1;
	p0 =	seq.s32 s7, s2  }
0x1e: {  	s7 =	smul.u32 @!p0 $0xF7A, s2;
	p2 =	seq.s32 @!p0 s5, $0x0  }
0x1f: {  	s9 =	smul.u32 $0xF7A, s1;
	s8 =	simm.s32 @!p0 $0x1BF5;
	p2 =	por !p2, p0  }
0x20: {  	[sflag:s8] =	ssyncset.s32 @!p0 $0xFFFFF086;
	s6 =	sadd.s32 @!p0 s3, s7;
	s7 =	simm.s32 @!p0 $0x108  }
0x21: {  	s3 =	sadd.s32 s3, s9;
	s6 =	sadd.s32 @!p0 $0x88, s6;
	s7 =	simm.s32 @p2 $0x1082  }
0x22: {  	[simem:s7], [sflag:s8] =	dma.local @!p0 [hbm:s6], $0xF7A  }
0x23: {  	s9 =	sor.u32 $0xD0000000, s2;
	s6 =	simm.s32 $0x108;
	_ =	swait.ge @!p0 [sflag:s8], $0x0  }
0x24: {  	s3 =	sadd.s32 $0x88, s3;
	s6 =	simm.s32 @!p1 $0x1082;
	[sflag:s4] =	ssyncset.s32 $0xFFFFF086  }
0x25: {  	[simem:s6], [sflag:s4] =	dma.local [hbm:s3], $0xF7A  }
0x26: {  	[smem:$0x3F9D] =	sst s1;
	(tag) =	ssettag s2;
	_ =	strace s9  }
0x27: {  	s1 =	sld [smem:$0x3FAD]  }
0x28: {  	s2 =	sld [smem:$0x3FAE]  }
0x29: {  	s4 =	sld [smem:$0x3FB0]  }
0x2a: {  	p0 =	seq.s32 s5, $0x0;
	s5 =	sld [smem:$0x3FB1]  }
0x2b: {  	s6 =	sld [smem:$0x3FB2]  }
0x2c: {  	s7 =	sld [smem:$0x3FB3]  }
0x2d: {  	s3 =	simm.s32 $0x108;
	s8 =	sld [smem:$0x3FB4]  }
0x2e: {  	s3 =	simm.s32 @!p0 $0x1082;
	s9 =	sld [smem:$0x3FB5]  }
0x2f: {  	lr =	sadd.s32 s0, s3;
	s0 =	sld [smem:$0x3FAC]  }
0x30: {  	s3 =	sld [smem:$0x3FAF]  }
0x31: {  	[smem:$0x3FB8] =	sst s10  }
0x32: {  	s10 =	sld [smem:$0x3FB6];
	_ =	sdelay $0x3  }
0x33: {  	p0 =	seq.s32 s10, $0x1;
	s10 =	sld [smem:$0x3FB8];
	_ =	sdelay $0x3  }
0x34: {  	[smem:$0x3FB8] =	sst s10  }
0x35: {  	s10 =	sld [smem:$0x3FB7];
	_ =	sdelay $0x3  }
0x36: {  	p1 =	seq.s32 s10, $0x1;
	s10 =	sld [smem:$0x3FB8];
	_ =	sdelay $0x3  }
0x37: {  	[smem:$0x3FB8] =	sst s10  }
0x38: {  	s10 =	sld [smem:$0x3FB9]  }
0x39: {  	_ = 	snop;
	(pc) =	sbr.ind lr, $3  }
0x3a: {  	_ = 	snop  }
0x3b: {  	_ = 	snop  }
0x3c: {  	p2 =	seq.s32 s10, $0x1;
	s10 =	sld [smem:$0x3FB8]  }
0x3d: {  	_ =	shalt  }
0x3e: {  	_ =	shalt  }
0x3f: {  	_ =	shalt  }
0x40: {  	_ =	shalt  }
0x41: {  	_ =	shalt  }
0x42: {  	_ =	shalt  }
0x43: {  	_ =	shalt  }
0x44: {  	_ =	shalt  }
0x45: {  	_ =	shalt  }
0x46: {  	_ =	shalt  }
0x47: {  	_ =	shalt  }
0x48: {  	_ =	shalt  }
0x49: {  	_ =	shalt  }
0x4a: {  	_ =	shalt  }
0x4b: {  	_ =	shalt  }
0x4c: {  	_ =	shalt  }
0x4d: {  	_ =	shalt  }
0x4e: {  	_ =	shalt  }
0x4f: {  	_ =	shalt  }
0x50: {  	_ =	shalt  }
0x51: {  	_ =	shalt  }
0x52: {  	_ =	shalt  }
0x53: {  	_ =	shalt  }
0x54: {  	_ =	shalt  }
0x55: {  	_ =	shalt  }
0x56: {  	_ =	shalt  }
0x57: {  	_ =	shalt  }
0x58: {  	_ =	shalt  }
0x59: {  	_ =	shalt  }
0x5a: {  	_ =	shalt  }
0x5b: {  	_ =	shalt  }
0x5c: {  	_ =	shalt  }
0x5d: {  	_ =	shalt  }
0x5e: {  	_ =	shalt  }
0x5f: {  	_ =	shalt  }
0x60: {  	_ =	shalt  }
0x61: {  	_ =	shalt  }
0x62: {  	_ =	shalt  }
0x63: {  	_ =	shalt  }
0x64: {  	_ =	shalt  }
0x65: {  	_ =	shalt  }
0x66: {  	_ =	shalt  }
0x67: {  	_ =	shalt  }
0x68: {  	_ =	shalt  }
0x69: {  	_ =	shalt  }
0x6a: {  	_ =	shalt  }
0x6b: {  	_ =	shalt  }
0x6c: {  	_ =	shalt  }
0x6d: {  	_ =	shalt  }
0x6e: {  	_ =	shalt  }
0x6f: {  	_ =	shalt  }
0x70: {  	_ =	shalt  }
0x71: {  	_ =	shalt  }
0x72: {  	_ =	shalt  }
0x73: {  	_ =	shalt  }
0x74: {  	_ =	shalt  }
0x75: {  	_ =	shalt  }
0x76: {  	_ =	shalt  }
0x77: {  	_ =	shalt  }
0x78: {  	_ =	shalt  }
0x79: {  	_ =	shalt  }
0x7a: {  	_ =	shalt  }
0x7b: {  	_ =	shalt  }
0x7c: {  	_ =	shalt  }
0x7d: {  	_ =	shalt  }
0x7e: {  	_ =	shalt  }
0x7f: {  	_ =	shalt  }
0x80: {  	_ =	shalt  }
0x81: {  	_ =	shalt  }
0x82: {  	_ =	shalt  }
0x83: {  	_ =	shalt  }
0x84: {  	_ =	shalt  }
0x85: {  	_ =	shalt  }
0x86: {  	_ =	shalt  }
0x87: {  	_ =	shalt  }
.Lfunc_end0:
.L_simem_size_0:
called_computation_lowered:
.L_overlay_start_0:
0x88: {  	s2 =	sld [smem:$0x3FD9]  }
0x89: {  	s3 =	sld [smem:$0x3FFE];
	_ =	sdelay $0x1  }
0x8a: {  	s1 =	srdreg.scid  }
0x8b: {  	s0 =	sand.u32 $0x1, s1  }
0x8c: {  	s17 =	sshll.u32 s0, $0xA;
	s2 =	sadd.s32 s3, s2  }
0x8d: {  	s2 =	sadd.s32 s2, s17  }
0x8e: {  	[smem:$0x3FC4] =	sst s2  }
0x8f: {  	_ = 	snop  }
0x90: {  	s2 =	sld [smem:$0x3FD0];
	(tm) =	ssettm $0x1  }
0x91: {  	s18 =	sld [smem:$0x3FFB];
	_ =	sdelay $0x3  }
0x92: {  	_ =	strace s18  }
0x93: {  	s3 =	sld [smem:$0x3FFC];
	_ =	sdelay $0x3  }
0x94: {  	_ =	strace s3  }
0x95: {  	s3 =	sld [smem:$0x3FFD];
	_ =	sdelay $0x3  }
0x96: {  	_ =	strace s3  }
0x97: {  	_ =	strace $0x8FFFFFFF  }
0x98: {  	s19 =	sld [smem:$0x3FDB];
	_ =	sdelay $0x1  }
0x99: {  	s4 =	simm.s32 $_scs_section_size  }
0x9a: {  	s5 =	simm.s32 $_size__tile_overlayer_lowered;
	s6 =	simm.s32 $_tile_overlayer_lowered  }
0x9b: {  	s22 =	simm.s32 $0x1BFF;
	s21 =	sshll.u32 s6, $0x1;
	s3 =	sadd.s32 s4, s19  }
0x9c: {  	s7 =	simm.s32 $0x0;
	s20 =	sshll.u32 s5, $0x1;
	s5 =	sadd.s32 s21, s3  }
0x9d: {  	[timem:s7], [sflag:s22] =	dma.local [hbm:s5], s20  }
0x9e: {  	_ =	swait.ge [sflag:s22], s20  }
0x9f: {  	s4 =	ssub.s32 $0x0, s20;
	[sflag:s22] =	ssyncset.done $0x0  }
0xa0: {  	[sflag:s22] =	ssyncadd.s32 s4;
	_ =	sdelay $0x1  }
0xa1: {  	s23 =	simm.s32 $0x1B8B  }
0xa2: {  	_ =	swait.ge [sflag:s23], $0x1  }
0xa3: {  	[sflag:s23] =	ssyncset.done $0x0  }
0xa4: {  	s25 =	simm.s32 $0x1B8E;
	s24 =	sld [smem:$0x3FFE];
	[sflag:s23] =	ssyncadd.s32 $0xFFFFFFFF  }
0xa5: {  	s26 =	simm.s32 $execute0_lowered;
	[smem:$0x3FD2] =	sst s25  }
0xa6: {  	s5 =	sshll.u32 s26, $0x1;
	_ =	strace $0x80000046;
	[dreg:$0x1] =	wrdreg $0xFFFFFFFF  }
0xa7: {  	s28 =	simm.s32 $_size_execute0_lowered;
	s3 =	sadd.s32 s3, s5;
	[dreg:$0x0] =	wrdreg $0x0  }
0xa8: {  	s5 =	sshll.u32 s28, $0x1;
	[dreg:$0x2] =	wrdreg s3  }
0xa9: {  	[dreg:$0x3] =	wrdreg s5  }
0xaa: {  	[dreg:$0x4] =	wrdreg $0xC0  }
0xab: {  	_ =	task [dreg:s7], $0x5FFFF  }
0xac: {  	[dreg:$0x1] =	wrdreg $0xFFFFFFFF  }
0xad: {  	[dreg:$0x0] =	wrdreg $0x60  }
0xae: {  	[dreg:$0x2] =	wrdreg s24  }
0xaf: {  	[dreg:$0x3] =	wrdreg s2  }
0xb0: {  	[dreg:$0x4] =	wrdreg $0x30000  }
0xb1: {  	[dreg:$0x5] =	wrdreg $0x9  }
0xb2: {  	_ =	task.clear_ibuf [dreg:s7], $0x6FFFF;
	_ =	strace $0x90000046  }
0xb3: {  	s29 =	simm.s32 $0x9;
	_ =	strace $0x80000048  }
0xb4: {  	_ =	swait.ge [sflag:s29], $0x1  }
0xb5: {  	[sflag:s29] =	ssyncadd.s32 $0xFFFFFFFF  }
0xb6: {  	_ =	strace $0x90000048  }
0xb7: {  	_ =	sfence  }
0xb8: {  	s30 =	sld [smem:$0x0];
	_ =	sdelay $0x2  }
0xb9: {  	s31 =	sshll.u32 s1, $0xD;
	s1 =	sshrl.u32 s1, $0x2  }
0xba: {  	s3 =	sand.u32 $0x4000, s31;
	s1 =	sadd.s32 s1, s30  }
0xbb: {  	s0 =	sor.u32 s3, s0;
	s1 =	sshll.u32 s1, $0x11  }
0xbc: {  	s0 =	sor.u32 s1, s0  }
0xbd: {  	s0 =	sadd.s32 $0x8F2B, s0  }
0xbe: {  	[sflag:s0] =	ssyncadd.remote.s32 $0x1  }
0xbf: {  	_ =	sfence.sel $0xFFFF  }
0xc0: {  	[dreg:$0x0] =	wrdreg $0xFFFFFFFF;
	(pc) =	sbr.abs _section_cstart, $3  }
0xc1: {  	[dreg:$0x1] =	wrdreg $0xFFFFFFFF  }
0xc2: {  	_ =	task.clear_ibuf [dreg:s7], $0x2FFFF;
	_ =	strace $0x9FFFFFFF  }
0xc3: {  	(tm) =	ssettm $0x7FFFFFFF  }
tec
execute0_lowered:
.L_overlay_start_1:
0x0: {  	(tag) =	ssettag $0x1  }
0x1: {  	s5 =	rddreg [dreg:$0x0];
	s1 =	srdreg.scid  }
0x2: {  	s0 =	stileid.u32;
	s8 =	rddreg [dreg:$0x1]  }
0x3: {  	s2 =	rddreg [dreg:$0x2];
	s3 =	simm.s32 $0x0;
	s13 =	simm.s32 $0x80  }
0x4: {  	s14 =	simm.s32 $0x1;
	s4 =	sand.u32 $0x1, s1;
	s1 =	rddreg [dreg:$0x3]  }
0x5: {  	s15 =	simm.s32 $0x0;
	s26 =	sshll.u32 s0, $0x1;
	[smem:$0x7FF] =	sst s3  }
0x6: {  	s7 =	smul.u32 $0x2780, s0;
	s31 =	sshll.u32 s0, $0x6;
	s6 =	sor.u32 s4, s26  }
0x7: {  	_ =	strace $0x80000047;
	s28 =	ssub.s32 $0x2, s4;
	s12 =	smul.u32 $0x27800, s4  }
0x8: {  	s4 =	sadd.s32 $0x10200, s5;
	s6 =	smul.u32 $0x500, s6;
	s11 =	sshrl.u32 s28, $0x1  }
0x9: {  	s10 =	sshrl.u32 s7, $0x3;
	s30 =	sadd.s32 s7, s2;
	s29 =	ssub.s32 s28, s11  }
0xa: {  	s7 =	sadd.s32 s7, s12;
	s11 =	simm.s32 $0x2;
	s9 =	sadd.s32 s6, s5  }
0xb: {  	s5 =	sadd.s32 s10, s5;
	s6 =	sor.u32 $0x1C02, s31;
	s12 =	sshrl.u32 s7, $0x3  }
0xc: {  	s10 =	sshrl.u32 s30, $0x3;
	s5 =	sadd.s32 $0xB200, s5;
	s7 =	sadd.s32 $0x1200, s9  }
0xd: {  	s8 =	sadd.s32 s8, s12;
	s9 =	smax.u32 s29, $0x1;
	s12 =	simm.s32 $0x2800  }
.LBB2_1:
0xe: {  	[spmem:s10], [sflag:s6] =	dma.local [hbm:s5], $0x4F0  }
0xf: {  	_ =	swait.ge [sflag:s11], $0x4F0  }
0x10: {  	[sflag:s11] =	ssyncset.done $0x0  }
0x11: {  	[sflag:s11] =	ssyncadd.s32 $0xFFFFFB10  }
0x12: {  	[tilespmem:s3], [sflag:$0x2] =	stream.linear.gather [hbm4b:s7+s3], $0x2800, $0x38;
	[tilespmem:$0x5780] =	vst v63  }
0x13: {  	_ =	swait.ge [sflag:s11], $0x2800  }
0x14: {  	[sflag:s11] =	ssyncset.done $0x0  }
0x15: {  	[sflag:s11] =	ssyncadd.s32 $0xFFFFD800  }
0x16: {  	[tilespmem:s12], [sflag:$0x2] =	stream.linear.gather [hbm4b:s4+s3], $0x800, $0x38;
	[tilespmem:$0x5780] =	vst v63  }
0x17: {  	_ =	swait.ge [sflag:s11], $0x800  }
0x18: {  	[sflag:s11] =	ssyncset.done $0x0  }
0x19: {  	[sflag:s11] =	ssyncadd.s32 $0xFFFFF800  }
0x1a: {  	s16 =	simm.s32 $0x0;
	[bflag:$0x0] =	sbarrier.arrive $0xFFFF  }
0x1b: {  	[spmem:s2] =	stream.indirect.scatter.add.f32 [tilespmem:s12], [sflag:$0x1], $0x10, s16, s13, $0xb8;
	[tilespmem:$0x5780] =	vst v63  }
0x1c: {  	s24 =	simm.s32 $0x80  }
0x1d: {  	[spmem:s2] =	stream.indirect.scatter.add.f32 [tilespmem:s12], [sflag:$0x1], $0x10, s24, s13, $0xb8;
	[tilespmem:$0x5780] =	vst v63  }
0x1e: {  	s25 =	simm.s32 $0x100  }
0x1f: {  	[spmem:s2] =	stream.indirect.scatter.add.f32 [tilespmem:s12], [sflag:$0x1], $0x10, s25, s13, $0xb8;
	[tilespmem:$0x5780] =	vst v63  }
0x20: {  	s26 =	simm.s32 $0x180  }
0x21: {  	[spmem:s2] =	stream.indirect.scatter.add.f32 [tilespmem:s12], [sflag:$0x1], $0x10, s26, s13, $0xb8;
	[tilespmem:$0x5780] =	vst v63  }
0x22: {  	s28 =	simm.s32 $0x200  }
0x23: {  	[spmem:s2] =	stream.indirect.scatter.add.f32 [tilespmem:s12], [sflag:$0x1], $0x10, s28, s13, $0xb8;
	[tilespmem:$0x5780] =	vst v63  }
0x24: {  	s29 =	simm.s32 $0x280  }
0x25: {  	[spmem:s2] =	stream.indirect.scatter.add.f32 [tilespmem:s12], [sflag:$0x1], $0x10, s29, s13, $0xb8;
	[tilespmem:$0x5780] =	vst v63  }
0x26: {  	s30 =	simm.s32 $0x300  }
0x27: {  	[spmem:s2] =	stream.indirect.scatter.add.f32 [tilespmem:s12], [sflag:$0x1], $0x10, s30, s13, $0xb8;
	[tilespmem:$0x5780] =	vst v63  }
0x28: {  	s31 =	simm.s32 $0x380  }
0x29: {  	[spmem:s2] =	stream.indirect.scatter.add.f32 [tilespmem:s12], [sflag:$0x1], $0x10, s31, s13, $0xb8;
	[tilespmem:$0x5780] =	vst v63  }
0x2a: {  	_ =	swait.ge [sflag:s14], $0x800  }
0x2b: {  	[sflag:s14] =	ssyncset.done $0x0  }
0x2c: {  	[sflag:s14] =	ssyncadd.s32 $0xFFFFF800  }
0x2d: {  	_ =	swait.ge [sflag:s14], $0x800  }
0x2e: {  	[sflag:s14] =	ssyncset.done $0x0  }
0x2f: {  	[sflag:s14] =	ssyncadd.s32 $0xFFFFF800  }
0x30: {  	_ =	swait.ge [sflag:s14], $0x800  }
0x31: {  	[sflag:s14] =	ssyncset.done $0x0  }
0x32: {  	[sflag:s14] =	ssyncadd.s32 $0xFFFFF800  }
0x33: {  	_ =	swait.ge [sflag:s14], $0x800  }
0x34: {  	[sflag:s14] =	ssyncset.done $0x0  }
0x35: {  	[sflag:s14] =	ssyncadd.s32 $0xFFFFF800  }
0x36: {  	_ =	swait.ge [sflag:s14], $0x800  }
0x37: {  	[sflag:s14] =	ssyncset.done $0x0  }
0x38: {  	[sflag:s14] =	ssyncadd.s32 $0xFFFFF800  }
0x39: {  	_ =	swait.ge [sflag:s14], $0x800  }
0x3a: {  	[sflag:s14] =	ssyncset.done $0x0  }
0x3b: {  	[sflag:s14] =	ssyncadd.s32 $0xFFFFF800  }
0x3c: {  	_ =	swait.ge [sflag:s14], $0x800  }
0x3d: {  	[sflag:s14] =	ssyncset.done $0x0  }
0x3e: {  	[sflag:s14] =	ssyncadd.s32 $0xFFFFF800  }
0x3f: {  	_ =	swait.ge [sflag:s14], $0x800  }
0x40: {  	s18 =	simm.s32 $0x2000;
	s16 =	simm.s32 $0x1000;
	[sflag:s14] =	ssyncset.done $0x0  }
.LBB2_2:
0x41: {  	s19 =	sshra.s32 s16, $0x2  }
0x42: {  	[sflag:s14] =	ssyncadd.s32 $0xFFFFF800;
	s16 =	smov.u32 s18;
	s17 =	sadd.s32 $0x1000, s18  }
0x43: {  	[spmem:s2] =	stream.indirect.scatter.add.f32 [tilespmem:s12], [sflag:$0x1], $0x10, s19, s13, $0xb8;
	[tilespmem:$0x5780] =	vst v63  }
0x44: {  	p0 =	sne.s32 s18, $0x9000;
	s18 =	sadd.s32 $0x80, s19  }
0x45: {  	[spmem:s2] =	stream.indirect.scatter.add.f32 [tilespmem:s12], [sflag:$0x1], $0x10, s18, s13, $0xb8;
	[tilespmem:$0x5780] =	vst v63  }
0x46: {  	s18 =	sadd.s32 $0x100, s19  }
0x47: {  	[spmem:s2] =	stream.indirect.scatter.add.f32 [tilespmem:s12], [sflag:$0x1], $0x10, s18, s13, $0xb8;
	[tilespmem:$0x5780] =	vst v63  }
0x48: {  	s18 =	sadd.s32 $0x180, s19  }
0x49: {  	[spmem:s2] =	stream.indirect.scatter.add.f32 [tilespmem:s12], [sflag:$0x1], $0x10, s18, s13, $0xb8;
	[tilespmem:$0x5780] =	vst v63  }
0x4a: {  	s18 =	sadd.s32 $0x200, s19  }
0x4b: {  	[spmem:s2] =	stream.indirect.scatter.add.f32 [tilespmem:s12], [sflag:$0x1], $0x10, s18, s13, $0xb8;
	[tilespmem:$0x5780] =	vst v63  }
0x4c: {  	s18 =	sadd.s32 $0x280, s19  }
0x4d: {  	[spmem:s2] =	stream.indirect.scatter.add.f32 [tilespmem:s12], [sflag:$0x1], $0x10, s18, s13, $0xb8;
	[tilespmem:$0x5780] =	vst v63  }
0x4e: {  	s18 =	sadd.s32 $0x300, s19  }
0x4f: {  	[spmem:s2] =	stream.indirect.scatter.add.f32 [tilespmem:s12], [sflag:$0x1], $0x10, s18, s13, $0xb8;
	[tilespmem:$0x5780] =	vst v63  }
0x50: {  	s18 =	sadd.s32 $0x380, s19  }
0x51: {  	[spmem:s2] =	stream.indirect.scatter.add.f32 [tilespmem:s12], [sflag:$0x1], $0x10, s18, s13, $0xb8;
	[tilespmem:$0x5780] =	vst v63  }
0x52: {  	_ =	swait.ge [sflag:s14], $0x800  }
0x53: {  	[sflag:s14] =	ssyncset.done $0x0  }
0x54: {  	[sflag:s14] =	ssyncadd.s32 $0xFFFFF800  }
0x55: {  	_ =	swait.ge [sflag:s14], $0x800  }
0x56: {  	[sflag:s14] =	ssyncset.done $0x0  }
0x57: {  	[sflag:s14] =	ssyncadd.s32 $0xFFFFF800  }
0x58: {  	_ =	swait.ge [sflag:s14], $0x800  }
0x59: {  	[sflag:s14] =	ssyncset.done $0x0  }
0x5a: {  	[sflag:s14] =	ssyncadd.s32 $0xFFFFF800  }
0x5b: {  	_ =	swait.ge [sflag:s14], $0x800  }
0x5c: {  	[sflag:s14] =	ssyncset.done $0x0  }
0x5d: {  	[sflag:s14] =	ssyncadd.s32 $0xFFFFF800  }
0x5e: {  	_ =	swait.ge [sflag:s14], $0x800  }
0x5f: {  	[sflag:s14] =	ssyncset.done $0x0  }
0x60: {  	[sflag:s14] =	ssyncadd.s32 $0xFFFFF800  }
0x61: {  	_ =	swait.ge [sflag:s14], $0x800  }
0x62: {  	[sflag:s14] =	ssyncset.done $0x0  }
0x63: {  	[sflag:s14] =	ssyncadd.s32 $0xFFFFF800  }
.Ltmp0:
0x64: {  	_ =	swait.ge [sflag:s14], $0x800;
	(pc) =	sbr.rel @p0 .LBB2_2-.Ltmp0, $4  }
0x65: {  	[sflag:s14] =	ssyncset.done $0x0  }
0x66: {  	[sflag:s14] =	ssyncadd.s32 $0xFFFFF800  }
0x67: {  	_ =	swait.ge [sflag:s14], $0x800  }
0x68: {  	s18 =	smov.u32 s17;
	[sflag:s14] =	ssyncset.done $0x0  }
0x69: {  	s16 =	sshra.s32 s16, $0x2;
	[sflag:s14] =	ssyncadd.s32 $0xFFFFF800  }
0x6a: {  	[spmem:s2] =	stream.indirect.scatter.add.f32 [tilespmem:s12], [sflag:$0x1], $0x10, s16, s13, $0xb8;
	[tilespmem:$0x5780] =	vst v63  }
0x6b: {  	s17 =	sadd.s32 $0x80, s16  }
0x6c: {  	[spmem:s2] =	stream.indirect.scatter.add.f32 [tilespmem:s12], [sflag:$0x1], $0x10, s17, s13, $0xb8;
	[tilespmem:$0x5780] =	vst v63  }
0x6d: {  	s26 =	sadd.s32 $0x100, s16  }
0x6e: {  	[spmem:s2] =	stream.indirect.scatter.add.f32 [tilespmem:s12], [sflag:$0x1], $0x10, s26, s13, $0xb8;
	[tilespmem:$0x5780] =	vst v63  }
0x6f: {  	s28 =	sadd.s32 $0x180, s16  }
0x70: {  	[spmem:s2] =	stream.indirect.scatter.add.f32 [tilespmem:s12], [sflag:$0x1], $0x10, s28, s13, $0xb8;
	[tilespmem:$0x5780] =	vst v63  }
0x71: {  	s29 =	sadd.s32 $0x200, s16  }
0x72: {  	[spmem:s2] =	stream.indirect.scatter.add.f32 [tilespmem:s12], [sflag:$0x1], $0x10, s29, s13, $0xb8;
	[tilespmem:$0x5780] =	vst v63  }
0x73: {  	s30 =	sadd.s32 $0x280, s16  }
0x74: {  	[spmem:s2] =	stream.indirect.scatter.add.f32 [tilespmem:s12], [sflag:$0x1], $0x10, s30, s13, $0xb8;
	[tilespmem:$0x5780] =	vst v63  }
0x75: {  	s31 =	sadd.s32 $0x300, s16  }
0x76: {  	[spmem:s2] =	stream.indirect.scatter.add.f32 [tilespmem:s12], [sflag:$0x1], $0x10, s31, s13, $0xb8;
	[tilespmem:$0x5780] =	vst v63  }
0x77: {  	s16 =	sadd.s32 $0x380, s16  }
0x78: {  	[spmem:s2] =	stream.indirect.scatter.add.f32 [tilespmem:s12], [sflag:$0x1], $0x10, s16, s13, $0xb8;
	[tilespmem:$0x5780] =	vst v63  }
0x79: {  	_ =	swait.ge [sflag:s14], $0x800  }
0x7a: {  	[sflag:s14] =	ssyncset.done $0x0  }
0x7b: {  	[sflag:s14] =	ssyncadd.s32 $0xFFFFF800  }
0x7c: {  	_ =	swait.ge [sflag:s14], $0x800  }
0x7d: {  	[sflag:s14] =	ssyncset.done $0x0  }
0x7e: {  	[sflag:s14] =	ssyncadd.s32 $0xFFFFF800  }
0x7f: {  	_ =	swait.ge [sflag:s14], $0x800  }
0x80: {  	[sflag:s14] =	ssyncset.done $0x0  }
0x81: {  	[sflag:s14] =	ssyncadd.s32 $0xFFFFF800  }
0x82: {  	_ =	swait.ge [sflag:s14], $0x800  }
0x83: {  	[sflag:s14] =	ssyncset.done $0x0  }
0x84: {  	[sflag:s14] =	ssyncadd.s32 $0xFFFFF800  }
0x85: {  	_ =	swait.ge [sflag:s14], $0x800  }
0x86: {  	[sflag:s14] =	ssyncset.done $0x0  }
0x87: {  	[sflag:s14] =	ssyncadd.s32 $0xFFFFF800  }
0x88: {  	_ =	swait.ge [sflag:s14], $0x800  }
0x89: {  	[sflag:s14] =	ssyncset.done $0x0  }
0x8a: {  	[sflag:s14] =	ssyncadd.s32 $0xFFFFF800  }
0x8b: {  	_ =	swait.ge [sflag:s14], $0x800  }
0x8c: {  	[sflag:s14] =	ssyncset.done $0x0  }
0x8d: {  	[sflag:s14] =	ssyncadd.s32 $0xFFFFF800  }
0x8e: {  	_ =	swait.ge [sflag:s14], $0x800  }
0x8f: {  	s15 =	sadd.s32 $0x1, s15;
	[sflag:s14] =	ssyncset.done $0x0  }
0x90: {  	p0 =	sne.s32 s15, s9;
	[sflag:s14] =	ssyncadd.s32 $0xFFFFF800  }
.Ltmp1:
0x91: {  	[bflag:$0x0] =	sbarrier.arrive $0xFFFF;
	(pc) =	sbr.rel @p0 .LBB2_1-.Ltmp1, $4  }
0x92: {  	[hbm:s8], [sflag:s6] =	dma.local [spmem:s10], $0x4F0  }
0x93: {  	_ =	swait.ge [sflag:s11], $0x4F0  }
0x94: {  	[sflag:s11] =	ssyncset.done $0x0  }
0x95: {  	[sflag:s11] =	ssyncadd.s32 $0xFFFFFB10  }
0x96: {  	_ =	sfence.sel $0x180000  }
0x97: {  	[bflag:$0x0] =	sbarrier.arrive $0xFFFF  }
0x98: {  	p0 =	sne.s32 s0, $0x0;
	_ =	strace $0x90000047  }
0x99: {  	s0 =	sadd.s32 @!p0 $0x100000, s1;
	[bflag:$0x2] =	sbarrier.arrive $0xFFFF  }
0x9a: {  	[sflag:s0] =	ssyncadd.tile.s32 @!p0 $0x1;
	_ =	shalt  }
.Lfunc_end2:
_tile_overlayer_lowered:
.L_overlay_start_2:
0x9b: {  	(tag) =	ssettag $0x2  }
0x9c: {  	s0 =	rddreg [dreg:$0x0];
	s2 =	stileid.u32  }
0x9d: {  	s1 =	rddreg [dreg:$0x1];
	p0 =	sne.s32 s2, $0x0  }
0x9e: {  	s3 =	rddreg [dreg:$0x2];
	[bflag:$0x3] =	sbarrier.arrive $0xFFFF;
	s2 =	simm.s32 @!p0 $0x1C02  }
0x9f: {  	[timem:s3], [sflag:s2] =	dma.local @!p0 [hbm:s0], s1  }
0xa0: {  	s0 =	simm.s32 @!p0 $0x2  }
0xa1: {  	_ =	swait.ge @!p0 [sflag:s0], s1  }
0xa2: {  	s1 =	ssub.s32 @!p0 $0x0, s1;
	[sflag:s0] =	ssyncset.done @!p0 $0x0  }
0xa3: {  	[sflag:s0] =	ssyncadd.s32 @!p0 s1  }
0xa4: {  	[bflag:$0x3] =	sbarrier.arrive $0xFFFF  }
0xa5: {  	_ =	shalt  }

// kernel: kernel.9.cloned.1.call-start
scs
__scs_entry_jumppad:
0x0: {  	(pc) =	sbr.rel $0x88, $3  }
0x1: {  	(tag) =	ssettag $0x0;
	lr =	simm.s32 $0x1  }
0x2: {  	[smem:$0x3F9D] =	sst lr;
	_ =	strace $0xD0000000  }
0x3: {  	_ = 	snop  }
0x4: {  	_ = 	snop  }
0x5: {  	_ = 	snop  }
0x6: {  	_ = 	snop  }
0x7: {  	_ = 	snop  }
__scs_overlays_trampoline_lowered:
0x8: {  	[smem:$0x3FAC] =	sst s0  }
0x9: {  	[smem:$0x3FAD] =	sst s1  }
0xa: {  	[smem:$0x3FAE] =	sst s2  }
0xb: {  	[smem:$0x3FAF] =	sst s3  }
0xc: {  	[smem:$0x3FB0] =	sst s4  }
0xd: {  	[smem:$0x3FB1] =	sst s5  }
0xe: {  	[smem:$0x3FB2] =	sst s6  }
0xf: {  	[smem:$0x3FB3] =	sst s7  }
0x10: {  	[smem:$0x3FB4] =	sst s8  }
0x11: {  	[smem:$0x3FB5] =	sst s9;
	s0 =	simm.s32 @!p0 $0x0  }
0x12: {  	s1 =	sld [smem:$0x3F9B];
	s0 =	simm.s32 @p0 $0x1  }
0x13: {  	[smem:$0x3FB6] =	sst s0;
	s0 =	simm.s32 @!p1 $0x0  }
0x14: {  	s2 =	sld [smem:$0x3F9A];
	s0 =	simm.s32 @p1 $0x1  }
0x15: {  	[smem:$0x3FB7] =	sst s0;
	s0 =	simm.s32 @!p2 $0x0  }
0x16: {  	s3 =	sld [smem:$0x3FDB];
	s0 =	simm.s32 @p2 $0x1  }
0x17: {  	s4 =	simm.s32 $0x1BF5;
	[smem:$0x3FB9] =	sst s0  }
0x18: {  	s0 =	sld [smem:$0x3F9C];
	_ =	swait.ge [sflag:s4], $0x0  }
0x19: {  	s7 =	sld [smem:$0x3F9D]  }
0x1a: {  	s8 =	sadd.s32 $0xFFFFE003, lr  }
0x1b: {  	s9 =	sadd.s32 $0xFFFFFEF7, lr;
	s5 =	simm.s32 $0xFFFFFFFF;
	p2 =	slt.u32 s8, $0xFFFFF086  }
0x1c: {  	p1 =	slt.u32 s9, $0xF7A;
	s5 =	simm.s32 @!p2 $0x0  }
0x1d: {  	s5 =	simm.s32 @p1 $0x1;
	p0 =	seq.s32 s7, s2  }
0x1e: {  	s7 =	smul.u32 @!p0 $0xF7A, s2;
	p2 =	seq.s32 @!p0 s5, $0x0  }
0x1f: {  	s9 =	smul.u32 $0xF7A, s1;
	s8 =	simm.s32 @!p0 $0x1BF5;
	p2 =	por !p2, p0  }
0x20: {  	[sflag:s8] =	ssyncset.s32 @!p0 $0xFFFFF086;
	s6 =	sadd.s32 @!p0 s3, s7;
	s7 =	simm.s32 @!p0 $0x108  }
0x21: {  	s3 =	sadd.s32 s3, s9;
	s6 =	sadd.s32 @!p0 $0x88, s6;
	s7 =	simm.s32 @p2 $0x1082  }
0x22: {  	[simem:s7], [sflag:s8] =	dma.local @!p0 [hbm:s6], $0xF7A  }
0x23: {  	s9 =	sor.u32 $0xD0000000, s2;
	s6 =	simm.s32 $0x108;
	_ =	swait.ge @!p0 [sflag:s8], $0x0  }
0x24: {  	s3 =	sadd.s32 $0x88, s3;
	s6 =	simm.s32 @!p1 $0x1082;
	[sflag:s4] =	ssyncset.s32 $0xFFFFF086  }
0x25: {  	[simem:s6], [sflag:s4] =	dma.local [hbm:s3], $0xF7A  }
0x26: {  	[smem:$0x3F9D] =	sst s1;
	(tag) =	ssettag s2;
	_ =	strace s9  }
0x27: {  	s1 =	sld [smem:$0x3FAD]  }
0x28: {  	s2 =	sld [smem:$0x3FAE]  }
0x29: {  	s4 =	sld [smem:$0x3FB0]  }
0x2a: {  	p0 =	seq.s32 s5, $0x0;
	s5 =	sld [smem:$0x3FB1]  }
0x2b: {  	s6 =	sld [smem:$0x3FB2]  }
0x2c: {  	s7 =	sld [smem:$0x3FB3]  }
0x2d: {  	s3 =	simm.s32 $0x108;
	s8 =	sld [smem:$0x3FB4]  }
0x2e: {  	s3 =	simm.s32 @!p0 $0x1082;
	s9 =	sld [smem:$0x3FB5]  }
0x2f: {  	lr =	sadd.s32 s0, s3;
	s0 =	sld [smem:$0x3FAC]  }
0x30: {  	s3 =	sld [smem:$0x3FAF]  }
0x31: {  	[smem:$0x3FB8] =	sst s10  }
0x32: {  	s10 =	sld [smem:$0x3FB6];
	_ =	sdelay $0x3  }
0x33: {  	p0 =	seq.s32 s10, $0x1;
	s10 =	sld [smem:$0x3FB8];
	_ =	sdelay $0x3  }
0x34: {  	[smem:$0x3FB8] =	sst s10  }
0x35: {  	s10 =	sld [smem:$0x3FB7];
	_ =	sdelay $0x3  }
0x36: {  	p1 =	seq.s32 s10, $0x1;
	s10 =	sld [smem:$0x3FB8];
	_ =	sdelay $0x3  }
0x37: {  	[smem:$0x3FB8] =	sst s10  }
0x38: {  	s10 =	sld [smem:$0x3FB9]  }
0x39: {  	_ = 	snop;
	(pc) =	sbr.ind lr, $3  }
0x3a: {  	_ = 	snop  }
0x3b: {  	_ = 	snop  }
0x3c: {  	p2 =	seq.s32 s10, $0x1;
	s10 =	sld [smem:$0x3FB8]  }
0x3d: {  	_ =	shalt  }
0x3e: {  	_ =	shalt  }
0x3f: {  	_ =	shalt  }
0x40: {  	_ =	shalt  }
0x41: {  	_ =	shalt  }
0x42: {  	_ =	shalt  }
0x43: {  	_ =	shalt  }
0x44: {  	_ =	shalt  }
0x45: {  	_ =	shalt  }
0x46: {  	_ =	shalt  }
0x47: {  	_ =	shalt  }
0x48: {  	_ =	shalt  }
0x49: {  	_ =	shalt  }
0x4a: {  	_ =	shalt  }
0x4b: {  	_ =	shalt  }
0x4c: {  	_ =	shalt  }
0x4d: {  	_ =	shalt  }
0x4e: {  	_ =	shalt  }
0x4f: {  	_ =	shalt  }
0x50: {  	_ =	shalt  }
0x51: {  	_ =	shalt  }
0x52: {  	_ =	shalt  }
0x53: {  	_ =	shalt  }
0x54: {  	_ =	shalt  }
0x55: {  	_ =	shalt  }
0x56: {  	_ =	shalt  }
0x57: {  	_ =	shalt  }
0x58: {  	_ =	shalt  }
0x59: {  	_ =	shalt  }
0x5a: {  	_ =	shalt  }
0x5b: {  	_ =	shalt  }
0x5c: {  	_ =	shalt  }
0x5d: {  	_ =	shalt  }
0x5e: {  	_ =	shalt  }
0x5f: {  	_ =	shalt  }
0x60: {  	_ =	shalt  }
0x61: {  	_ =	shalt  }
0x62: {  	_ =	shalt  }
0x63: {  	_ =	shalt  }
0x64: {  	_ =	shalt  }
0x65: {  	_ =	shalt  }
0x66: {  	_ =	shalt  }
0x67: {  	_ =	shalt  }
0x68: {  	_ =	shalt  }
0x69: {  	_ =	shalt  }
0x6a: {  	_ =	shalt  }
0x6b: {  	_ =	shalt  }
0x6c: {  	_ =	shalt  }
0x6d: {  	_ =	shalt  }
0x6e: {  	_ =	shalt  }
0x6f: {  	_ =	shalt  }
0x70: {  	_ =	shalt  }
0x71: {  	_ =	shalt  }
0x72: {  	_ =	shalt  }
0x73: {  	_ =	shalt  }
0x74: {  	_ =	shalt  }
0x75: {  	_ =	shalt  }
0x76: {  	_ =	shalt  }
0x77: {  	_ =	shalt  }
0x78: {  	_ =	shalt  }
0x79: {  	_ =	shalt  }
0x7a: {  	_ =	shalt  }
0x7b: {  	_ =	shalt  }
0x7c: {  	_ =	shalt  }
0x7d: {  	_ =	shalt  }
0x7e: {  	_ =	shalt  }
0x7f: {  	_ =	shalt  }
0x80: {  	_ =	shalt  }
0x81: {  	_ =	shalt  }
0x82: {  	_ =	shalt  }
0x83: {  	_ =	shalt  }
0x84: {  	_ =	shalt  }
0x85: {  	_ =	shalt  }
0x86: {  	_ =	shalt  }
0x87: {  	_ =	shalt  }
.Lfunc_end0:
.L_simem_size_0:
called_computation.1_lowered:
.L_overlay_start_0:
0x88: {  	s2 =	sld [smem:$0x3FD9]  }
0x89: {  	s3 =	sld [smem:$0x3FFE];
	_ =	sdelay $0x1  }
0x8a: {  	s1 =	srdreg.scid  }
0x8b: {  	s0 =	sand.u32 $0x1, s1  }
0x8c: {  	s17 =	sshll.u32 s0, $0xA;
	s2 =	sadd.s32 s3, s2  }
0x8d: {  	s2 =	sadd.s32 s2, s17  }
0x8e: {  	[smem:$0x3FC4] =	sst s2  }
0x8f: {  	_ = 	snop  }
0x90: {  	s2 =	sld [smem:$0x3FD0];
	(tm) =	ssettm $0x1  }
0x91: {  	s18 =	sld [smem:$0x3FFB];
	_ =	sdelay $0x3  }
0x92: {  	_ =	strace s18  }
0x93: {  	s3 =	sld [smem:$0x3FFC];
	_ =	sdelay $0x3  }
0x94: {  	_ =	strace s3  }
0x95: {  	s3 =	sld [smem:$0x3FFD];
	_ =	sdelay $0x3  }
0x96: {  	_ =	strace s3  }
0x97: {  	_ =	strace $0x8FFFFFFF  }
0x98: {  	s19 =	sld [smem:$0x3FDB];
	_ =	sdelay $0x1  }
0x99: {  	s4 =	simm.s32 $_scs_section_size  }
0x9a: {  	s5 =	simm.s32 $_size__tile_overlayer_lowered;
	s6 =	simm.s32 $_tile_overlayer_lowered  }
0x9b: {  	s22 =	simm.s32 $0x1BFF;
	s21 =	sshll.u32 s6, $0x1;
	s3 =	sadd.s32 s4, s19  }
0x9c: {  	s7 =	simm.s32 $0x0;
	s20 =	sshll.u32 s5, $0x1;
	s5 =	sadd.s32 s21, s3  }
0x9d: {  	[timem:s7], [sflag:s22] =	dma.local [hbm:s5], s20  }
0x9e: {  	_ =	swait.ge [sflag:s22], s20  }
0x9f: {  	s4 =	ssub.s32 $0x0, s20;
	[sflag:s22] =	ssyncset.done $0x0  }
0xa0: {  	[sflag:s22] =	ssyncadd.s32 s4;
	_ =	sdelay $0x1  }
0xa1: {  	s23 =	simm.s32 $0x1B8B  }
0xa2: {  	_ =	swait.ge [sflag:s23], $0x1  }
0xa3: {  	[sflag:s23] =	ssyncset.done $0x0  }
0xa4: {  	s25 =	simm.s32 $0x1B8E;
	s24 =	sld [smem:$0x3FFE];
	[sflag:s23] =	ssyncadd.s32 $0xFFFFFFFF  }
0xa5: {  	s26 =	simm.s32 $execute0_lowered;
	[smem:$0x3FD2] =	sst s25  }
0xa6: {  	s5 =	sshll.u32 s26, $0x1;
	_ =	strace $0x80000049;
	[dreg:$0x1] =	wrdreg $0xFFFFFFFF  }
0xa7: {  	s28 =	simm.s32 $_size_execute0_lowered;
	s3 =	sadd.s32 s3, s5;
	[dreg:$0x0] =	wrdreg $0x0  }
0xa8: {  	s5 =	sshll.u32 s28, $0x1;
	[dreg:$0x2] =	wrdreg s3  }
0xa9: {  	[dreg:$0x3] =	wrdreg s5  }
0xaa: {  	[dreg:$0x4] =	wrdreg $0xC0  }
0xab: {  	_ =	task [dreg:s7], $0x5FFFF  }
0xac: {  	[dreg:$0x1] =	wrdreg $0xFFFFFFFF  }
0xad: {  	[dreg:$0x0] =	wrdreg $0x60  }
0xae: {  	[dreg:$0x2] =	wrdreg s24  }
0xaf: {  	[dreg:$0x3] =	wrdreg s2  }
0xb0: {  	[dreg:$0x4] =	wrdreg $0x122000  }
0xb1: {  	[dreg:$0x5] =	wrdreg $0x84000  }
0xb2: {  	[dreg:$0x6] =	wrdreg $0x9  }
0xb3: {  	_ =	task.clear_ibuf [dreg:s7], $0x7FFFF;
	_ =	strace $0x90000049  }
0xb4: {  	s29 =	simm.s32 $0x9;
	_ =	strace $0x8000004B  }
0xb5: {  	_ =	swait.ge [sflag:s29], $0x1  }
0xb6: {  	[sflag:s29] =	ssyncadd.s32 $0xFFFFFFFF  }
0xb7: {  	_ =	strace $0x9000004B  }
0xb8: {  	_ =	sfence  }
0xb9: {  	s30 =	sld [smem:$0x0];
	_ =	sdelay $0x2  }
0xba: {  	s31 =	sshll.u32 s1, $0xD;
	s1 =	sshrl.u32 s1, $0x2  }
0xbb: {  	s3 =	sand.u32 $0x4000, s31;
	s1 =	sadd.s32 s1, s30  }
0xbc: {  	s0 =	sor.u32 s3, s0;
	s1 =	sshll.u32 s1, $0x11  }
0xbd: {  	s0 =	sor.u32 s1, s0  }
0xbe: {  	s0 =	sadd.s32 $0x8F2B, s0  }
0xbf: {  	[sflag:s0] =	ssyncadd.remote.s32 $0x1  }
0xc0: {  	_ =	sfence.sel $0xFFFF  }
0xc1: {  	[dreg:$0x0] =	wrdreg $0xFFFFFFFF;
	(pc) =	sbr.abs _section_cstart, $3  }
0xc2: {  	[dreg:$0x1] =	wrdreg $0xFFFFFFFF  }
0xc3: {  	_ =	task.clear_ibuf [dreg:s7], $0x2FFFF;
	_ =	strace $0x9FFFFFFF  }
0xc4: {  	(tm) =	ssettm $0x7FFFFFFF  }
0xc5: {  	_ =	shalt  }
tec
execute0_lowered:
.L_overlay_start_1:
0x0: {  	(tag) =	ssettag $0x1  }
0x1: {  	s0 =	rddreg [dreg:$0x0]  }
0x2: {  	s1 =	rddreg [dreg:$0x1]  }
0x3: {  	s2 =	rddreg [dreg:$0x2];
	s4 =	srdreg.scid  }
0x4: {  	s13 =	stileid.u32;
	s3 =	rddreg [dreg:$0x3]  }
0x5: {  	s29 =	simm.s32 $0xD;
	s31 =	simm.s32 $0x80;
	s6 =	smul.u32 $0x9E00, s13  }
0x6: {  	s5 =	sand.u32 $0x1, s4;
	s4 =	simm.s32 $0x0;
	s11 =	smul.u32 $0xA00, s13  }
0x7: {  	s8 =	sadd.s32 $0x10400, s0;
	s9 =	sadd.s32 $0x1200, s0;
	s12 =	smul.u32 $0x5000, s13  }
0x8: {  	s7 =	smul.u32 $0x9E000, s5;
	[smem:$0x7FF] =	sst s4;
	s5 =	ssub.s32 $0x2, s5  }
0x9: {  	s10 =	sshrl.u32 s5, $0x1;
	s20 =	sshrl.u32 s6, $0x3;
	s21 =	sor.u32 $0x10, s11  }
0xa: {  	s28 =	sadd.s32 s9, s11;
	s23 =	sor.u32 $0x20, s11;
	s26 =	sor.u32 $0x30, s11  }
0xb: {  	s30 =	sor.u32 $0x40, s11;
	s17 =	sor.u32 $0x50, s11;
	s1 =	sadd.s32 s1, s20  }
0xc: {  	s18 =	sshrl.u32 s12, $0x3;
	s22 =	sadd.s32 s8, s21;
	[dreg:$0x5] =	wrdreg s1  }
0xd: {  	s12 =	simm.s32 $0x6;
	s24 =	sadd.s32 s8, s23;
	[dreg:$0x6] =	wrdreg s22  }
0xe: {  	s7 =	sadd.s32 s6, s7;
	s25 =	sadd.s32 s9, s23;
	[dreg:$0x8] =	wrdreg s24  }
0xf: {  	s5 =	ssub.s32 s5, s10;
	s14 =	sadd.s32 s8, s26;
	[dreg:$0x9] =	wrdreg s25  }
0x10: {  	s15 =	sadd.s32 s8, s30;
	s16 =	sadd.s32 s9, s30;
	[dreg:$0xa] =	wrdreg s14  }
0x11: {  	s19 =	sadd.s32 $0x9E0, s18;
	s23 =	sadd.s32 s6, s2;
	[dreg:$0xc] =	wrdreg s15  }
0x12: {  	s7 =	sshrl.u32 s7, $0x3;
	s1 =	sadd.s32 s9, s21;
	[dreg:$0xd] =	wrdreg s16  }
0x13: {  	s20 =	sadd.s32 s8, s19;
	s21 =	sadd.s32 $0x9F0, s18;
	s22 =	sshll.u32 s13, $0x6  }
0x14: {  	s24 =	sadd.s32 s6, s3;
	s14 =	simm.s32 $0x180;
	s15 =	simm.s32 $0x380  }
0x15: {  	s16 =	simm.s32 $0x3;
	s18 =	simm.s32 $0x4400;
	[dreg:$0x7] =	wrdreg s1  }
0x16: {  	s0 =	sadd.s32 s7, s0;
	s1 =	sadd.s32 s9, s26;
	[dreg:$0x10] =	wrdreg s20  }
0x17: {  	s7 =	sadd.s32 s8, s11;
	s11 =	sadd.s32 s8, s17;
	[dreg:$0xb] =	wrdreg s1  }
0x18: {  	s8 =	sadd.s32 s8, s21;
	s22 =	sor.u32 $0x1C0D, s22;
	[dreg:$0xe] =	wrdreg s11  }
0x19: {  	s26 =	smax.u32 s5, $0x1;
	s1 =	sadd.s32 s9, s17;
	[dreg:$0x12] =	wrdreg s8  }
0x1a: {  	s30 =	sshrl.u32 s24, $0x3;
	[dreg:$0xf] =	wrdreg s1;
	s1 =	sadd.s32 s9, s19  }
0x1b: {  	s5 =	simm.s32 $0x5;
	[dreg:$0x11] =	wrdreg s1;
	s1 =	sadd.s32 s9, s21  }
0x1c: {  	s20 =	simm.s32 $0x4;
	s24 =	simm.s32 $0xA;
	[dreg:$0x13] =	wrdreg s1  }
0x1d: {  	s25 =	sadd.s32 $0x69400, s0;
	_ =	strace $0x8000004A;
	[dreg:$0x15] =	wrdreg s23  }
0x1e: {  	s0 =	sadd.s32 $0x90C00, s0;
	s11 =	simm.s32 $0x2;
	[dreg:$0x16] =	wrdreg s25  }
0x1f: {  	s17 =	simm.s32 $0x7;
	s8 =	simm.s32 $0x0;
	[dreg:$0x17] =	wrdreg s0  }
0x20: {  	s19 =	simm.s32 $0x9;
	s21 =	simm.s32 $0x8;
	[dreg:$0x18] =	wrdreg s26  }
0x21: {  	[dreg:$0x19] =	wrdreg s30;
	s0 =	simm.s32 $0x1;
	s23 =	simm.s32 $0x6400  }
0x22: {  	s25 =	simm.s32 $0xB;
	s26 =	simm.s32 $0xC;
	[dreg:$0x14] =	wrdreg s22  }
.LBB2_1:
0x23: {  	[dreg:$0x1a] =	wrdreg s8  }
0x24: {  	s1 =	rddreg [dreg:$0x15]  }
0x25: {  	s6 =	rddreg [dreg:$0x5];
	s1 =	sshrl.u32 s1, $0x3  }
0x26: {  	[dreg:$0x1b] =	wrdreg s1  }
0x27: {  	[spmem:s1], [sflag:s22] =	dma.local [hbm:s6], $0x13C0  }
0x28: {  	_ =	swait.ge [sflag:s29], $0x13C0  }
0x29: {  	[sflag:s29] =	ssyncset.done $0x0;
	s13 =	rddreg [dreg:$0x16]  }
0x2a: {  	s30 =	rddreg [dreg:$0x19];
	[sflag:s29] =	ssyncadd.s32 $0xFFFFEC40  }
0x2b: {  	[spmem:s30], [sflag:s22] =	dma.local [hbm:s13], $0x13C0  }
0x2c: {  	_ =	swait.ge [sflag:s29], $0x13C0  }
0x2d: {  	[sflag:s29] =	ssyncset.done $0x0  }
0x2e: {  	[sflag:s29] =	ssyncadd.s32 $0xFFFFEC40  }
0x2f: {  	[bflag:$0x0] =	sbarrier.arrive $0xFFFF  }
0x30: {  	[tilespmem:s4], [sflag:$0x1] =	stream.linear.gather [hbm4b:s7+s4], $0x80, $0x38;
	[tilespmem:$0x1C000] =	vst v63  }
0x31: {  	s30 =	simm.s32 $0x200  }
0x32: {  	[tilespmem:s30], [sflag:$0x5] =	stream.linear.gather [hbm4b:s28+s4], $0x80, $0x38;
	[tilespmem:$0x1C000] =	vst v63  }
0x33: {  	s8 =	rddreg [dreg:$0x6]  }
0x34: {  	[tilespmem:s31], [sflag:$0x2] =	stream.linear.gather [hbm4b:s8+s4], $0x80, $0x38;
	[tilespmem:$0x1C000] =	vst v63  }
0x35: {  	s9 =	rddreg [dreg:$0x7];
	s8 =	simm.s32 $0x280  }
0x36: {  	[tilespmem:s8], [sflag:$0x6] =	stream.linear.gather [hbm4b:s9+s4], $0x80, $0x38;
	[tilespmem:$0x1C000] =	vst v63  }
0x37: {  	_ =	swait.ge [sflag:s0], $0x80  }
0x38: {  	[sflag:s0] =	ssyncset.done $0x0  }
0x39: {  	[sflag:s0] =	ssyncadd.s32 $0xFFFFFF80  }
0x3a: {  	_ =	swait.ge [sflag:s5], $0x80  }
0x3b: {  	[sflag:s5] =	ssyncset.done $0x0  }
0x3c: {  	s6 =	simm.s32 $0x400;
	[sflag:s5] =	ssyncadd.s32 $0xFFFFFF80  }
0x3d: {  	[tilespmem:s6], [sflag:$0xD] =	stream.indirect.gather [spmem:s3], $0x40, s4, s31, $0xb8;
	[tilespmem:$0x1C000] =	vst v63  }
0x3e: {  	_ =	swait.ge [sflag:s29], $0x2000  }
0x3f: {  	[sflag:s29] =	ssyncset.done $0x0  }
0x40: {  	[sflag:s29] =	ssyncadd.s32 $0xFFFFE000  }
0x41: {  	[spmem:s2] =	stream.indirect.scatter.add.f32 [tilespmem:s6], [sflag:$0x9], $0x40, s30, s31, $0xb8;
	[tilespmem:$0x1C000] =	vst v63  }
0x42: {  	s9 =	simm.s32 $0x100;
	s10 =	rddreg [dreg:$0x8]  }
0x43: {  	[tilespmem:s9], [sflag:$0x3] =	stream.linear.gather [hbm4b:s10+s4], $0x80, $0x38;
	[tilespmem:$0x1C000] =	vst v63  }
0x44: {  	s13 =	rddreg [dreg:$0x9];
	s10 =	simm.s32 $0x300  }
0x45: {  	[tilespmem:s10], [sflag:$0x7] =	stream.linear.gather [hbm4b:s13+s4], $0x80, $0x38;
	[tilespmem:$0x1C000] =	vst v63  }
0x46: {  	_ =	swait.ge [sflag:s11], $0x80  }
0x47: {  	[sflag:s11] =	ssyncset.done $0x0  }
0x48: {  	[sflag:s11] =	ssyncadd.s32 $0xFFFFFF80  }
0x49: {  	_ =	swait.ge [sflag:s12], $0x80  }
0x4a: {  	[sflag:s12] =	ssyncset.done $0x0  }
0x4b: {  	s13 =	simm.s32 $0x2400;
	[sflag:s12] =	ssyncadd.s32 $0xFFFFFF80  }
0x4c: {  	[tilespmem:s13], [sflag:$0xD] =	stream.indirect.gather [spmem:s3], $0x40, s31, s31, $0xb8;
	[tilespmem:$0x1C000] =	vst v63  }
0x4d: {  	_ =	swait.ge [sflag:s29], $0x2000  }
0x4e: {  	[sflag:s29] =	ssyncset.done $0x0  }
0x4f: {  	[sflag:s29] =	ssyncadd.s32 $0xFFFFE000  }
0x50: {  	[spmem:s2] =	stream.indirect.scatter.add.f32 [tilespmem:s13], [sflag:$0xA], $0x40, s8, s31, $0xb8;
	[tilespmem:$0x1C000] =	vst v63  }
0x51: {  	s22 =	rddreg [dreg:$0xa]  }
0x52: {  	[tilespmem:s14], [sflag:$0x4] =	stream.linear.gather [hbm4b:s22+s4], $0x80, $0x38;
	[tilespmem:$0x1C000] =	vst v63  }
0x53: {  	s22 =	rddreg [dreg:$0xb]  }
0x54: {  	[tilespmem:s15], [sflag:$0x8] =	stream.linear.gather [hbm4b:s22+s4], $0x80, $0x38;
	[tilespmem:$0x1C000] =	vst v63  }
0x55: {  	_ =	swait.ge [sflag:s16], $0x80  }
0x56: {  	[sflag:s16] =	ssyncset.done $0x0  }
0x57: {  	[sflag:s16] =	ssyncadd.s32 $0xFFFFFF80  }
0x58: {  	_ =	swait.ge [sflag:s17], $0x80  }
0x59: {  	[sflag:s17] =	ssyncset.done $0x0  }
0x5a: {  	[sflag:s17] =	ssyncadd.s32 $0xFFFFFF80  }
0x5b: {  	[tilespmem:s18], [sflag:$0xD] =	stream.indirect.gather [spmem:s3], $0x40, s9, s31, $0xb8;
	[tilespmem:$0x1C000] =	vst v63  }
0x5c: {  	_ =	swait.ge [sflag:s29], $0x2000  }
0x5d: {  	[sflag:s29] =	ssyncset.done $0x0  }
0x5e: {  	[sflag:s29] =	ssyncadd.s32 $0xFFFFE000  }
0x5f: {  	[spmem:s2] =	stream.indirect.scatter.add.f32 [tilespmem:s18], [sflag:$0xB], $0x40, s10, s31, $0xb8;
	[tilespmem:$0x1C000] =	vst v63  }
0x60: {  	_ =	swait.ge [sflag:s19], $0x2000  }
0x61: {  	[sflag:s19] =	ssyncset.done $0x0  }
0x62: {  	s22 =	rddreg [dreg:$0xc];
	[sflag:s19] =	ssyncadd.s32 $0xFFFFE000  }
0x63: {  	[tilespmem:s4], [sflag:$0x1] =	stream.linear.gather [hbm4b:s22+s4], $0x80, $0x38;
	[tilespmem:$0x1C000] =	vst v63  }
0x64: {  	s22 =	rddreg [dreg:$0xd]  }
0x65: {  	[tilespmem:s30], [sflag:$0x5] =	stream.linear.gather [hbm4b:s22+s4], $0x80, $0x38;
	[tilespmem:$0x1C000] =	vst v63  }
0x66: {  	_ =	swait.ge [sflag:s20], $0x80  }
0x67: {  	[sflag:s20] =	ssyncset.done $0x0  }
0x68: {  	[sflag:s20] =	ssyncadd.s32 $0xFFFFFF80  }
0x69: {  	_ =	swait.ge [sflag:s21], $0x80  }
0x6a: {  	[sflag:s21] =	ssyncset.done $0x0  }
0x6b: {  	[sflag:s21] =	ssyncadd.s32 $0xFFFFFF80  }
0x6c: {  	[tilespmem:s23], [sflag:$0xD] =	stream.indirect.gather [spmem:s3], $0x40, s14, s31, $0xb8;
	[tilespmem:$0x1C000] =	vst v63  }
0x6d: {  	_ =	swait.ge [sflag:s29], $0x2000  }
0x6e: {  	[sflag:s29] =	ssyncset.done $0x0  }
0x6f: {  	[sflag:s29] =	ssyncadd.s32 $0xFFFFE000  }
0x70: {  	[spmem:s2] =	stream.indirect.scatter.add.f32 [tilespmem:s23], [sflag:$0xC], $0x40, s15, s31, $0xb8;
	[tilespmem:$0x1C000] =	vst v63  }
0x71: {  	_ =	swait.ge [sflag:s24], $0x2000  }
0x72: {  	[sflag:s24] =	ssyncset.done $0x0  }
0x73: {  	s22 =	rddreg [dreg:$0xe];
	[sflag:s24] =	ssyncadd.s32 $0xFFFFE000  }
0x74: {  	[tilespmem:s31], [sflag:$0x2] =	stream.linear.gather [hbm4b:s22+s4], $0x80, $0x38;
	[tilespmem:$0x1C000] =	vst v63  }
0x75: {  	s22 =	rddreg [dreg:$0xf]  }
0x76: {  	[tilespmem:s8], [sflag:$0x6] =	stream.linear.gather [hbm4b:s22+s4], $0x80, $0x38;
	[tilespmem:$0x1C000] =	vst v63  }
0x77: {  	_ =	swait.ge [sflag:s0], $0x80  }
0x78: {  	[sflag:s0] =	ssyncset.done $0x0  }
0x79: {  	[sflag:s0] =	ssyncadd.s32 $0xFFFFFF80  }
0x7a: {  	_ =	swait.ge [sflag:s5], $0x80  }
0x7b: {  	[sflag:s5] =	ssyncset.done $0x0  }
0x7c: {  	[sflag:s5] =	ssyncadd.s32 $0xFFFFFF80  }
0x7d: {  	[tilespmem:s6], [sflag:$0xD] =	stream.indirect.gather [spmem:s3], $0x40, s4, s31, $0xb8;
	[tilespmem:$0x1C000] =	vst v63  }
0x7e: {  	_ =	swait.ge [sflag:s29], $0x2000  }
0x7f: {  	[sflag:s29] =	ssyncset.done $0x0  }
0x80: {  	[sflag:s29] =	ssyncadd.s32 $0xFFFFE000  }
0x81: {  	[spmem:s2] =	stream.indirect.scatter.add.f32 [tilespmem:s6], [sflag:$0x9], $0x40, s30, s31, $0xb8;
	[tilespmem:$0x1C000] =	vst v63  }
0x82: {  	_ =	swait.ge [sflag:s25], $0x2000  }
0x83: {  	s1 =	smov.u32 s28;
	s6 =	sadd.s32 $0x0, s7;
	[sflag:s25] =	ssyncset.done $0x0  }
0x84: {  	s28 =	sadd.s32 $0x0, s28;
	s22 =	sadd.s32 $0x60, s6;
	[sflag:s25] =	ssyncadd.s32 $0xFFFFE000  }
0x85: {  	[tilespmem:s9], [sflag:$0x3] =	stream.linear.gather [hbm4b:s22+s4], $0x80, $0x38;
	[tilespmem:$0x1C000] =	vst v63  }
0x86: {  	s22 =	sadd.s32 $0x60, s28  }
0x87: {  	[tilespmem:s10], [sflag:$0x7] =	stream.linear.gather [hbm4b:s22+s4], $0x80, $0x38;
	[tilespmem:$0x1C000] =	vst v63  }
0x88: {  	_ =	swait.ge [sflag:s11], $0x80  }
0x89: {  	[sflag:s11] =	ssyncset.done $0x0  }
0x8a: {  	[sflag:s11] =	ssyncadd.s32 $0xFFFFFF80  }
0x8b: {  	_ =	swait.ge [sflag:s12], $0x80  }
0x8c: {  	[sflag:s12] =	ssyncset.done $0x0  }
0x8d: {  	[sflag:s12] =	ssyncadd.s32 $0xFFFFFF80  }
0x8e: {  	[tilespmem:s13], [sflag:$0xD] =	stream.indirect.gather [spmem:s3], $0x40, s31, s31, $0xb8;
	[tilespmem:$0x1C000] =	vst v63  }
0x8f: {  	_ =	swait.ge [sflag:s29], $0x2000  }
0x90: {  	[sflag:s29] =	ssyncset.done $0x0  }
0x91: {  	[sflag:s29] =	ssyncadd.s32 $0xFFFFE000  }
0x92: {  	[spmem:s2] =	stream.indirect.scatter.add.f32 [tilespmem:s13], [sflag:$0xA], $0x40, s8, s31, $0xb8;
	[tilespmem:$0x1C000] =	vst v63  }
0x93: {  	_ =	swait.ge [sflag:s26], $0x2000  }
0x94: {  	[sflag:s26] =	ssyncset.done $0x0  }
0x95: {  	s13 =	sadd.s32 $0x70, s6;
	[sflag:s26] =	ssyncadd.s32 $0xFFFFE000  }
0x96: {  	[tilespmem:s14], [sflag:$0x4] =	stream.linear.gather [hbm4b:s13+s4], $0x80, $0x38;
	[tilespmem:$0x1C000] =	vst v63  }
0x97: {  	s8 =	sadd.s32 $0x70, s28  }
0x98: {  	[tilespmem:s15], [sflag:$0x8] =	stream.linear.gather [hbm4b:s8+s4], $0x80, $0x38;
	[tilespmem:$0x1C000] =	vst v63  }
0x99: {  	_ =	swait.ge [sflag:s16], $0x80  }
0x9a: {  	[sflag:s16] =	ssyncset.done $0x0  }
0x9b: {  	[sflag:s16] =	ssyncadd.s32 $0xFFFFFF80  }
0x9c: {  	_ =	swait.ge [sflag:s17], $0x80  }
0x9d: {  	[sflag:s17] =	ssyncset.done $0x0  }
0x9e: {  	[sflag:s17] =	ssyncadd.s32 $0xFFFFFF80  }
0x9f: {  	[tilespmem:s18], [sflag:$0xD] =	stream.indirect.gather [spmem:s3], $0x40, s9, s31, $0xb8;
	[tilespmem:$0x1C000] =	vst v63  }
0xa0: {  	_ =	swait.ge [sflag:s29], $0x2000  }
0xa1: {  	[sflag:s29] =	ssyncset.done $0x0  }
0xa2: {  	[sflag:s29] =	ssyncadd.s32 $0xFFFFE000  }
0xa3: {  	[spmem:s2] =	stream.indirect.scatter.add.f32 [tilespmem:s18], [sflag:$0xB], $0x40, s10, s31, $0xb8;
	[tilespmem:$0x1C000] =	vst v63  }
0xa4: {  	_ =	swait.ge [sflag:s19], $0x2000  }
0xa5: {  	[sflag:s19] =	ssyncset.done $0x0  }
0xa6: {  	s10 =	sadd.s32 $0x80, s6;
	[sflag:s19] =	ssyncadd.s32 $0xFFFFE000  }
0xa7: {  	[tilespmem:s4], [sflag:$0x1] =	stream.linear.gather [hbm4b:s10+s4], $0x80, $0x38;
	[tilespmem:$0x1C000] =	vst v63  }
0xa8: {  	s13 =	sadd.s32 $0x80, s28  }
0xa9: {  	[tilespmem:s30], [sflag:$0x5] =	stream.linear.gather [hbm4b:s13+s4], $0x80, $0x38;
	[tilespmem:$0x1C000] =	vst v63  }
0xaa: {  	_ =	swait.ge [sflag:s20], $0x80  }
0xab: {  	[sflag:s20] =	ssyncset.done $0x0  }
0xac: {  	[sflag:s20] =	ssyncadd.s32 $0xFFFFFF80  }
0xad: {  	_ =	swait.ge [sflag:s21], $0x80  }
0xae: {  	[sflag:s21] =	ssyncset.done $0x0  }
0xaf: {  	[sflag:s21] =	ssyncadd.s32 $0xFFFFFF80  }
0xb0: {  	[tilespmem:s23], [sflag:$0xD] =	stream.indirect.gather [spmem:s3], $0x40, s14, s31, $0xb8;
	[tilespmem:$0x1C000] =	vst v63  }
0xb1: {  	_ =	swait.ge [sflag:s29], $0x2000  }
0xb2: {  	[sflag:s29] =	ssyncset.done $0x0  }
0xb3: {  	[sflag:s29] =	ssyncadd.s32 $0xFFFFE000  }
0xb4: {  	[spmem:s2] =	stream.indirect.scatter.add.f32 [tilespmem:s23], [sflag:$0xC], $0x40, s15, s31, $0xb8;
	[tilespmem:$0x1C000] =	vst v63  }
0xb5: {  	_ =	swait.ge [sflag:s24], $0x2000  }
0xb6: {  	[sflag:s24] =	ssyncset.done $0x0  }
0xb7: {  	s6 =	sadd.s32 $0x90, s6;
	[sflag:s24] =	ssyncadd.s32 $0xFFFFE000  }
0xb8: {  	[tilespmem:s31], [sflag:$0x2] =	stream.linear.gather [hbm4b:s6+s4], $0x80, $0x38;
	[tilespmem:$0x1C000] =	vst v63  }
0xb9: {  	s22 =	simm.s32 $0x40;
	s6 =	sadd.s32 $0x90, s28  }
.LBB2_2:
0xba: {  	s9 =	simm.s32 $0x280  }
0xbb: {  	[tilespmem:s9], [sflag:$0x6] =	stream.linear.gather [hbm4b:s6+s4], $0x80, $0x38;
	[tilespmem:$0x1C000] =	vst v63  }
0xbc: {  	s6 =	smov.u32 s22  }
0xbd: {  	p0 =	sne.s32 s22, $0x940;
	s22 =	sadd.s32 $0x40, s22;
	_ =	swait.ge [sflag:s0], $0x80  }
0xbe: {  	[sflag:s0] =	ssyncset.done $0x0  }
0xbf: {  	[sflag:s0] =	ssyncadd.s32 $0xFFFFFF80  }
0xc0: {  	_ =	swait.ge [sflag:s5], $0x80  }
0xc1: {  	[sflag:s5] =	ssyncset.done $0x0  }
0xc2: {  	s28 =	simm.s32 $0x400;
	[sflag:s5] =	ssyncadd.s32 $0xFFFFFF80  }
0xc3: {  	[tilespmem:s28], [sflag:$0xD] =	stream.indirect.gather [spmem:s3], $0x40, s4, s31, $0xb8;
	[tilespmem:$0x1C000] =	vst v63  }
0xc4: {  	_ =	swait.ge [sflag:s29], $0x2000  }
0xc5: {  	[sflag:s29] =	ssyncset.done $0x0  }
0xc6: {  	s8 =	simm.s32 $0x200;
	[sflag:s29] =	ssyncadd.s32 $0xFFFFE000  }
0xc7: {  	[spmem:s2] =	stream.indirect.scatter.add.f32 [tilespmem:s28], [sflag:$0x9], $0x40, s8, s31, $0xb8;
	[tilespmem:$0x1C000] =	vst v63  }
0xc8: {  	s30 =	smov.u32 s7;
	_ =	swait.ge [sflag:s25], $0x2000  }
0xc9: {  	s10 =	simm.s32 $0x100;
	s28 =	sadd.s32 s6, s7;
	[sflag:s25] =	ssyncset.done $0x0  }
0xca: {  	s6 =	sadd.s32 s6, s1;
	s7 =	sadd.s32 $0x60, s28;
	[sflag:s25] =	ssyncadd.s32 $0xFFFFE000  }
0xcb: {  	[tilespmem:s10], [sflag:$0x3] =	stream.linear.gather [hbm4b:s7+s4], $0x80, $0x38;
	[tilespmem:$0x1C000] =	vst v63  }
0xcc: {  	s13 =	simm.s32 $0x300;
	s7 =	sadd.s32 $0x60, s6  }
0xcd: {  	[tilespmem:s13], [sflag:$0x7] =	stream.linear.gather [hbm4b:s7+s4], $0x80, $0x38;
	[tilespmem:$0x1C000] =	vst v63  }
0xce: {  	_ =	swait.ge [sflag:s11], $0x80  }
0xcf: {  	[sflag:s11] =	ssyncset.done $0x0  }
0xd0: {  	[sflag:s11] =	ssyncadd.s32 $0xFFFFFF80  }
0xd1: {  	_ =	swait.ge [sflag:s12], $0x80  }
0xd2: {  	[sflag:s12] =	ssyncset.done $0x0  }
0xd3: {  	s7 =	simm.s32 $0x2400;
	[sflag:s12] =	ssyncadd.s32 $0xFFFFFF80  }
0xd4: {  	[tilespmem:s7], [sflag:$0xD] =	stream.indirect.gather [spmem:s3], $0x40, s31, s31, $0xb8;
	[tilespmem:$0x1C000] =	vst v63  }
0xd5: {  	_ =	swait.ge [sflag:s29], $0x2000  }
0xd6: {  	[sflag:s29] =	ssyncset.done $0x0  }
0xd7: {  	[sflag:s29] =	ssyncadd.s32 $0xFFFFE000  }
0xd8: {  	[spmem:s2] =	stream.indirect.scatter.add.f32 [tilespmem:s7], [sflag:$0xA], $0x40, s9, s31, $0xb8;
	[tilespmem:$0x1C000] =	vst v63  }
0xd9: {  	_ =	swait.ge [sflag:s26], $0x2000  }
0xda: {  	[sflag:s26] =	ssyncset.done $0x0  }
0xdb: {  	s7 =	sadd.s32 $0x70, s28;
	[sflag:s26] =	ssyncadd.s32 $0xFFFFE000  }
0xdc: {  	[tilespmem:s14], [sflag:$0x4] =	stream.linear.gather [hbm4b:s7+s4], $0x80, $0x38;
	[tilespmem:$0x1C000] =	vst v63  }
0xdd: {  	s7 =	sadd.s32 $0x70, s6  }
0xde: {  	[tilespmem:s15], [sflag:$0x8] =	stream.linear.gather [hbm4b:s7+s4], $0x80, $0x38;
	[tilespmem:$0x1C000] =	vst v63  }
0xdf: {  	_ =	swait.ge [sflag:s16], $0x80  }
0xe0: {  	[sflag:s16] =	ssyncset.done $0x0  }
0xe1: {  	[sflag:s16] =	ssyncadd.s32 $0xFFFFFF80  }
0xe2: {  	_ =	swait.ge [sflag:s17], $0x80  }
0xe3: {  	[sflag:s17] =	ssyncset.done $0x0  }
0xe4: {  	[sflag:s17] =	ssyncadd.s32 $0xFFFFFF80  }
0xe5: {  	[tilespmem:s18], [sflag:$0xD] =	stream.indirect.gather [spmem:s3], $0x40, s10, s31, $0xb8;
	[tilespmem:$0x1C000] =	vst v63  }
0xe6: {  	_ =	swait.ge [sflag:s29], $0x2000  }
0xe7: {  	[sflag:s29] =	ssyncset.done $0x0  }
0xe8: {  	[sflag:s29] =	ssyncadd.s32 $0xFFFFE000  }
0xe9: {  	[spmem:s2] =	stream.indirect.scatter.add.f32 [tilespmem:s18], [sflag:$0xB], $0x40, s13, s31, $0xb8;
	[tilespmem:$0x1C000] =	vst v63  }
0xea: {  	_ =	swait.ge [sflag:s19], $0x2000  }
0xeb: {  	[sflag:s19] =	ssyncset.done $0x0  }
0xec: {  	s7 =	sadd.s32 $0x80, s28;
	[sflag:s19] =	ssyncadd.s32 $0xFFFFE000  }
0xed: {  	[tilespmem:s4], [sflag:$0x1] =	stream.linear.gather [hbm4b:s7+s4], $0x80, $0x38;
	[tilespmem:$0x1C000] =	vst v63  }
0xee: {  	s9 =	simm.s32 $0x200;
	s7 =	sadd.s32 $0x80, s6  }
0xef: {  	[tilespmem:s8], [sflag:$0x5] =	stream.linear.gather [hbm4b:s7+s4], $0x80, $0x38;
	[tilespmem:$0x1C000] =	vst v63  }
0xf0: {  	_ =	swait.ge [sflag:s20], $0x80  }
0xf1: {  	[sflag:s20] =	ssyncset.done $0x0  }
0xf2: {  	[sflag:s20] =	ssyncadd.s32 $0xFFFFFF80  }
0xf3: {  	_ =	swait.ge [sflag:s21], $0x80  }
0xf4: {  	[sflag:s21] =	ssyncset.done $0x0  }
0xf5: {  	[sflag:s21] =	ssyncadd.s32 $0xFFFFFF80  }
0xf6: {  	[tilespmem:s23], [sflag:$0xD] =	stream.indirect.gather [spmem:s3], $0x40, s14, s31, $0xb8;
	[tilespmem:$0x1C000] =	vst v63  }
0xf7: {  	_ =	swait.ge [sflag:s29], $0x2000  }
0xf8: {  	[sflag:s29] =	ssyncset.done $0x0  }
0xf9: {  	[sflag:s29] =	ssyncadd.s32 $0xFFFFE000  }
0xfa: {  	[spmem:s2] =	stream.indirect.scatter.add.f32 [tilespmem:s23], [sflag:$0xC], $0x40, s15, s31, $0xb8;
	[tilespmem:$0x1C000] =	vst v63  }
0xfb: {  	_ =	swait.ge [sflag:s24], $0x2000  }
.Ltmp0:
0xfc: {  	[sflag:s24] =	ssyncset.done $0x0;
	(pc) =	sbr.rel @p0 .LBB2_2-.Ltmp0, $4  }
0xfd: {  	s7 =	sadd.s32 $0x90, s28;
	[sflag:s24] =	ssyncadd.s32 $0xFFFFE000  }
0xfe: {  	[tilespmem:s31], [sflag:$0x2] =	stream.linear.gather [hbm4b:s7+s4], $0x80, $0x38;
	[tilespmem:$0x1C000] =	vst v63  }
0xff: {  	s7 =	smov.u32 s30  }
0x100: {  	s6 =	sadd.s32 $0x90, s6  }
0x101: {  	s8 =	simm.s32 $0x280  }
0x102: {  	[tilespmem:s8], [sflag:$0x6] =	stream.linear.gather [hbm4b:s6+s4], $0x80, $0x38;
	[tilespmem:$0x1C000] =	vst v63  }
0x103: {  	_ =	swait.ge [sflag:s0], $0x80  }
0x104: {  	[sflag:s0] =	ssyncset.done $0x0  }
0x105: {  	[sflag:s0] =	ssyncadd.s32 $0xFFFFFF80  }
0x106: {  	_ =	swait.ge [sflag:s5], $0x80  }
0x107: {  	[sflag:s5] =	ssyncset.done $0x0  }
0x108: {  	s30 =	simm.s32 $0x400;
	[sflag:s5] =	ssyncadd.s32 $0xFFFFFF80  }
0x109: {  	[tilespmem:s30], [sflag:$0xD] =	stream.indirect.gather [spmem:s3], $0x40, s4, s31, $0xb8;
	[tilespmem:$0x1C000] =	vst v63  }
0x10a: {  	_ =	swait.ge [sflag:s29], $0x2000  }
0x10b: {  	[sflag:s29] =	ssyncset.done $0x0  }
0x10c: {  	[sflag:s29] =	ssyncadd.s32 $0xFFFFE000  }
0x10d: {  	[spmem:s2] =	stream.indirect.scatter.add.f32 [tilespmem:s30], [sflag:$0x9], $0x40, s9, s31, $0xb8;
	[tilespmem:$0x1C000] =	vst v63  }
0x10e: {  	_ =	swait.ge [sflag:s25], $0x2000  }
0x10f: {  	[sflag:s25] =	ssyncset.done $0x0  }
0x110: {  	s9 =	simm.s32 $0x100;
	s10 =	rddreg [dreg:$0x10];
	[sflag:s25] =	ssyncadd.s32 $0xFFFFE000  }
0x111: {  	[tilespmem:s9], [sflag:$0x3] =	stream.linear.gather [hbm4b:s10+s4], $0x80, $0x38;
	[tilespmem:$0x1C000] =	vst v63  }
0x112: {  	s13 =	rddreg [dreg:$0x11];
	s10 =	simm.s32 $0x300  }
0x113: {  	[tilespmem:s10], [sflag:$0x7] =	stream.linear.gather [hbm4b:s13+s4], $0x80, $0x38;
	[tilespmem:$0x1C000] =	vst v63  }
0x114: {  	_ =	swait.ge [sflag:s11], $0x80  }
0x115: {  	[sflag:s11] =	ssyncset.done $0x0  }
0x116: {  	[sflag:s11] =	ssyncadd.s32 $0xFFFFFF80  }
0x117: {  	_ =	swait.ge [sflag:s12], $0x80  }
0x118: {  	[sflag:s12] =	ssyncset.done $0x0  }
0x119: {  	s22 =	simm.s32 $0x2400;
	[sflag:s12] =	ssyncadd.s32 $0xFFFFFF80  }
0x11a: {  	[tilespmem:s22], [sflag:$0xD] =	stream.indirect.gather [spmem:s3], $0x40, s31, s31, $0xb8;
	[tilespmem:$0x1C000] =	vst v63  }
0x11b: {  	_ =	swait.ge [sflag:s29], $0x2000  }
0x11c: {  	[sflag:s29] =	ssyncset.done $0x0  }
0x11d: {  	[sflag:s29] =	ssyncadd.s32 $0xFFFFE000  }
0x11e: {  	[spmem:s2] =	stream.indirect.scatter.add.f32 [tilespmem:s22], [sflag:$0xA], $0x40, s8, s31, $0xb8;
	[tilespmem:$0x1C000] =	vst v63  }
0x11f: {  	_ =	swait.ge [sflag:s26], $0x2000  }
0x120: {  	[sflag:s26] =	ssyncset.done $0x0  }
0x121: {  	s30 =	rddreg [dreg:$0x12];
	[sflag:s26] =	ssyncadd.s32 $0xFFFFE000  }
0x122: {  	[tilespmem:s14], [sflag:$0x4] =	stream.linear.gather [hbm4b:s30+s4], $0x80, $0x38;
	[tilespmem:$0x1C000] =	vst v63  }
0x123: {  	s8 =	rddreg [dreg:$0x13]  }
0x124: {  	[tilespmem:s15], [sflag:$0x8] =	stream.linear.gather [hbm4b:s8+s4], $0x80, $0x38;
	[tilespmem:$0x1C000] =	vst v63  }
0x125: {  	_ =	swait.ge [sflag:s16], $0x80  }
0x126: {  	[sflag:s16] =	ssyncset.done $0x0  }
0x127: {  	[sflag:s16] =	ssyncadd.s32 $0xFFFFFF80  }
0x128: {  	_ =	swait.ge [sflag:s17], $0x80  }
0x129: {  	[sflag:s17] =	ssyncset.done $0x0  }
0x12a: {  	[sflag:s17] =	ssyncadd.s32 $0xFFFFFF80  }
0x12b: {  	[tilespmem:s18], [sflag:$0xD] =	stream.indirect.gather [spmem:s3], $0x40, s9, s31, $0xb8;
	[tilespmem:$0x1C000] =	vst v63  }
0x12c: {  	_ =	swait.ge [sflag:s29], $0x2000  }
0x12d: {  	[sflag:s29] =	ssyncset.done $0x0  }
0x12e: {  	[sflag:s29] =	ssyncadd.s32 $0xFFFFE000  }
0x12f: {  	[spmem:s2] =	stream.indirect.scatter.add.f32 [tilespmem:s18], [sflag:$0xB], $0x40, s10, s31, $0xb8;
	[tilespmem:$0x1C000] =	vst v63  }
0x130: {  	_ =	swait.ge [sflag:s19], $0x2000  }
0x131: {  	[sflag:s19] =	ssyncset.done $0x0  }
0x132: {  	[sflag:s19] =	ssyncadd.s32 $0xFFFFE000  }
0x133: {  	_ =	swait.ge [sflag:s20], $0x80  }
0x134: {  	[sflag:s20] =	ssyncset.done $0x0  }
0x135: {  	[sflag:s20] =	ssyncadd.s32 $0xFFFFFF80  }
0x136: {  	_ =	swait.ge [sflag:s21], $0x80  }
0x137: {  	[sflag:s21] =	ssyncset.done $0x0  }
0x138: {  	[sflag:s21] =	ssyncadd.s32 $0xFFFFFF80  }
0x139: {  	[tilespmem:s23], [sflag:$0xD] =	stream.indirect.gather [spmem:s3], $0x40, s14, s31, $0xb8;
	[tilespmem:$0x1C000] =	vst v63  }
0x13a: {  	_ =	swait.ge [sflag:s29], $0x2000  }
0x13b: {  	[sflag:s29] =	ssyncset.done $0x0  }
0x13c: {  	[sflag:s29] =	ssyncadd.s32 $0xFFFFE000  }
0x13d: {  	[spmem:s2] =	stream.indirect.scatter.add.f32 [tilespmem:s23], [sflag:$0xC], $0x40, s15, s31, $0xb8;
	[tilespmem:$0x1C000] =	vst v63  }
0x13e: {  	_ =	swait.ge [sflag:s24], $0x2000  }
0x13f: {  	[sflag:s24] =	ssyncset.done $0x0  }
0x140: {  	[sflag:s24] =	ssyncadd.s32 $0xFFFFE000  }
0x141: {  	_ =	swait.ge [sflag:s25], $0x2000  }
0x142: {  	[sflag:s25] =	ssyncset.done $0x0  }
0x143: {  	[sflag:s25] =	ssyncadd.s32 $0xFFFFE000  }
0x144: {  	_ =	swait.ge [sflag:s26], $0x2000  }
0x145: {  	[sflag:s26] =	ssyncset.done $0x0  }
0x146: {  	[sflag:s26] =	ssyncadd.s32 $0xFFFFE000  }
0x147: {  	[bflag:$0x0] =	sbarrier.arrive $0xFFFF  }
0x148: {  	s22 =	rddreg [dreg:$0x14]  }
0x149: {  	s9 =	rddreg [dreg:$0x17]  }
0x14a: {  	s10 =	rddreg [dreg:$0x1b]  }
0x14b: {  	[hbm:s9], [sflag:s22] =	dma.local [spmem:s10], $0x13C0  }
0x14c: {  	_ =	swait.ge [sflag:s29], $0x13C0  }
0x14d: {  	s13 =	rddreg [dreg:$0x1a]  }
0x14e: {  	s30 =	rddreg [dreg:$0x18];
	s8 =	sadd.s32 $0x1, s13  }
0x14f: {  	p0 =	sne.s32 s8, s30  }
.Ltmp1:
0x150: {  	_ = 	snop;
	(pc) =	sbr.rel @p0 .LBB2_1-.Ltmp1, $3  }
0x151: {  	_ =	sdelay $0x1  }
0x152: {  	[sflag:s29] =	ssyncset.done $0x0  }
0x153: {  	s28 =	smov.u32 s1;
	[sflag:s29] =	ssyncadd.s32 $0xFFFFEC40  }
0x154: {  	_ =	sfence.sel $0x180000  }
0x155: {  	[bflag:$0x0] =	sbarrier.arrive $0xFFFF  }
0x156: {  	_ =	strace $0x9000004A  }
0x157: {  	s0 =	stileid.u32;
	[bflag:$0x2] =	sbarrier.arrive $0xFFFF  }
0x158: {  	p0 =	sne.s32 s0, $0x0;
	s0 =	rddreg [dreg:$0x4]  }
0x159: {  	s0 =	sadd.s32 @!p0 $0x100000, s0  }
0x15a: {  	[sflag:s0] =	ssyncadd.tile.s32 @!p0 $0x1;
	_ =	shalt  }
.Lfunc_end2:
_tile_overlayer_lowered:
.L_overlay_start_2:
0x15b: {  	(tag) =	ssettag $0x2  }
0x15c: {  	s0 =	rddreg [dreg:$0x0];
	s2 =	stileid.u32  }
0x15d: {  	s1 =	rddreg [dreg:$0x1];
	p0 =	sne.s32 s2, $0x0  }
0x15e: {  	s3 =	rddreg [dreg:$0x2];
	[bflag:$0x3] =	sbarrier.arrive $0xFFFF;
	s2 =	simm.s32 @!p0 $0x1C0D  }
0x15f: {  	[timem:s3], [sflag:s2] =	dma.local @!p0 [hbm:s0], s1  }
0x160: {  	s0 =	simm.s32 @!p0 $0xD  }
0x161: {  	_ =	swait.ge @!p0 [sflag:s0], s1  }
0x162: {  	s1 =	ssub.s32 @!p0 $0x0, s1;
	[sflag:s0] =	ssyncset.done @!p0 $0x0  }
0x163: {  	[sflag:s0] =	ssyncadd.s32 @!p0 s1  }
0x164: {  	[bflag:$0x3] =	sbarrier.arrive $0xFFFF  }
0x165: {  	_ =	shalt  }

</sc_bundles>
